<compile_context>
chip_gen: v7x
topology: tpu7x:2x2x1
jax: 0.10.2.dev20260603
libtpu: 0.0.44.dev20260713+nightly
codegen_flags: <defaults>
</compile_context>

<pallas_src>
import math
import jax
import jax.numpy as jnp
from jax import lax
from jax.experimental import pallas as pl
from jax.experimental.pallas import tpu as pltpu
from jax.experimental.pallas import tpu_sc as plsc

B, N, K, H = 8, 256, 30, 128
EIN = 128
OUT = 400
NUM_LAYERS = 3
E = N * K
NT = 4
ET = E // NT
NPT = N // NT

_NC, _NS = 2, 16
_NW = _NC * _NS
_ROWS_PER_W = (B * E) // _NW
_CHUNK = 128
_NCHUNK = _ROWS_PER_W // _CHUNK


def _ln(x, g, b, eps=1e-5):
    mu = jnp.mean(x, axis=-1, keepdims=True)
    var = jnp.mean((x - mu) ** 2, axis=-1, keepdims=True)
    return (x - mu) / jnp.sqrt(var + eps) * g + b


def _dot(a, b):
    return jnp.dot(a, b, preferred_element_type=jnp.float32)


def _full(shape):
    return pl.BlockSpec(shape, lambda *_: (0,) * len(shape))


def _batched(shape):
    return pl.BlockSpec((1,) + shape, lambda b, *_: (b,) + (0,) * len(shape))


def _tiled(shape):
    return pl.BlockSpec((1,) + shape, lambda b, t: (b, t) + (0,) * (len(shape) - 1))


def _feat_kernel(ca_ref, cat_ref, xb_ref, mcol_ref, mrow_ref, vembed_ref,
                 wvf_ref, bvf_ref, lnvg_ref, lnvb_ref, wv_ref, bv_ref,
                 eidx_ref, dnb_ref, gidx_ref, hv0_ref):
    b = pl.program_id(0)
    ca = ca_ref[0]
    cat = cat_ref[0]
    mcol = mcol_ref[0]
    mrow = mrow_ref[0]

    d2 = jnp.zeros((N, N), jnp.float32)
    for c in range(3):
        diff = ca[:, c:c + 1] - cat[c:c + 1, :]
        d2 = d2 + diff * diff
    dist = jnp.sqrt(d2 + 1e-6)
    mask2 = mcol * mrow
    work = dist + (1.0 - mask2) * 1e6

    lane = lax.broadcasted_iota(jnp.int32, (N, N), 1)
    idx_cols = []
    val_cols = []
    for _ in range(K):
        m = jnp.min(work, axis=1, keepdims=True)
        hit = work == m
        idx = jnp.min(jnp.where(hit, lane, N), axis=1, keepdims=True)
        idx_cols.append(idx)
        val_cols.append(m)
        work = jnp.where(lane == idx, 1e30, work)
    eidx = jnp.concatenate(idx_cols, axis=1)
    dnb = jnp.concatenate(val_cols, axis=1)
    eidx_ref[0] = eidx
    dnb_ref[0] = dnb
    gidx_ref[0] = eidx + (b * N + lax.broadcasted_iota(jnp.int32, (N, K), 0)) * N

    xb = xb_ref[0]
    dx = xb[1:, :] - xb[:-1, :]
    nrm = jnp.sqrt(jnp.sum(dx * dx, axis=1, keepdims=True))
    u = dx / (nrm + 1e-7)
    u2 = u[:-2, :]
    u1 = u[1:-1, :]
    u0 = u[2:, :]

    def cross(a, bb):
        return jnp.concatenate([
            a[:, 1:2] * bb[:, 2:3] - a[:, 2:3] * bb[:, 1:2],
            a[:, 2:3] * bb[:, 0:1] - a[:, 0:1] * bb[:, 2:3],
            a[:, 0:1] * bb[:, 1:2] - a[:, 1:2] * bb[:, 0:1],
        ], axis=1)

    def norm3(v):
        nn = jnp.sqrt(jnp.sum(v * v, axis=1, keepdims=True))
        return v / (nn + 1e-7)

    n2 = norm3(cross(u2, u1))
    n1 = norm3(cross(u1, u0))
    cosd = jnp.sum(n2 * n1, axis=1, keepdims=True)
    cosd = jnp.clip(cosd, -1.0 + 1e-7, 1.0 - 1e-7)
    sgn = jnp.sign(jnp.sum(u2 * n1, axis=1, keepdims=True))
    sind = sgn * jnp.sqrt(jnp.maximum(1.0 - cosd * cosd, 0.0))
    cosp = jnp.concatenate(
        [jnp.ones((1, 1), jnp.float32), cosd, jnp.ones((2, 1), jnp.float32)], axis=0)
    sinp = jnp.concatenate(
        [jnp.zeros((1, 1), jnp.float32), sind, jnp.zeros((2, 1), jnp.float32)], axis=0)

    i_row = lax.broadcasted_iota(jnp.int32, (N, 3 * N), 0)
    j_col = lax.broadcasted_iota(jnp.int32, (N, 3 * N), 1)
    cols = []
    for c in range(3):
        sel = jnp.where(j_col == 3 * i_row + c, 1.0, 0.0)
        cols.append(_dot(sel, cosp))
    for c in range(3):
        sel = jnp.where(j_col == 3 * i_row + c, 1.0, 0.0)
        cols.append(_dot(sel, sinp))
    vraw = jnp.concatenate(cols, axis=1)

    v = _ln(_dot(vraw, wvf_ref[...]) + bvf_ref[...], lnvg_ref[...], lnvb_ref[...])
    wv = wv_ref[...]
    hv0_ref[0] = (_dot(v, wv[:H, :]) + _dot(vembed_ref[0], wv[H:, :])
                  + bv_ref[...])


def _run_features(Ca, CaT, Xb, mcol, mrow, V_embed, params):
    out_shapes = (
        jax.ShapeDtypeStruct((B, N, K), jnp.int32),
        jax.ShapeDtypeStruct((B, N, K), jnp.float32),
        jax.ShapeDtypeStruct((B, N, K), jnp.int32),
        jax.ShapeDtypeStruct((B, N, H), jnp.float32),
    )
    return pl.pallas_call(
        _feat_kernel,
        grid=(B,),
        in_specs=[
            _batched((N, 3)), _batched((3, N)), _batched((3 * N, 3)),
            _batched((N, 1)), _batched((1, N)), _batched((N, EIN)),
            _full((6, H)), _full((1, H)), _full((1, H)), _full((1, H)),
            _full((H + EIN, H)), _full((1, H)),
        ],
        out_specs=[_batched((N, K)), _batched((N, K)), _batched((N, K)),
                   _batched((N, H))],
        out_shape=out_shapes,
    )(Ca, CaT, Xb, mcol, mrow, V_embed,
      params['Wvf'], params['bvf'].reshape(1, H),
      params['ln_vf_g'].reshape(1, H), params['ln_vf_b'].reshape(1, H),
      params['Wv'], params['bv'].reshape(1, H))


def _sc_gather_body(table_hbm, idx_hbm, out_hbm, idx_v, buf_v, sem):
    wid = lax.axis_index("s") * _NC + lax.axis_index("c")
    base = wid * _ROWS_PER_W
    table = table_hbm.reshape(B * N * N, EIN)
    pltpu.sync_copy(idx_hbm.at[pl.ds(base, _ROWS_PER_W)], idx_v)
    for j in range(_NCHUNK):
        pltpu.async_copy(
            table.at[idx_v.at[pl.ds(j * _CHUNK, _CHUNK)]], buf_v, sem).wait()
        pltpu.sync_copy(buf_v, out_hbm.at[pl.ds(base + j * _CHUNK, _CHUNK)])


def _run_sc_gather(table_flat, gidx_flat):
    import functools
    mesh = plsc.VectorSubcoreMesh(core_axis_name="c", subcore_axis_name="s")
    k = functools.partial(
        pl.kernel,
        mesh=mesh,
        out_type=jax.ShapeDtypeStruct((B * E, EIN), jnp.float32),
        scratch_types=[
            pltpu.VMEM((_ROWS_PER_W,), jnp.int32),
            pltpu.VMEM((_CHUNK, EIN), jnp.float32),
            pltpu.SemaphoreType.DMA,
        ],
    )(_sc_gather_body)
    return k(table_flat, gidx_flat)


def _edge_feat_kernel(sc_ref, enb_ref, mcol_ref, ccol_ref, mcolt_ref, ccolt_ref,
                      wef_ref, bef_ref, lneg_ref, lneb_ref, we_ref, be_ref,
                      he0_ref, aux_ref):
    t = pl.program_id(1)
    eidx_f = sc_ref[0][:, 0:1]
    dnb = sc_ref[0][:, 1:2]
    mcol = mcol_ref[0]
    ccol = ccol_ref[0]

    lane_n = lax.broadcasted_iota(jnp.int32, (ET, N), 1).astype(jnp.float32)
    oh = jnp.where(lane_n == eidx_f, 1.0, 0.0)
    e_iota = lax.broadcasted_iota(jnp.int32, (ET, NPT), 0)
    i_iota = lax.broadcasted_iota(jnp.int32, (ET, NPT), 1)
    dd = e_iota - K * i_iota
    ohi = jnp.where((dd >= 0) & (dd < K), 1.0, 0.0)

    node0 = t * NPT
    iota_np = lax.broadcasted_iota(jnp.int32, (NPT, 1), 0).astype(jnp.float32)
    row_i = _dot(ohi, iota_np) + lax.convert_element_type(node0, jnp.float32)
    mcol_t = mcolt_ref[0]
    ccol_t = ccolt_ref[0]
    mask_i = _dot(ohi, mcol_t)
    mask_j = _dot(oh, mcol)
    mask_e = mask_i * mask_j
    ci_i = _dot(ohi, ccol_t)
    ci_j = _dot(oh, ccol)
    same = jnp.where(ci_i == ci_j, 1.0, 0.0)
    rel = (eidx_f - row_i) * same

    kf = lax.broadcasted_iota(jnp.int32, (ET, 16), 1).astype(jnp.float32)
    freq = jnp.exp(kf * 2.0 * (-math.log(10000.0) / 32.0))
    ang = rel * freq
    mu = 2.0 + kf * (20.0 / 15.0)
    sigma = (22.0 - 2.0) / 16.0
    rbf = jnp.exp(-(((dnb - mu) / sigma) ** 2))
    wef = wef_ref[...]
    pre = (_dot(jnp.cos(ang), wef[0:16, :]) + _dot(jnp.sin(ang), wef[16:32, :])
           + _dot(rbf, wef[32:48, :]) + same * wef[48:49, :] + bef_ref[...])
    e_emb = _ln(pre, lneg_ref[...], lneb_ref[...])
    we = we_ref[...]
    he0_ref[0] = _dot(e_emb, we[:H, :]) + _dot(enb_ref[0], we[H:, :]) + be_ref[...]

    aux = jnp.concatenate(
        [eidx_f, mask_e, row_i,
         jnp.zeros((ET, 5), jnp.float32)], axis=1)
    aux_ref[0] = aux


def _run_edge_features(scalars, enb, mcol, ccol, params):
    out_shapes = (
        jax.ShapeDtypeStruct((B, E, H), jnp.float32),
        jax.ShapeDtypeStruct((B, E, 8), jnp.float32),
    )
    return pl.pallas_call(
        _edge_feat_kernel,
        grid=(B, NT),
        in_specs=[
            pl.BlockSpec((1, ET, 8), lambda b, t: (b, t, 0)),
            pl.BlockSpec((1, ET, EIN), lambda b, t: (b, t, 0)),
            pl.BlockSpec((1, N, 1), lambda b, t: (b, 0, 0)),
            pl.BlockSpec((1, N, 1), lambda b, t: (b, 0, 0)),
            pl.BlockSpec((1, NPT, 1), lambda b, t: (b, t, 0)),
            pl.BlockSpec((1, NPT, 1), lambda b, t: (b, t, 0)),
            _full((49, H)), _full((1, H)), _full((1, H)), _full((1, H)),
            _full((H + EIN, H)), _full((1, H)),
        ],
        out_specs=[pl.BlockSpec((1, ET, H), lambda b, t: (b, t, 0)),
                   pl.BlockSpec((1, ET, 8), lambda b, t: (b, t, 0))],
        out_shape=out_shapes,
    )(scalars, enb, mcol, ccol, mcol, ccol,
      params['Wef'], params['bef'].reshape(1, H),
      params['ln_ef_g'].reshape(1, H), params['ln_ef_b'].reshape(1, H),
      params['We'], params['be'].reshape(1, H))


def _msg(h_e, hv, hv_t, aux, w1, b1, w2, b2, w3, b3):
    eidx_f = aux[:, 0:1]
    mask_e = aux[:, 1:2]
    lane_n = lax.broadcasted_iota(jnp.int32, (ET, N), 1).astype(jnp.float32)
    oh = jnp.where(lane_n == eidx_f, 1.0, 0.0)
    e_iota = lax.broadcasted_iota(jnp.int32, (ET, NPT), 0)
    i_iota = lax.broadcasted_iota(jnp.int32, (ET, NPT), 1)
    dd = e_iota - K * i_iota
    ohi = jnp.where((dd >= 0) & (dd < K), 1.0, 0.0)

    def gdot(onehot, a):
        ob = onehot.astype(jnp.bfloat16)
        a_hi = a.astype(jnp.bfloat16)
        a_lo = (a - a_hi.astype(jnp.float32)).astype(jnp.bfloat16)
        return (jnp.dot(ob, a_hi, preferred_element_type=jnp.float32)
                + jnp.dot(ob, a_lo, preferred_element_type=jnp.float32))

    a_i = _dot(hv_t, w1[:H, :])
    a_j = _dot(hv, w1[2 * H:, :])
    m = _dot(h_e, w1[H:2 * H, :])
    m = m + gdot(ohi, a_i)
    m = m + gdot(oh, a_j)
    m = jnp.maximum(m + b1, 0.0)
    m = jnp.maximum(_dot(m, w2) + b2, 0.0)
    m = _dot(m, w3) + b3
    return m, mask_e, ohi


def _layer_kernel(he_ref, hv_ref, hvt_ref, aux_ref, mcolt_ref,
                  ew1_ref, eb1_ref, ew2_ref, eb2_ref, ew3_ref, eb3_ref,
                  el1g_ref, el1b_ref, ewf1_ref, ebf1_ref, ewf2_ref, ebf2_ref,
                  el2g_ref, el2b_ref,
                  nw1_ref, nb1_ref, nw2_ref, nb2_ref, nw3_ref, nb3_ref,
                  nl1g_ref, nl1b_ref, nwf1_ref, nbf1_ref, nwf2_ref, nbf2_ref,
                  nl2g_ref, nl2b_ref,
                  heo_ref, hvo_ref):
    h_e = he_ref[0]
    hv = hv_ref[0]
    hv_t = hvt_ref[0]
    aux = aux_ref[0]

    m, mask_e, _ = _msg(h_e, hv, hv_t, aux,
                        ew1_ref[...], eb1_ref[...], ew2_ref[...], eb2_ref[...],
                        ew3_ref[...], eb3_ref[...])
    h_e = _ln(h_e + m, el1g_ref[...], el1b_ref[...])
    ff = _dot(jnp.maximum(_dot(h_e, ewf1_ref[...]) + ebf1_ref[...], 0.0),
              ewf2_ref[...]) + ebf2_ref[...]
    h_e = _ln(h_e + ff, el2g_ref[...], el2b_ref[...]) * mask_e
    heo_ref[0] = h_e

    m, mask_e, ohi = _msg(h_e, hv, hv_t, aux,
                          nw1_ref[...], nb1_ref[...], nw2_ref[...], nb2_ref[...],
                          nw3_ref[...], nb3_ref[...])
    m = m * mask_e
    dh = lax.dot_general(ohi, m, (((0,), (0,)), ((), ())),
                         preferred_element_type=jnp.float32) / float(K)
    hv_t = _ln(hv_t + dh, nl1g_ref[...], nl1b_ref[...])
    ff = _dot(jnp.maximum(_dot(hv_t, nwf1_ref[...]) + nbf1_ref[...], 0.0),
              nwf2_ref[...]) + nbf2_ref[...]
    hvo_ref[0] = _ln(hv_t + ff, nl2g_ref[...], nl2b_ref[...]) * mcolt_ref[0]


def _wspecs():
    return [_full((3 * H, H)), _full((1, H)), _full((H, H)), _full((1, H)),
            _full((H, H)), _full((1, H)), _full((1, H)), _full((1, H)),
            _full((H, 4 * H)), _full((1, 4 * H)), _full((4 * H, H)),
            _full((1, H)), _full((1, H)), _full((1, H))]


def _wargs(p):
    return (p['W1'], p['b1'].reshape(1, H), p['W2'], p['b2'].reshape(1, H),
            p['W3'], p['b3'].reshape(1, H),
            p['ln1_g'].reshape(1, H), p['ln1_b'].reshape(1, H),
            p['Wff1'], p['bff1'].reshape(1, 4 * H),
            p['Wff2'], p['bff2'].reshape(1, H),
            p['ln2_g'].reshape(1, H), p['ln2_b'].reshape(1, H))


def _run_mpnn(aux, he0, mcol, hv0, params):
    he = he0
    hv = hv0
    et_spec = pl.BlockSpec((1, ET, H), lambda b, t: (b, t, 0))
    hv_spec = pl.BlockSpec((1, N, H), lambda b, t: (b, 0, 0))
    hvt_spec = pl.BlockSpec((1, NPT, H), lambda b, t: (b, t, 0))
    aux_spec = pl.BlockSpec((1, ET, 8), lambda b, t: (b, t, 0))
    mcolt_spec = pl.BlockSpec((1, NPT, 1), lambda b, t: (b, t, 0))
    for layer in params['layers']:
        he, hv = pl.pallas_call(
            _layer_kernel,
            grid=(B, NT),
            in_specs=[et_spec, hv_spec, hvt_spec, aux_spec, mcolt_spec]
                     + _wspecs() + _wspecs(),
            out_specs=[et_spec, hvt_spec],
            out_shape=(jax.ShapeDtypeStruct((B, E, H), jnp.float32),
                       jax.ShapeDtypeStruct((B, N, H), jnp.float32)),
        )(he, hv, hv, aux, mcol, *_wargs(layer['edge']), *_wargs(layer['node']))
    return he, hv


def _sscore_kernel(hv_ref, ws_ref, bs_ref, out_ref):
    out_ref[0] = _dot(hv_ref[0], ws_ref[...]) + bs_ref[...]


def _run_sscore(hv, params):
    return pl.pallas_call(
        _sscore_kernel,
        grid=(B,),
        in_specs=[_batched((N, H)), _full((H, 1)), _full((1, 1))],
        out_specs=_batched((N, 1)),
        out_shape=jax.ShapeDtypeStruct((B, N, 1), jnp.float32),
    )(hv, params['W_s'], params['b_s'].reshape(1, 1))


def _etab_kernel(he_ref, wout_ref, bout_ref, etab_ref):
    etab_ref[0] = _dot(he_ref[0], wout_ref[...]) + bout_ref[...]


def _run_etab(he, params):
    return pl.pallas_call(
        _etab_kernel,
        grid=(B, NT),
        in_specs=[
            pl.BlockSpec((1, ET, H), lambda b, t: (b, t, 0)),
            _full((H, OUT)), _full((1, OUT)),
        ],
        out_specs=pl.BlockSpec((1, ET, OUT), lambda b, t: (b, t, 0)),
        out_shape=jax.ShapeDtypeStruct((B, E, OUT), jnp.float32),
    )(he, params['W_out'], params['b_out'].reshape(1, OUT))


def kernel(V_embed, E_embed, X, x_mask, chain_idx, params):
    Ca = X[:, :, 1, :]
    CaT = Ca.transpose(0, 2, 1)
    Xb = X[:, :, :3, :].reshape(B, 3 * N, 3)
    mcol = x_mask.reshape(B, N, 1)
    mrow = x_mask.reshape(B, 1, N)
    ccol = chain_idx.astype(jnp.float32).reshape(B, N, 1)

    eidx, dnb, gidx, hv0 = _run_features(Ca, CaT, Xb, mcol, mrow, V_embed, params)

    enb = _run_sc_gather(E_embed, gidx.reshape(B * E)).reshape(B, E, EIN)

    scalars = jnp.concatenate(
        [eidx.astype(jnp.float32).reshape(B, E, 1),
         dnb.reshape(B, E, 1),
         jnp.zeros((B, E, 6), jnp.float32)], axis=-1)
    he0, aux = _run_edge_features(scalars, enb, mcol, ccol, params)
    he, hv = _run_mpnn(aux, he0, mcol, hv0, params)
    sscore = _run_sscore(hv, params)
    etab = _run_etab(he, params)

    return (etab.reshape(B, N, K, OUT), eidx, sscore.reshape(B, N))

# --- scband reference (transcript-rebuilt; emitter-appended) ---
"""Pipeline reference for scband-pair-energies-35708358099590 (READ-ONLY COPY).

The authoritative reference and input builder live on the scoring server;
editing this copy changes nothing except your own understanding.
"""

import jax, jax.numpy as jnp
import numpy as np
import math

B, N, K, H = 8, 256, 30, 128
EIN = 128
OUT = 400
NUM_LAYERS = 3


def _ln(x, g, b, eps=1e-5):
    mu = jnp.mean(x, axis=-1, keepdims=True)
    var = jnp.mean((x - mu) ** 2, axis=-1, keepdims=True)
    return (x - mu) / jnp.sqrt(var + eps) * g + b


def _gather_nodes(h, E_idx):
    return jax.vmap(lambda hb, eb: hb[eb])(h, E_idx)


def _gather_edges(E, E_idx):
    return jnp.take_along_axis(E, E_idx[..., None], axis=2)


def _normalize(v, eps=1e-7):
    return v / (jnp.linalg.norm(v, axis=-1, keepdims=True) + eps)


def _dihedrals(X, eps=1e-7):
    Bb = X[:, :, :3, :].reshape(X.shape[0], -1, 3)
    dX = Bb[:, 1:] - Bb[:, :-1]
    U = _normalize(dX)
    u2, u1, u0 = U[:, :-2], U[:, 1:-1], U[:, 2:]
    n2 = _normalize(jnp.cross(u2, u1))
    n1 = _normalize(jnp.cross(u1, u0))
    cosD = jnp.clip(jnp.sum(n2 * n1, -1), -1.0 + eps, 1.0 - eps)
    Dang = jnp.sign(jnp.sum(u2 * n1, -1)) * jnp.arccos(cosD)
    Dang = jnp.pad(Dang, ((0, 0), (1, 2)))
    Dang = Dang.reshape(X.shape[0], -1, 3)
    return jnp.concatenate([jnp.cos(Dang), jnp.sin(Dang)], -1)


def _rbf(D):
    mu = jnp.linspace(2.0, 22.0, 16)
    sigma = (22.0 - 2.0) / 16.0
    return jnp.exp(-(((D[..., None] - mu) / sigma) ** 2))


def _features(X, chain_idx, mask, params):
    Ca = X[:, :, 1, :]
    diff = Ca[:, :, None, :] - Ca[:, None, :, :]
    D = jnp.sqrt(jnp.sum(diff ** 2, -1) + 1e-6)
    mask2 = mask[:, :, None] * mask[:, None, :]
    Dadj = D + (1.0 - mask2) * 1e6
    negD, E_idx = jax.lax.top_k(-Dadj, K)
    D_nb = -negD
    rbf = _rbf(D_nb)
    ci_nb = _gather_nodes(chain_idx, E_idx)
    same = (ci_nb == chain_idx[:, :, None]).astype(jnp.float32)
    rel = (E_idx - jnp.arange(N)[None, :, None]).astype(jnp.float32) * same
    freq = jnp.exp(jnp.arange(0, 32, 2, dtype=jnp.float32) * (-math.log(10000.0) / 32.0))
    ang = rel[..., None] * freq
    pe = jnp.concatenate([jnp.cos(ang), jnp.sin(ang)], -1)
    Eraw = jnp.concatenate([pe, rbf, same[..., None]], -1)
    Vraw = _dihedrals(X)
    V = _ln(Vraw @ params['Wvf'] + params['bvf'], params['ln_vf_g'], params['ln_vf_b'])
    E = _ln(Eraw @ params['Wef'] + params['bef'], params['ln_ef_g'], params['ln_ef_b'])
    return V, E, E_idx


def _mpnn_edge(h_V, h_E, E_idx, mask, p):
    h_j = _gather_nodes(h_V, E_idx)
    h_i = jnp.broadcast_to(h_V[:, :, None, :], h_j.shape)
    h_EV = jnp.concatenate([h_i, h_E, h_j], -1)
    m = jax.nn.relu(h_EV @ p['W1'] + p['b1'])
    m = jax.nn.relu(m @ p['W2'] + p['b2'])
    m = m @ p['W3'] + p['b3']
    mask_j = _gather_nodes(mask, E_idx)
    mask_e = (mask[:, :, None] * mask_j)[..., None]
    h_E = _ln(h_E + m, p['ln1_g'], p['ln1_b'])
    ff = jax.nn.relu(h_E @ p['Wff1'] + p['bff1']) @ p['Wff2'] + p['bff2']
    h_E = _ln(h_E + ff, p['ln2_g'], p['ln2_b'])
    return h_E * mask_e


def _mpnn_node(h_V, h_E, E_idx, mask, p):
    h_j = _gather_nodes(h_V, E_idx)
    h_i = jnp.broadcast_to(h_V[:, :, None, :], h_j.shape)
    h_EV = jnp.concatenate([h_i, h_E, h_j], -1)
    m = jax.nn.relu(h_EV @ p['W1'] + p['b1'])
    m = jax.nn.relu(m @ p['W2'] + p['b2'])
    m = m @ p['W3'] + p['b3']
    mask_j = _gather_nodes(mask, E_idx)
    m = m * (mask[:, :, None] * mask_j)[..., None]
    dh = jnp.sum(m, 2) / float(K)
    h_V = _ln(h_V + dh, p['ln1_g'], p['ln1_b'])
    ff = jax.nn.relu(h_V @ p['Wff1'] + p['bff1']) @ p['Wff2'] + p['bff2']
    h_V = _ln(h_V + ff, p['ln2_g'], p['ln2_b'])
    return h_V * mask[..., None]


def _forward(V_embed, E_embed, X, x_mask, chain_idx, params):
    V, E, E_idx = _features(X, chain_idx, x_mask, params)
    h_V = jnp.concatenate([V, V_embed], -1) @ params['Wv'] + params['bv']
    E_nb = _gather_edges(E_embed, E_idx)
    h_E = jnp.concatenate([E, E_nb], -1) @ params['We'] + params['be']
    for lp in params['layers']:
        h_E = _mpnn_edge(h_V, h_E, E_idx, x_mask, lp['edge'])
        h_V = _mpnn_node(h_V, h_E, E_idx, x_mask, lp['node'])
    etab = h_E @ params['W_out'] + params['b_out']
    sscore = (h_V @ params['W_s'] + params['b_s'])[..., 0]
    return etab, E_idx, sscore


def setup_inputs(seed: int = 0):
    key = jax.random.key(seed)
    keys = jax.random.split(key, 256)
    kc = [0]

    def nk():
        kc[0] += 1
        return keys[kc[0] - 1]

    def lin(din, dout):
        return jax.random.normal(nk(), (din, dout), jnp.float32) / jnp.sqrt(float(din))

    def layer_p():
        return {
            'W1': lin(3 * H, H), 'b1': jnp.zeros((H,)),
            'W2': lin(H, H), 'b2': jnp.zeros((H,)),
            'W3': lin(H, H), 'b3': jnp.zeros((H,)),
            'ln1_g': jnp.ones((H,)), 'ln1_b': jnp.zeros((H,)),
            'Wff1': lin(H, 4 * H), 'bff1': jnp.zeros((4 * H,)),
            'Wff2': lin(4 * H, H), 'bff2': jnp.zeros((H,)),
            'ln2_g': jnp.ones((H,)), 'ln2_b': jnp.zeros((H,)),
        }

    params = {
        'Wvf': lin(6, H), 'bvf': jnp.zeros((H,)),
        'ln_vf_g': jnp.ones((H,)), 'ln_vf_b': jnp.zeros((H,)),
        'Wef': lin(49, H), 'bef': jnp.zeros((H,)),
        'ln_ef_g': jnp.ones((H,)), 'ln_ef_b': jnp.zeros((H,)),
        'Wv': lin(H + EIN, H), 'bv': jnp.zeros((H,)),
        'We': lin(H + EIN, H), 'be': jnp.zeros((H,)),
        'layers': [{'edge': layer_p(), 'node': layer_p()} for _ in range(NUM_LAYERS)],
        'W_out': lin(H, OUT), 'b_out': jnp.zeros((OUT,)),
        'W_s': lin(H, 1), 'b_s': jnp.zeros((1,)),
    }
    V_embed = jax.random.normal(nk(), (B, N, EIN), jnp.float32)
    E_embed = jax.random.normal(nk(), (B, N, N, EIN), jnp.float32)
    X = jax.random.normal(nk(), (B, N, 4, 3), jnp.float32)
    x_mask = jnp.ones((B, N), jnp.float32)
    chain_idx = jnp.zeros((B, N), jnp.int32)
    return {'V_embed': V_embed, 'E_embed': E_embed, 'X': X, 'x_mask': x_mask, 'chain_idx': chain_idx, 'params': params}


def reference(V_embed, E_embed, X, x_mask, chain_idx, params):
    return _forward(V_embed, E_embed, X, x_mask, chain_idx, params)

if __name__ == "__main__":
    import jax
    _d = setup_inputs()
    print(jax.jit(kernel)(*tuple(_d.values())))

</pallas_src>

<mosaic_0001>
#map = affine_map<(d0, d1) -> (0, 0, 0, 0)>
#map1 = affine_map<(d0, d1) -> (0)>
#map2 = affine_map<(d0, d1) -> (0, 0)>
module attributes {stable_mosaic.version = 14 : i64} {
  func.func @_sc_gather_body(%arg0: i32, %arg1: i32, %arg2: memref<8x256x256x128xf32, #tpu.memory_space<hbm>>, %arg3: memref<61440xi32, #tpu.memory_space<hbm>>, %arg4: memref<61440x128xf32, #tpu.memory_space<hbm>>, %arg5: memref<1920xi32, #tpu.memory_space<vmem>>, %arg6: memref<128x128xf32, #tpu.memory_space<vmem>>, %arg7: memref<!tpu.dma_semaphore, #tpu.memory_space<semaphore_mem>>) attributes {dimension_semantics = [#tpu.dimension_semantics<core_parallel>, #tpu.dimension_semantics<subcore_parallel>], iteration_bounds = array<i64: 2, 16>, scalar_prefetch = 0 : i64, scratch_operands = 3 : i64, tpu.core_type = #tpu.core_type<sc_vector_subcore>, window_params = [{transform_indices = #map}, {transform_indices = #map1}, {transform_indices = #map2}]} {
    %mul3A = arith.constant 2 : i32
    %mul3A_0 = arith.muli %arg1, %mul3A : i32
    %add3A = arith.addi %mul3A_0, %arg0 : i32
    %mul3A_1 = arith.constant 1920 : i32
    %mul3A_2 = arith.muli %add3A, %mul3A_1 : i32
    "tpu.region"() ({
      %run_scoped3A = tpu.sem_alloc : memref<!tpu.dma_semaphore, #tpu.memory_space<semaphore_mem>>
      %dma_start3A_211 = tpu.memref_slice %arg3[%mul3A_2] : memref<61440xi32, #tpu.memory_space<hbm>> -> memref<1920xi32, #tpu.memory_space<hbm>>
      %dma_start3A_212 = tpu.memref_slice %arg3[%mul3A_2] : memref<61440xi32, #tpu.memory_space<hbm>> -> memref<1920xi32, #tpu.memory_space<hbm>>
      tpu.enqueue_dma source(%dma_start3A_212 : memref<1920xi32, #tpu.memory_space<hbm>>) target(%arg5 : memref<1920xi32, #tpu.memory_space<vmem>>) target_semaphore(%run_scoped3A : memref<!tpu.dma_semaphore, #tpu.memory_space<semaphore_mem>>)
      %dma_wait3A_213 = tpu.memref_slice %arg3[%mul3A_2] : memref<61440xi32, #tpu.memory_space<hbm>> -> memref<1920xi32, #tpu.memory_space<hbm>>
      %dma_wait3A_214 = tpu.memref_slice %arg3[%mul3A_2] : memref<61440xi32, #tpu.memory_space<hbm>> -> memref<1920xi32, #tpu.memory_space<hbm>>
      tpu.wait_dma2 semaphore(%run_scoped3A : memref<!tpu.dma_semaphore, #tpu.memory_space<semaphore_mem>>) src(%dma_wait3A_214 : memref<1920xi32, #tpu.memory_space<hbm>>) dst(%arg5 : memref<1920xi32, #tpu.memory_space<vmem>>)
      tpu.yield
    }) : () -> ()
    %dma_start3A = arith.constant 0 : i32
    %dma_start3A_3 = tpu.memref_slice %arg5[%dma_start3A] : memref<1920xi32, #tpu.memory_space<vmem>> -> memref<128xi32, #tpu.memory_space<vmem>>
    %dma_start3A_4 = tpu.memref_reshape %arg2 : memref<8x256x256x128xf32, #tpu.memory_space<hbm>> -> memref<524288x128xf32, #tpu.memory_space<hbm>>
    %dma_start3A_5 = arith.constant 0 : i32
    %dma_start3A_6 = arith.constant 0 : i32
    %dma_start3A_7 = tpu.memref_slice %dma_start3A_4[%dma_start3A_5, %dma_start3A_6] : memref<524288x128xf32, #tpu.memory_space<hbm>> -> memref<524288x128xf32, #tpu.memory_space<hbm>>
    tpu.enqueue_indirect_dma source(%dma_start3A_7 : memref<524288x128xf32, #tpu.memory_space<hbm>>) target(%arg6 : memref<128x128xf32, #tpu.memory_space<vmem>>) offsets(%dma_start3A_3 : memref<128xi32, #tpu.memory_space<vmem>>) semaphore(%arg7 : memref<!tpu.dma_semaphore, #tpu.memory_space<semaphore_mem>>)
    %dma_wait3A = arith.constant 0 : i32
    %dma_wait3A_8 = tpu.memref_slice %arg5[%dma_wait3A] : memref<1920xi32, #tpu.memory_space<vmem>> -> memref<128xi32, #tpu.memory_space<vmem>>
    %dma_wait3A_9 = tpu.memref_reshape %arg2 : memref<8x256x256x128xf32, #tpu.memory_space<hbm>> -> memref<524288x128xf32, #tpu.memory_space<hbm>>
    %dma_wait3A_10 = arith.constant 0 : i32
    %dma_wait3A_11 = arith.constant 0 : i32
    %dma_wait3A_12 = tpu.memref_slice %dma_wait3A_9[%dma_wait3A_10, %dma_wait3A_11] : memref<524288x128xf32, #tpu.memory_space<hbm>> -> memref<524288x128xf32, #tpu.memory_space<hbm>>
    tpu.wait_indirect_dma semaphore(%arg7 : memref<!tpu.dma_semaphore, #tpu.memory_space<semaphore_mem>>) src(%dma_wait3A_12 : memref<524288x128xf32, #tpu.memory_space<hbm>>) dst(%arg6 : memref<128x128xf32, #tpu.memory_space<vmem>>)
    %add3A_13 = arith.constant 0 : i32
    %add3A_14 = arith.addi %mul3A_2, %add3A_13 : i32
    "tpu.region"() ({
      %run_scoped3A = tpu.sem_alloc : memref<!tpu.dma_semaphore, #tpu.memory_space<semaphore_mem>>
      %dma_start3A_211 = arith.constant 0 : i32
      %dma_start3A_212 = tpu.memref_slice %arg4[%add3A_14, %dma_start3A_211] : memref<61440x128xf32, #tpu.memory_space<hbm>> -> memref<128x128xf32, #tpu.memory_space<hbm>>
      %dma_start3A_213 = arith.constant 0 : i32
      %dma_start3A_214 = tpu.memref_slice %arg4[%add3A_14, %dma_start3A_213] : memref<61440x128xf32, #tpu.memory_space<hbm>> -> memref<128x128xf32, #tpu.memory_space<hbm>>
      tpu.enqueue_dma source(%arg6 : memref<128x128xf32, #tpu.memory_space<vmem>>) target(%dma_start3A_214 : memref<128x128xf32, #tpu.memory_space<hbm>>) target_semaphore(%run_scoped3A : memref<!tpu.dma_semaphore, #tpu.memory_space<semaphore_mem>>)
      %dma_wait3A_215 = arith.constant 0 : i32
      %dma_wait3A_216 = tpu.memref_slice %arg4[%add3A_14, %dma_wait3A_215] : memref<61440x128xf32, #tpu.memory_space<hbm>> -> memref<128x128xf32, #tpu.memory_space<hbm>>
      %dma_wait3A_217 = arith.constant 0 : i32
      %dma_wait3A_218 = tpu.memref_slice %arg4[%add3A_14, %dma_wait3A_217] : memref<61440x128xf32, #tpu.memory_space<hbm>> -> memref<128x128xf32, #tpu.memory_space<hbm>>
      tpu.wait_dma2 semaphore(%run_scoped3A : memref<!tpu.dma_semaphore, #tpu.memory_space<semaphore_mem>>) src(%arg6 : memref<128x128xf32, #tpu.memory_space<vmem>>) dst(%dma_wait3A_218 : memref<128x128xf32, #tpu.memory_space<hbm>>)
      tpu.yield
    }) : () -> ()
    %dma_start3A_15 = arith.constant 128 : i32
    %dma_start3A_16 = tpu.memref_slice %arg5[%dma_start3A_15] : memref<1920xi32, #tpu.memory_space<vmem>> -> memref<128xi32, #tpu.memory_space<vmem>>
    %dma_start3A_17 = tpu.memref_reshape %arg2 : memref<8x256x256x128xf32, #tpu.memory_space<hbm>> -> memref<524288x128xf32, #tpu.memory_space<hbm>>
    %dma_start3A_18 = arith.constant 0 : i32
    %dma_start3A_19 = arith.constant 0 : i32
    %dma_start3A_20 = tpu.memref_slice %dma_start3A_17[%dma_start3A_18, %dma_start3A_19] : memref<524288x128xf32, #tpu.memory_space<hbm>> -> memref<524288x128xf32, #tpu.memory_space<hbm>>
    tpu.enqueue_indirect_dma source(%dma_start3A_20 : memref<524288x128xf32, #tpu.memory_space<hbm>>) target(%arg6 : memref<128x128xf32, #tpu.memory_space<vmem>>) offsets(%dma_start3A_16 : memref<128xi32, #tpu.memory_space<vmem>>) semaphore(%arg7 : memref<!tpu.dma_semaphore, #tpu.memory_space<semaphore_mem>>)
    %dma_wait3A_21 = arith.constant 128 : i32
    %dma_wait3A_22 = tpu.memref_slice %arg5[%dma_wait3A_21] : memref<1920xi32, #tpu.memory_space<vmem>> -> memref<128xi32, #tpu.memory_space<vmem>>
    %dma_wait3A_23 = tpu.memref_reshape %arg2 : memref<8x256x256x128xf32, #tpu.memory_space<hbm>> -> memref<524288x128xf32, #tpu.memory_space<hbm>>
    %dma_wait3A_24 = arith.constant 0 : i32
    %dma_wait3A_25 = arith.constant 0 : i32
    %dma_wait3A_26 = tpu.memref_slice %dma_wait3A_23[%dma_wait3A_24, %dma_wait3A_25] : memref<524288x128xf32, #tpu.memory_space<hbm>> -> memref<524288x128xf32, #tpu.memory_space<hbm>>
    tpu.wait_indirect_dma semaphore(%arg7 : memref<!tpu.dma_semaphore, #tpu.memory_space<semaphore_mem>>) src(%dma_wait3A_26 : memref<524288x128xf32, #tpu.memory_space<hbm>>) dst(%arg6 : memref<128x128xf32, #tpu.memory_space<vmem>>)
    %add3A_27 = arith.constant 128 : i32
    %add3A_28 = arith.addi %mul3A_2, %add3A_27 : i32
    "tpu.region"() ({
      %run_scoped3A = tpu.sem_alloc : memref<!tpu.dma_semaphore, #tpu.memory_space<semaphore_mem>>
      %dma_start3A_211 = arith.constant 0 : i32
      %dma_start3A_212 = tpu.memref_slice %arg4[%add3A_28, %dma_start3A_211] : memref<61440x128xf32, #tpu.memory_space<hbm>> -> memref<128x128xf32, #tpu.memory_space<hbm>>
      %dma_start3A_213 = arith.constant 0 : i32
      %dma_start3A_214 = tpu.memref_slice %arg4[%add3A_28, %dma_start3A_213] : memref<61440x128xf32, #tpu.memory_space<hbm>> -> memref<128x128xf32, #tpu.memory_space<hbm>>
      tpu.enqueue_dma source(%arg6 : memref<128x128xf32, #tpu.memory_space<vmem>>) target(%dma_start3A_214 : memref<128x128xf32, #tpu.memory_space<hbm>>) target_semaphore(%run_scoped3A : memref<!tpu.dma_semaphore, #tpu.memory_space<semaphore_mem>>)
      %dma_wait3A_215 = arith.constant 0 : i32
      %dma_wait3A_216 = tpu.memref_slice %arg4[%add3A_28, %dma_wait3A_215] : memref<61440x128xf32, #tpu.memory_space<hbm>> -> memref<128x128xf32, #tpu.memory_space<hbm>>
      %dma_wait3A_217 = arith.constant 0 : i32
      %dma_wait3A_218 = tpu.memref_slice %arg4[%add3A_28, %dma_wait3A_217] : memref<61440x128xf32, #tpu.memory_space<hbm>> -> memref<128x128xf32, #tpu.memory_space<hbm>>
      tpu.wait_dma2 semaphore(%run_scoped3A : memref<!tpu.dma_semaphore, #tpu.memory_space<semaphore_mem>>) src(%arg6 : memref<128x128xf32, #tpu.memory_space<vmem>>) dst(%dma_wait3A_218 : memref<128x128xf32, #tpu.memory_space<hbm>>)
      tpu.yield
    }) : () -> ()
    %dma_start3A_29 = arith.constant 256 : i32
    %dma_start3A_30 = tpu.memref_slice %arg5[%dma_start3A_29] : memref<1920xi32, #tpu.memory_space<vmem>> -> memref<128xi32, #tpu.memory_space<vmem>>
    %dma_start3A_31 = tpu.memref_reshape %arg2 : memref<8x256x256x128xf32, #tpu.memory_space<hbm>> -> memref<524288x128xf32, #tpu.memory_space<hbm>>
    %dma_start3A_32 = arith.constant 0 : i32
    %dma_start3A_33 = arith.constant 0 : i32
    %dma_start3A_34 = tpu.memref_slice %dma_start3A_31[%dma_start3A_32, %dma_start3A_33] : memref<524288x128xf32, #tpu.memory_space<hbm>> -> memref<524288x128xf32, #tpu.memory_space<hbm>>
    tpu.enqueue_indirect_dma source(%dma_start3A_34 : memref<524288x128xf32, #tpu.memory_space<hbm>>) target(%arg6 : memref<128x128xf32, #tpu.memory_space<vmem>>) offsets(%dma_start3A_30 : memref<128xi32, #tpu.memory_space<vmem>>) semaphore(%arg7 : memref<!tpu.dma_semaphore, #tpu.memory_space<semaphore_mem>>)
    %dma_wait3A_35 = arith.constant 256 : i32
    %dma_wait3A_36 = tpu.memref_slice %arg5[%dma_wait3A_35] : memref<1920xi32, #tpu.memory_space<vmem>> -> memref<128xi32, #tpu.memory_space<vmem>>
    %dma_wait3A_37 = tpu.memref_reshape %arg2 : memref<8x256x256x128xf32, #tpu.memory_space<hbm>> -> memref<524288x128xf32, #tpu.memory_space<hbm>>
    %dma_wait3A_38 = arith.constant 0 : i32
    %dma_wait3A_39 = arith.constant 0 : i32
    %dma_wait3A_40 = tpu.memref_slice %dma_wait3A_37[%dma_wait3A_38, %dma_wait3A_39] : memref<524288x128xf32, #tpu.memory_space<hbm>> -> memref<524288x128xf32, #tpu.memory_space<hbm>>
    tpu.wait_indirect_dma semaphore(%arg7 : memref<!tpu.dma_semaphore, #tpu.memory_space<semaphore_mem>>) src(%dma_wait3A_40 : memref<524288x128xf32, #tpu.memory_space<hbm>>) dst(%arg6 : memref<128x128xf32, #tpu.memory_space<vmem>>)
    %add3A_41 = arith.constant 256 : i32
    %add3A_42 = arith.addi %mul3A_2, %add3A_41 : i32
    "tpu.region"() ({
      %run_scoped3A = tpu.sem_alloc : memref<!tpu.dma_semaphore, #tpu.memory_space<semaphore_mem>>
      %dma_start3A_211 = arith.constant 0 : i32
      %dma_start3A_212 = tpu.memref_slice %arg4[%add3A_42, %dma_start3A_211] : memref<61440x128xf32, #tpu.memory_space<hbm>> -> memref<128x128xf32, #tpu.memory_space<hbm>>
      %dma_start3A_213 = arith.constant 0 : i32
      %dma_start3A_214 = tpu.memref_slice %arg4[%add3A_42, %dma_start3A_213] : memref<61440x128xf32, #tpu.memory_space<hbm>> -> memref<128x128xf32, #tpu.memory_space<hbm>>
      tpu.enqueue_dma source(%arg6 : memref<128x128xf32, #tpu.memory_space<vmem>>) target(%dma_start3A_214 : memref<128x128xf32, #tpu.memory_space<hbm>>) target_semaphore(%run_scoped3A : memref<!tpu.dma_semaphore, #tpu.memory_space<semaphore_mem>>)
      %dma_wait3A_215 = arith.constant 0 : i32
      %dma_wait3A_216 = tpu.memref_slice %arg4[%add3A_42, %dma_wait3A_215] : memref<61440x128xf32, #tpu.memory_space<hbm>> -> memref<128x128xf32, #tpu.memory_space<hbm>>
      %dma_wait3A_217 = arith.constant 0 : i32
      %dma_wait3A_218 = tpu.memref_slice %arg4[%add3A_42, %dma_wait3A_217] : memref<61440x128xf32, #tpu.memory_space<hbm>> -> memref<128x128xf32, #tpu.memory_space<hbm>>
      tpu.wait_dma2 semaphore(%run_scoped3A : memref<!tpu.dma_semaphore, #tpu.memory_space<semaphore_mem>>) src(%arg6 : memref<128x128xf32, #tpu.memory_space<vmem>>) dst(%dma_wait3A_218 : memref<128x128xf32, #tpu.memory_space<hbm>>)
      tpu.yield
    }) : () -> ()
    %dma_start3A_43 = arith.constant 384 : i32
    %dma_start3A_44 = tpu.memref_slice %arg5[%dma_start3A_43] : memref<1920xi32, #tpu.memory_space<vmem>> -> memref<128xi32, #tpu.memory_space<vmem>>
    %dma_start3A_45 = tpu.memref_reshape %arg2 : memref<8x256x256x128xf32, #tpu.memory_space<hbm>> -> memref<524288x128xf32, #tpu.memory_space<hbm>>
    %dma_start3A_46 = arith.constant 0 : i32
    %dma_start3A_47 = arith.constant 0 : i32
    %dma_start3A_48 = tpu.memref_slice %dma_start3A_45[%dma_start3A_46, %dma_start3A_47] : memref<524288x128xf32, #tpu.memory_space<hbm>> -> memref<524288x128xf32, #tpu.memory_space<hbm>>
    tpu.enqueue_indirect_dma source(%dma_start3A_48 : memref<524288x128xf32, #tpu.memory_space<hbm>>) target(%arg6 : memref<128x128xf32, #tpu.memory_space<vmem>>) offsets(%dma_start3A_44 : memref<128xi32, #tpu.memory_space<vmem>>) semaphore(%arg7 : memref<!tpu.dma_semaphore, #tpu.memory_space<semaphore_mem>>)
    %dma_wait3A_49 = arith.constant 384 : i32
    %dma_wait3A_50 = tpu.memref_slice %arg5[%dma_wait3A_49] : memref<1920xi32, #tpu.memory_space<vmem>> -> memref<128xi32, #tpu.memory_space<vmem>>
    %dma_wait3A_51 = tpu.memref_reshape %arg2 : memref<8x256x256x128xf32, #tpu.memory_space<hbm>> -> memref<524288x128xf32, #tpu.memory_space<hbm>>
    %dma_wait3A_52 = arith.constant 0 : i32
    %dma_wait3A_53 = arith.constant 0 : i32
    %dma_wait3A_54 = tpu.memref_slice %dma_wait3A_51[%dma_wait3A_52, %dma_wait3A_53] : memref<524288x128xf32, #tpu.memory_space<hbm>> -> memref<524288x128xf32, #tpu.memory_space<hbm>>
    tpu.wait_indirect_dma semaphore(%arg7 : memref<!tpu.dma_semaphore, #tpu.memory_space<semaphore_mem>>) src(%dma_wait3A_54 : memref<524288x128xf32, #tpu.memory_space<hbm>>) dst(%arg6 : memref<128x128xf32, #tpu.memory_space<vmem>>)
    %add3A_55 = arith.constant 384 : i32
    %add3A_56 = arith.addi %mul3A_2, %add3A_55 : i32
    "tpu.region"() ({
      %run_scoped3A = tpu.sem_alloc : memref<!tpu.dma_semaphore, #tpu.memory_space<semaphore_mem>>
      %dma_start3A_211 = arith.constant 0 : i32
      %dma_start3A_212 = tpu.memref_slice %arg4[%add3A_56, %dma_start3A_211] : memref<61440x128xf32, #tpu.memory_space<hbm>> -> memref<128x128xf32, #tpu.memory_space<hbm>>
      %dma_start3A_213 = arith.constant 0 : i32
      %dma_start3A_214 = tpu.memref_slice %arg4[%add3A_56, %dma_start3A_213] : memref<61440x128xf32, #tpu.memory_space<hbm>> -> memref<128x128xf32, #tpu.memory_space<hbm>>
      tpu.enqueue_dma source(%arg6 : memref<128x128xf32, #tpu.memory_space<vmem>>) target(%dma_start3A_214 : memref<128x128xf32, #tpu.memory_space<hbm>>) target_semaphore(%run_scoped3A : memref<!tpu.dma_semaphore, #tpu.memory_space<semaphore_mem>>)
      %dma_wait3A_215 = arith.constant 0 : i32
      %dma_wait3A_216 = tpu.memref_slice %arg4[%add3A_56, %dma_wait3A_215] : memref<61440x128xf32, #tpu.memory_space<hbm>> -> memref<128x128xf32, #tpu.memory_space<hbm>>
      %dma_wait3A_217 = arith.constant 0 : i32
      %dma_wait3A_218 = tpu.memref_slice %arg4[%add3A_56, %dma_wait3A_217] : memref<61440x128xf32, #tpu.memory_space<hbm>> -> memref<128x128xf32, #tpu.memory_space<hbm>>
      tpu.wait_dma2 semaphore(%run_scoped3A : memref<!tpu.dma_semaphore, #tpu.memory_space<semaphore_mem>>) src(%arg6 : memref<128x128xf32, #tpu.memory_space<vmem>>) dst(%dma_wait3A_218 : memref<128x128xf32, #tpu.memory_space<hbm>>)
      tpu.yield
    }) : () -> ()
    %dma_start3A_57 = arith.constant 512 : i32
    %dma_start3A_58 = tpu.memref_slice %arg5[%dma_start3A_57] : memref<1920xi32, #tpu.memory_space<vmem>> -> memref<128xi32, #tpu.memory_space<vmem>>
    %dma_start3A_59 = tpu.memref_reshape %arg2 : memref<8x256x256x128xf32, #tpu.memory_space<hbm>> -> memref<524288x128xf32, #tpu.memory_space<hbm>>
    %dma_start3A_60 = arith.constant 0 : i32
    %dma_start3A_61 = arith.constant 0 : i32
    %dma_start3A_62 = tpu.memref_slice %dma_start3A_59[%dma_start3A_60, %dma_start3A_61] : memref<524288x128xf32, #tpu.memory_space<hbm>> -> memref<524288x128xf32, #tpu.memory_space<hbm>>
    tpu.enqueue_indirect_dma source(%dma_start3A_62 : memref<524288x128xf32, #tpu.memory_space<hbm>>) target(%arg6 : memref<128x128xf32, #tpu.memory_space<vmem>>) offsets(%dma_start3A_58 : memref<128xi32, #tpu.memory_space<vmem>>) semaphore(%arg7 : memref<!tpu.dma_semaphore, #tpu.memory_space<semaphore_mem>>)
    %dma_wait3A_63 = arith.constant 512 : i32
    %dma_wait3A_64 = tpu.memref_slice %arg5[%dma_wait3A_63] : memref<1920xi32, #tpu.memory_space<vmem>> -> memref<128xi32, #tpu.memory_space<vmem>>
    %dma_wait3A_65 = tpu.memref_reshape %arg2 : memref<8x256x256x128xf32, #tpu.memory_space<hbm>> -> memref<524288x128xf32, #tpu.memory_space<hbm>>
    %dma_wait3A_66 = arith.constant 0 : i32
    %dma_wait3A_67 = arith.constant 0 : i32
    %dma_wait3A_68 = tpu.memref_slice %dma_wait3A_65[%dma_wait3A_66, %dma_wait3A_67] : memref<524288x128xf32, #tpu.memory_space<hbm>> -> memref<524288x128xf32, #tpu.memory_space<hbm>>
    tpu.wait_indirect_dma semaphore(%arg7 : memref<!tpu.dma_semaphore, #tpu.memory_space<semaphore_mem>>) src(%dma_wait3A_68 : memref<524288x128xf32, #tpu.memory_space<hbm>>) dst(%arg6 : memref<128x128xf32, #tpu.memory_space<vmem>>)
    %add3A_69 = arith.constant 512 : i32
    %add3A_70 = arith.addi %mul3A_2, %add3A_69 : i32
    "tpu.region"() ({
      %run_scoped3A = tpu.sem_alloc : memref<!tpu.dma_semaphore, #tpu.memory_space<semaphore_mem>>
      %dma_start3A_211 = arith.constant 0 : i32
      %dma_start3A_212 = tpu.memref_slice %arg4[%add3A_70, %dma_start3A_211] : memref<61440x128xf32, #tpu.memory_space<hbm>> -> memref<128x128xf32, #tpu.memory_space<hbm>>
      %dma_start3A_213 = arith.constant 0 : i32
      %dma_start3A_214 = tpu.memref_slice %arg4[%add3A_70, %dma_start3A_213] : memref<61440x128xf32, #tpu.memory_space<hbm>> -> memref<128x128xf32, #tpu.memory_space<hbm>>
      tpu.enqueue_dma source(%arg6 : memref<128x128xf32, #tpu.memory_space<vmem>>) target(%dma_start3A_214 : memref<128x128xf32, #tpu.memory_space<hbm>>) target_semaphore(%run_scoped3A : memref<!tpu.dma_semaphore, #tpu.memory_space<semaphore_mem>>)
      %dma_wait3A_215 = arith.constant 0 : i32
      %dma_wait3A_216 = tpu.memref_slice %arg4[%add3A_70, %dma_wait3A_215] : memref<61440x128xf32, #tpu.memory_space<hbm>> -> memref<128x128xf32, #tpu.memory_space<hbm>>
      %dma_wait3A_217 = arith.constant 0 : i32
      %dma_wait3A_218 = tpu.memref_slice %arg4[%add3A_70, %dma_wait3A_217] : memref<61440x128xf32, #tpu.memory_space<hbm>> -> memref<128x128xf32, #tpu.memory_space<hbm>>
      tpu.wait_dma2 semaphore(%run_scoped3A : memref<!tpu.dma_semaphore, #tpu.memory_space<semaphore_mem>>) src(%arg6 : memref<128x128xf32, #tpu.memory_space<vmem>>) dst(%dma_wait3A_218 : memref<128x128xf32, #tpu.memory_space<hbm>>)
      tpu.yield
    }) : () -> ()
    %dma_start3A_71 = arith.constant 640 : i32
    %dma_start3A_72 = tpu.memref_slice %arg5[%dma_start3A_71] : memref<1920xi32, #tpu.memory_space<vmem>> -> memref<128xi32, #tpu.memory_space<vmem>>
    %dma_start3A_73 = tpu.memref_reshape %arg2 : memref<8x256x256x128xf32, #tpu.memory_space<hbm>> -> memref<524288x128xf32, #tpu.memory_space<hbm>>
    %dma_start3A_74 = arith.constant 0 : i32
    %dma_start3A_75 = arith.constant 0 : i32
    %dma_start3A_76 = tpu.memref_slice %dma_start3A_73[%dma_start3A_74, %dma_start3A_75] : memref<524288x128xf32, #tpu.memory_space<hbm>> -> memref<524288x128xf32, #tpu.memory_space<hbm>>
    tpu.enqueue_indirect_dma source(%dma_start3A_76 : memref<524288x128xf32, #tpu.memory_space<hbm>>) target(%arg6 : memref<128x128xf32, #tpu.memory_space<vmem>>) offsets(%dma_start3A_72 : memref<128xi32, #tpu.memory_space<vmem>>) semaphore(%arg7 : memref<!tpu.dma_semaphore, #tpu.memory_space<semaphore_mem>>)
    %dma_wait3A_77 = arith.constant 640 : i32
    %dma_wait3A_78 = tpu.memref_slice %arg5[%dma_wait3A_77] : memref<1920xi32, #tpu.memory_space<vmem>> -> memref<128xi32, #tpu.memory_space<vmem>>
    %dma_wait3A_79 = tpu.memref_reshape %arg2 : memref<8x256x256x128xf32, #tpu.memory_space<hbm>> -> memref<524288x128xf32, #tpu.memory_space<hbm>>
    %dma_wait3A_80 = arith.constant 0 : i32
    %dma_wait3A_81 = arith.constant 0 : i32
    %dma_wait3A_82 = tpu.memref_slice %dma_wait3A_79[%dma_wait3A_80, %dma_wait3A_81] : memref<524288x128xf32, #tpu.memory_space<hbm>> -> memref<524288x128xf32, #tpu.memory_space<hbm>>
    tpu.wait_indirect_dma semaphore(%arg7 : memref<!tpu.dma_semaphore, #tpu.memory_space<semaphore_mem>>) src(%dma_wait3A_82 : memref<524288x128xf32, #tpu.memory_space<hbm>>) dst(%arg6 : memref<128x128xf32, #tpu.memory_space<vmem>>)
    %add3A_83 = arith.constant 640 : i32
    %add3A_84 = arith.addi %mul3A_2, %add3A_83 : i32
    "tpu.region"() ({
      %run_scoped3A = tpu.sem_alloc : memref<!tpu.dma_semaphore, #tpu.memory_space<semaphore_mem>>
      %dma_start3A_211 = arith.constant 0 : i32
      %dma_start3A_212 = tpu.memref_slice %arg4[%add3A_84, %dma_start3A_211] : memref<61440x128xf32, #tpu.memory_space<hbm>> -> memref<128x128xf32, #tpu.memory_space<hbm>>
      %dma_start3A_213 = arith.constant 0 : i32
      %dma_start3A_214 = tpu.memref_slice %arg4[%add3A_84, %dma_start3A_213] : memref<61440x128xf32, #tpu.memory_space<hbm>> -> memref<128x128xf32, #tpu.memory_space<hbm>>
      tpu.enqueue_dma source(%arg6 : memref<128x128xf32, #tpu.memory_space<vmem>>) target(%dma_start3A_214 : memref<128x128xf32, #tpu.memory_space<hbm>>) target_semaphore(%run_scoped3A : memref<!tpu.dma_semaphore, #tpu.memory_space<semaphore_mem>>)
      %dma_wait3A_215 = arith.constant 0 : i32
      %dma_wait3A_216 = tpu.memref_slice %arg4[%add3A_84, %dma_wait3A_215] : memref<61440x128xf32, #tpu.memory_space<hbm>> -> memref<128x128xf32, #tpu.memory_space<hbm>>
      %dma_wait3A_217 = arith.constant 0 : i32
      %dma_wait3A_218 = tpu.memref_slice %arg4[%add3A_84, %dma_wait3A_217] : memref<61440x128xf32, #tpu.memory_space<hbm>> -> memref<128x128xf32, #tpu.memory_space<hbm>>
      tpu.wait_dma2 semaphore(%run_scoped3A : memref<!tpu.dma_semaphore, #tpu.memory_space<semaphore_mem>>) src(%arg6 : memref<128x128xf32, #tpu.memory_space<vmem>>) dst(%dma_wait3A_218 : memref<128x128xf32, #tpu.memory_space<hbm>>)
      tpu.yield
    }) : () -> ()
    %dma_start3A_85 = arith.constant 768 : i32
    %dma_start3A_86 = tpu.memref_slice %arg5[%dma_start3A_85] : memref<1920xi32, #tpu.memory_space<vmem>> -> memref<128xi32, #tpu.memory_space<vmem>>
    %dma_start3A_87 = tpu.memref_reshape %arg2 : memref<8x256x256x128xf32, #tpu.memory_space<hbm>> -> memref<524288x128xf32, #tpu.memory_space<hbm>>
    %dma_start3A_88 = arith.constant 0 : i32
    %dma_start3A_89 = arith.constant 0 : i32
    %dma_start3A_90 = tpu.memref_slice %dma_start3A_87[%dma_start3A_88, %dma_start3A_89] : memref<524288x128xf32, #tpu.memory_space<hbm>> -> memref<524288x128xf32, #tpu.memory_space<hbm>>
    tpu.enqueue_indirect_dma source(%dma_start3A_90 : memref<524288x128xf32, #tpu.memory_space<hbm>>) target(%arg6 : memref<128x128xf32, #tpu.memory_space<vmem>>) offsets(%dma_start3A_86 : memref<128xi32, #tpu.memory_space<vmem>>) semaphore(%arg7 : memref<!tpu.dma_semaphore, #tpu.memory_space<semaphore_mem>>)
    %dma_wait3A_91 = arith.constant 768 : i32
    %dma_wait3A_92 = tpu.memref_slice %arg5[%dma_wait3A_91] : memref<1920xi32, #tpu.memory_space<vmem>> -> memref<128xi32, #tpu.memory_space<vmem>>
    %dma_wait3A_93 = tpu.memref_reshape %arg2 : memref<8x256x256x128xf32, #tpu.memory_space<hbm>> -> memref<524288x128xf32, #tpu.memory_space<hbm>>
    %dma_wait3A_94 = arith.constant 0 : i32
    %dma_wait3A_95 = arith.constant 0 : i32
    %dma_wait3A_96 = tpu.memref_slice %dma_wait3A_93[%dma_wait3A_94, %dma_wait3A_95] : memref<524288x128xf32, #tpu.memory_space<hbm>> -> memref<524288x128xf32, #tpu.memory_space<hbm>>
    tpu.wait_indirect_dma semaphore(%arg7 : memref<!tpu.dma_semaphore, #tpu.memory_space<semaphore_mem>>) src(%dma_wait3A_96 : memref<524288x128xf32, #tpu.memory_space<hbm>>) dst(%arg6 : memref<128x128xf32, #tpu.memory_space<vmem>>)
    %add3A_97 = arith.constant 768 : i32
    %add3A_98 = arith.addi %mul3A_2, %add3A_97 : i32
    "tpu.region"() ({
      %run_scoped3A = tpu.sem_alloc : memref<!tpu.dma_semaphore, #tpu.memory_space<semaphore_mem>>
      %dma_start3A_211 = arith.constant 0 : i32
      %dma_start3A_212 = tpu.memref_slice %arg4[%add3A_98, %dma_start3A_211] : memref<61440x128xf32, #tpu.memory_space<hbm>> -> memref<128x128xf32, #tpu.memory_space<hbm>>
      %dma_start3A_213 = arith.constant 0 : i32
      %dma_start3A_214 = tpu.memref_slice %arg4[%add3A_98, %dma_start3A_213] : memref<61440x128xf32, #tpu.memory_space<hbm>> -> memref<128x128xf32, #tpu.memory_space<hbm>>
      tpu.enqueue_dma source(%arg6 : memref<128x128xf32, #tpu.memory_space<vmem>>) target(%dma_start3A_214 : memref<128x128xf32, #tpu.memory_space<hbm>>) target_semaphore(%run_scoped3A : memref<!tpu.dma_semaphore, #tpu.memory_space<semaphore_mem>>)
      %dma_wait3A_215 = arith.constant 0 : i32
      %dma_wait3A_216 = tpu.memref_slice %arg4[%add3A_98, %dma_wait3A_215] : memref<61440x128xf32, #tpu.memory_space<hbm>> -> memref<128x128xf32, #tpu.memory_space<hbm>>
      %dma_wait3A_217 = arith.constant 0 : i32
      %dma_wait3A_218 = tpu.memref_slice %arg4[%add3A_98, %dma_wait3A_217] : memref<61440x128xf32, #tpu.memory_space<hbm>> -> memref<128x128xf32, #tpu.memory_space<hbm>>
      tpu.wait_dma2 semaphore(%run_scoped3A : memref<!tpu.dma_semaphore, #tpu.memory_space<semaphore_mem>>) src(%arg6 : memref<128x128xf32, #tpu.memory_space<vmem>>) dst(%dma_wait3A_218 : memref<128x128xf32, #tpu.memory_space<hbm>>)
      tpu.yield
    }) : () -> ()
    %dma_start3A_99 = arith.constant 896 : i32
    %dma_start3A_100 = tpu.memref_slice %arg5[%dma_start3A_99] : memref<1920xi32, #tpu.memory_space<vmem>> -> memref<128xi32, #tpu.memory_space<vmem>>
    %dma_start3A_101 = tpu.memref_reshape %arg2 : memref<8x256x256x128xf32, #tpu.memory_space<hbm>> -> memref<524288x128xf32, #tpu.memory_space<hbm>>
    %dma_start3A_102 = arith.constant 0 : i32
    %dma_start3A_103 = arith.constant 0 : i32
    %dma_start3A_104 = tpu.memref_slice %dma_start3A_101[%dma_start3A_102, %dma_start3A_103] : memref<524288x128xf32, #tpu.memory_space<hbm>> -> memref<524288x128xf32, #tpu.memory_space<hbm>>
    tpu.enqueue_indirect_dma source(%dma_start3A_104 : memref<524288x128xf32, #tpu.memory_space<hbm>>) target(%arg6 : memref<128x128xf32, #tpu.memory_space<vmem>>) offsets(%dma_start3A_100 : memref<128xi32, #tpu.memory_space<vmem>>) semaphore(%arg7 : memref<!tpu.dma_semaphore, #tpu.memory_space<semaphore_mem>>)
    %dma_wait3A_105 = arith.constant 896 : i32
    %dma_wait3A_106 = tpu.memref_slice %arg5[%dma_wait3A_105] : memref<1920xi32, #tpu.memory_space<vmem>> -> memref<128xi32, #tpu.memory_space<vmem>>
    %dma_wait3A_107 = tpu.memref_reshape %arg2 : memref<8x256x256x128xf32, #tpu.memory_space<hbm>> -> memref<524288x128xf32, #tpu.memory_space<hbm>>
    %dma_wait3A_108 = arith.constant 0 : i32
    %dma_wait3A_109 = arith.constant 0 : i32
    %dma_wait3A_110 = tpu.memref_slice %dma_wait3A_107[%dma_wait3A_108, %dma_wait3A_109] : memref<524288x128xf32, #tpu.memory_space<hbm>> -> memref<524288x128xf32, #tpu.memory_space<hbm>>
    tpu.wait_indirect_dma semaphore(%arg7 : memref<!tpu.dma_semaphore, #tpu.memory_space<semaphore_mem>>) src(%dma_wait3A_110 : memref<524288x128xf32, #tpu.memory_space<hbm>>) dst(%arg6 : memref<128x128xf32, #tpu.memory_space<vmem>>)
    %add3A_111 = arith.constant 896 : i32
    %add3A_112 = arith.addi %mul3A_2, %add3A_111 : i32
    "tpu.region"() ({
      %run_scoped3A = tpu.sem_alloc : memref<!tpu.dma_semaphore, #tpu.memory_space<semaphore_mem>>
      %dma_start3A_211 = arith.constant 0 : i32
      %dma_start3A_212 = tpu.memref_slice %arg4[%add3A_112, %dma_start3A_211] : memref<61440x128xf32, #tpu.memory_space<hbm>> -> memref<128x128xf32, #tpu.memory_space<hbm>>
      %dma_start3A_213 = arith.constant 0 : i32
      %dma_start3A_214 = tpu.memref_slice %arg4[%add3A_112, %dma_start3A_213] : memref<61440x128xf32, #tpu.memory_space<hbm>> -> memref<128x128xf32, #tpu.memory_space<hbm>>
      tpu.enqueue_dma source(%arg6 : memref<128x128xf32, #tpu.memory_space<vmem>>) target(%dma_start3A_214 : memref<128x128xf32, #tpu.memory_space<hbm>>) target_semaphore(%run_scoped3A : memref<!tpu.dma_semaphore, #tpu.memory_space<semaphore_mem>>)
      %dma_wait3A_215 = arith.constant 0 : i32
      %dma_wait3A_216 = tpu.memref_slice %arg4[%add3A_112, %dma_wait3A_215] : memref<61440x128xf32, #tpu.memory_space<hbm>> -> memref<128x128xf32, #tpu.memory_space<hbm>>
      %dma_wait3A_217 = arith.constant 0 : i32
      %dma_wait3A_218 = tpu.memref_slice %arg4[%add3A_112, %dma_wait3A_217] : memref<61440x128xf32, #tpu.memory_space<hbm>> -> memref<128x128xf32, #tpu.memory_space<hbm>>
      tpu.wait_dma2 semaphore(%run_scoped3A : memref<!tpu.dma_semaphore, #tpu.memory_space<semaphore_mem>>) src(%arg6 : memref<128x128xf32, #tpu.memory_space<vmem>>) dst(%dma_wait3A_218 : memref<128x128xf32, #tpu.memory_space<hbm>>)
      tpu.yield
    }) : () -> ()
    %dma_start3A_113 = arith.constant 1024 : i32
    %dma_start3A_114 = tpu.memref_slice %arg5[%dma_start3A_113] : memref<1920xi32, #tpu.memory_space<vmem>> -> memref<128xi32, #tpu.memory_space<vmem>>
    %dma_start3A_115 = tpu.memref_reshape %arg2 : memref<8x256x256x128xf32, #tpu.memory_space<hbm>> -> memref<524288x128xf32, #tpu.memory_space<hbm>>
    %dma_start3A_116 = arith.constant 0 : i32
    %dma_start3A_117 = arith.constant 0 : i32
    %dma_start3A_118 = tpu.memref_slice %dma_start3A_115[%dma_start3A_116, %dma_start3A_117] : memref<524288x128xf32, #tpu.memory_space<hbm>> -> memref<524288x128xf32, #tpu.memory_space<hbm>>
    tpu.enqueue_indirect_dma source(%dma_start3A_118 : memref<524288x128xf32, #tpu.memory_space<hbm>>) target(%arg6 : memref<128x128xf32, #tpu.memory_space<vmem>>) offsets(%dma_start3A_114 : memref<128xi32, #tpu.memory_space<vmem>>) semaphore(%arg7 : memref<!tpu.dma_semaphore, #tpu.memory_space<semaphore_mem>>)
    %dma_wait3A_119 = arith.constant 1024 : i32
    %dma_wait3A_120 = tpu.memref_slice %arg5[%dma_wait3A_119] : memref<1920xi32, #tpu.memory_space<vmem>> -> memref<128xi32, #tpu.memory_space<vmem>>
    %dma_wait3A_121 = tpu.memref_reshape %arg2 : memref<8x256x256x128xf32, #tpu.memory_space<hbm>> -> memref<524288x128xf32, #tpu.memory_space<hbm>>
    %dma_wait3A_122 = arith.constant 0 : i32
    %dma_wait3A_123 = arith.constant 0 : i32
    %dma_wait3A_124 = tpu.memref_slice %dma_wait3A_121[%dma_wait3A_122, %dma_wait3A_123] : memref<524288x128xf32, #tpu.memory_space<hbm>> -> memref<524288x128xf32, #tpu.memory_space<hbm>>
    tpu.wait_indirect_dma semaphore(%arg7 : memref<!tpu.dma_semaphore, #tpu.memory_space<semaphore_mem>>) src(%dma_wait3A_124 : memref<524288x128xf32, #tpu.memory_space<hbm>>) dst(%arg6 : memref<128x128xf32, #tpu.memory_space<vmem>>)
    %add3A_125 = arith.constant 1024 : i32
    %add3A_126 = arith.addi %mul3A_2, %add3A_125 : i32
    "tpu.region"() ({
      %run_scoped3A = tpu.sem_alloc : memref<!tpu.dma_semaphore, #tpu.memory_space<semaphore_mem>>
      %dma_start3A_211 = arith.constant 0 : i32
      %dma_start3A_212 = tpu.memref_slice %arg4[%add3A_126, %dma_start3A_211] : memref<61440x128xf32, #tpu.memory_space<hbm>> -> memref<128x128xf32, #tpu.memory_space<hbm>>
      %dma_start3A_213 = arith.constant 0 : i32
      %dma_start3A_214 = tpu.memref_slice %arg4[%add3A_126, %dma_start3A_213] : memref<61440x128xf32, #tpu.memory_space<hbm>> -> memref<128x128xf32, #tpu.memory_space<hbm>>
      tpu.enqueue_dma source(%arg6 : memref<128x128xf32, #tpu.memory_space<vmem>>) target(%dma_start3A_214 : memref<128x128xf32, #tpu.memory_space<hbm>>) target_semaphore(%run_scoped3A : memref<!tpu.dma_semaphore, #tpu.memory_space<semaphore_mem>>)
      %dma_wait3A_215 = arith.constant 0 : i32
      %dma_wait3A_216 = tpu.memref_slice %arg4[%add3A_126, %dma_wait3A_215] : memref<61440x128xf32, #tpu.memory_space<hbm>> -> memref<128x128xf32, #tpu.memory_space<hbm>>
      %dma_wait3A_217 = arith.constant 0 : i32
      %dma_wait3A_218 = tpu.memref_slice %arg4[%add3A_126, %dma_wait3A_217] : memref<61440x128xf32, #tpu.memory_space<hbm>> -> memref<128x128xf32, #tpu.memory_space<hbm>>
      tpu.wait_dma2 semaphore(%run_scoped3A : memref<!tpu.dma_semaphore, #tpu.memory_space<semaphore_mem>>) src(%arg6 : memref<128x128xf32, #tpu.memory_space<vmem>>) dst(%dma_wait3A_218 : memref<128x128xf32, #tpu.memory_space<hbm>>)
      tpu.yield
    }) : () -> ()
    %dma_start3A_127 = arith.constant 1152 : i32
    %dma_start3A_128 = tpu.memref_slice %arg5[%dma_start3A_127] : memref<1920xi32, #tpu.memory_space<vmem>> -> memref<128xi32, #tpu.memory_space<vmem>>
    %dma_start3A_129 = tpu.memref_reshape %arg2 : memref<8x256x256x128xf32, #tpu.memory_space<hbm>> -> memref<524288x128xf32, #tpu.memory_space<hbm>>
    %dma_start3A_130 = arith.constant 0 : i32
    %dma_start3A_131 = arith.constant 0 : i32
    %dma_start3A_132 = tpu.memref_slice %dma_start3A_129[%dma_start3A_130, %dma_start3A_131] : memref<524288x128xf32, #tpu.memory_space<hbm>> -> memref<524288x128xf32, #tpu.memory_space<hbm>>
    tpu.enqueue_indirect_dma source(%dma_start3A_132 : memref<524288x128xf32, #tpu.memory_space<hbm>>) target(%arg6 : memref<128x128xf32, #tpu.memory_space<vmem>>) offsets(%dma_start3A_128 : memref<128xi32, #tpu.memory_space<vmem>>) semaphore(%arg7 : memref<!tpu.dma_semaphore, #tpu.memory_space<semaphore_mem>>)
    %dma_wait3A_133 = arith.constant 1152 : i32
    %dma_wait3A_134 = tpu.memref_slice %arg5[%dma_wait3A_133] : memref<1920xi32, #tpu.memory_space<vmem>> -> memref<128xi32, #tpu.memory_space<vmem>>
    %dma_wait3A_135 = tpu.memref_reshape %arg2 : memref<8x256x256x128xf32, #tpu.memory_space<hbm>> -> memref<524288x128xf32, #tpu.memory_space<hbm>>
    %dma_wait3A_136 = arith.constant 0 : i32
    %dma_wait3A_137 = arith.constant 0 : i32
    %dma_wait3A_138 = tpu.memref_slice %dma_wait3A_135[%dma_wait3A_136, %dma_wait3A_137] : memref<524288x128xf32, #tpu.memory_space<hbm>> -> memref<524288x128xf32, #tpu.memory_space<hbm>>
    tpu.wait_indirect_dma semaphore(%arg7 : memref<!tpu.dma_semaphore, #tpu.memory_space<semaphore_mem>>) src(%dma_wait3A_138 : memref<524288x128xf32, #tpu.memory_space<hbm>>) dst(%arg6 : memref<128x128xf32, #tpu.memory_space<vmem>>)
    %add3A_139 = arith.constant 1152 : i32
    %add3A_140 = arith.addi %mul3A_2, %add3A_139 : i32
    "tpu.region"() ({
      %run_scoped3A = tpu.sem_alloc : memref<!tpu.dma_semaphore, #tpu.memory_space<semaphore_mem>>
      %dma_start3A_211 = arith.constant 0 : i32
      %dma_start3A_212 = tpu.memref_slice %arg4[%add3A_140, %dma_start3A_211] : memref<61440x128xf32, #tpu.memory_space<hbm>> -> memref<128x128xf32, #tpu.memory_space<hbm>>
      %dma_start3A_213 = arith.constant 0 : i32
      %dma_start3A_214 = tpu.memref_slice %arg4[%add3A_140, %dma_start3A_213] : memref<61440x128xf32, #tpu.memory_space<hbm>> -> memref<128x128xf32, #tpu.memory_space<hbm>>
      tpu.enqueue_dma source(%arg6 : memref<128x128xf32, #tpu.memory_space<vmem>>) target(%dma_start3A_214 : memref<128x128xf32, #tpu.memory_space<hbm>>) target_semaphore(%run_scoped3A : memref<!tpu.dma_semaphore, #tpu.memory_space<semaphore_mem>>)
      %dma_wait3A_215 = arith.constant 0 : i32
      %dma_wait3A_216 = tpu.memref_slice %arg4[%add3A_140, %dma_wait3A_215] : memref<61440x128xf32, #tpu.memory_space<hbm>> -> memref<128x128xf32, #tpu.memory_space<hbm>>
      %dma_wait3A_217 = arith.constant 0 : i32
      %dma_wait3A_218 = tpu.memref_slice %arg4[%add3A_140, %dma_wait3A_217] : memref<61440x128xf32, #tpu.memory_space<hbm>> -> memref<128x128xf32, #tpu.memory_space<hbm>>
      tpu.wait_dma2 semaphore(%run_scoped3A : memref<!tpu.dma_semaphore, #tpu.memory_space<semaphore_mem>>) src(%arg6 : memref<128x128xf32, #tpu.memory_space<vmem>>) dst(%dma_wait3A_218 : memref<128x128xf32, #tpu.memory_space<hbm>>)
      tpu.yield
    }) : () -> ()
    %dma_start3A_141 = arith.constant 1280 : i32
    %dma_start3A_142 = tpu.memref_slice %arg5[%dma_start3A_141] : memref<1920xi32, #tpu.memory_space<vmem>> -> memref<128xi32, #tpu.memory_space<vmem>>
    %dma_start3A_143 = tpu.memref_reshape %arg2 : memref<8x256x256x128xf32, #tpu.memory_space<hbm>> -> memref<524288x128xf32, #tpu.memory_space<hbm>>
    %dma_start3A_144 = arith.constant 0 : i32
    %dma_start3A_145 = arith.constant 0 : i32
    %dma_start3A_146 = tpu.memref_slice %dma_start3A_143[%dma_start3A_144, %dma_start3A_145] : memref<524288x128xf32, #tpu.memory_space<hbm>> -> memref<524288x128xf32, #tpu.memory_space<hbm>>
    tpu.enqueue_indirect_dma source(%dma_start3A_146 : memref<524288x128xf32, #tpu.memory_space<hbm>>) target(%arg6 : memref<128x128xf32, #tpu.memory_space<vmem>>) offsets(%dma_start3A_142 : memref<128xi32, #tpu.memory_space<vmem>>) semaphore(%arg7 : memref<!tpu.dma_semaphore, #tpu.memory_space<semaphore_mem>>)
    %dma_wait3A_147 = arith.constant 1280 : i32
    %dma_wait3A_148 = tpu.memref_slice %arg5[%dma_wait3A_147] : memref<1920xi32, #tpu.memory_space<vmem>> -> memref<128xi32, #tpu.memory_space<vmem>>
    %dma_wait3A_149 = tpu.memref_reshape %arg2 : memref<8x256x256x128xf32, #tpu.memory_space<hbm>> -> memref<524288x128xf32, #tpu.memory_space<hbm>>
    %dma_wait3A_150 = arith.constant 0 : i32
    %dma_wait3A_151 = arith.constant 0 : i32
    %dma_wait3A_152 = tpu.memref_slice %dma_wait3A_149[%dma_wait3A_150, %dma_wait3A_151] : memref<524288x128xf32, #tpu.memory_space<hbm>> -> memref<524288x128xf32, #tpu.memory_space<hbm>>
    tpu.wait_indirect_dma semaphore(%arg7 : memref<!tpu.dma_semaphore, #tpu.memory_space<semaphore_mem>>) src(%dma_wait3A_152 : memref<524288x128xf32, #tpu.memory_space<hbm>>) dst(%arg6 : memref<128x128xf32, #tpu.memory_space<vmem>>)
    %add3A_153 = arith.constant 1280 : i32
    %add3A_154 = arith.addi %mul3A_2, %add3A_153 : i32
    "tpu.region"() ({
      %run_scoped3A = tpu.sem_alloc : memref<!tpu.dma_semaphore, #tpu.memory_space<semaphore_mem>>
      %dma_start3A_211 = arith.constant 0 : i32
      %dma_start3A_212 = tpu.memref_slice %arg4[%add3A_154, %dma_start3A_211] : memref<61440x128xf32, #tpu.memory_space<hbm>> -> memref<128x128xf32, #tpu.memory_space<hbm>>
      %dma_start3A_213 = arith.constant 0 : i32
      %dma_start3A_214 = tpu.memref_slice %arg4[%add3A_154, %dma_start3A_213] : memref<61440x128xf32, #tpu.memory_space<hbm>> -> memref<128x128xf32, #tpu.memory_space<hbm>>
      tpu.enqueue_dma source(%arg6 : memref<128x128xf32, #tpu.memory_space<vmem>>) target(%dma_start3A_214 : memref<128x128xf32, #tpu.memory_space<hbm>>) target_semaphore(%run_scoped3A : memref<!tpu.dma_semaphore, #tpu.memory_space<semaphore_mem>>)
      %dma_wait3A_215 = arith.constant 0 : i32
      %dma_wait3A_216 = tpu.memref_slice %arg4[%add3A_154, %dma_wait3A_215] : memref<61440x128xf32, #tpu.memory_space<hbm>> -> memref<128x128xf32, #tpu.memory_space<hbm>>
      %dma_wait3A_217 = arith.constant 0 : i32
      %dma_wait3A_218 = tpu.memref_slice %arg4[%add3A_154, %dma_wait3A_217] : memref<61440x128xf32, #tpu.memory_space<hbm>> -> memref<128x128xf32, #tpu.memory_space<hbm>>
      tpu.wait_dma2 semaphore(%run_scoped3A : memref<!tpu.dma_semaphore, #tpu.memory_space<semaphore_mem>>) src(%arg6 : memref<128x128xf32, #tpu.memory_space<vmem>>) dst(%dma_wait3A_218 : memref<128x128xf32, #tpu.memory_space<hbm>>)
      tpu.yield
    }) : () -> ()
    %dma_start3A_155 = arith.constant 1408 : i32
    %dma_start3A_156 = tpu.memref_slice %arg5[%dma_start3A_155] : memref<1920xi32, #tpu.memory_space<vmem>> -> memref<128xi32, #tpu.memory_space<vmem>>
    %dma_start3A_157 = tpu.memref_reshape %arg2 : memref<8x256x256x128xf32, #tpu.memory_space<hbm>> -> memref<524288x128xf32, #tpu.memory_space<hbm>>
    %dma_start3A_158 = arith.constant 0 : i32
    %dma_start3A_159 = arith.constant 0 : i32
    %dma_start3A_160 = tpu.memref_slice %dma_start3A_157[%dma_start3A_158, %dma_start3A_159] : memref<524288x128xf32, #tpu.memory_space<hbm>> -> memref<524288x128xf32, #tpu.memory_space<hbm>>
    tpu.enqueue_indirect_dma source(%dma_start3A_160 : memref<524288x128xf32, #tpu.memory_space<hbm>>) target(%arg6 : memref<128x128xf32, #tpu.memory_space<vmem>>) offsets(%dma_start3A_156 : memref<128xi32, #tpu.memory_space<vmem>>) semaphore(%arg7 : memref<!tpu.dma_semaphore, #tpu.memory_space<semaphore_mem>>)
    %dma_wait3A_161 = arith.constant 1408 : i32
    %dma_wait3A_162 = tpu.memref_slice %arg5[%dma_wait3A_161] : memref<1920xi32, #tpu.memory_space<vmem>> -> memref<128xi32, #tpu.memory_space<vmem>>
    %dma_wait3A_163 = tpu.memref_reshape %arg2 : memref<8x256x256x128xf32, #tpu.memory_space<hbm>> -> memref<524288x128xf32, #tpu.memory_space<hbm>>
    %dma_wait3A_164 = arith.constant 0 : i32
    %dma_wait3A_165 = arith.constant 0 : i32
    %dma_wait3A_166 = tpu.memref_slice %dma_wait3A_163[%dma_wait3A_164, %dma_wait3A_165] : memref<524288x128xf32, #tpu.memory_space<hbm>> -> memref<524288x128xf32, #tpu.memory_space<hbm>>
    tpu.wait_indirect_dma semaphore(%arg7 : memref<!tpu.dma_semaphore, #tpu.memory_space<semaphore_mem>>) src(%dma_wait3A_166 : memref<524288x128xf32, #tpu.memory_space<hbm>>) dst(%arg6 : memref<128x128xf32, #tpu.memory_space<vmem>>)
    %add3A_167 = arith.constant 1408 : i32
    %add3A_168 = arith.addi %mul3A_2, %add3A_167 : i32
    "tpu.region"() ({
      %run_scoped3A = tpu.sem_alloc : memref<!tpu.dma_semaphore, #tpu.memory_space<semaphore_mem>>
      %dma_start3A_211 = arith.constant 0 : i32
      %dma_start3A_212 = tpu.memref_slice %arg4[%add3A_168, %dma_start3A_211] : memref<61440x128xf32, #tpu.memory_space<hbm>> -> memref<128x128xf32, #tpu.memory_space<hbm>>
      %dma_start3A_213 = arith.constant 0 : i32
      %dma_start3A_214 = tpu.memref_slice %arg4[%add3A_168, %dma_start3A_213] : memref<61440x128xf32, #tpu.memory_space<hbm>> -> memref<128x128xf32, #tpu.memory_space<hbm>>
      tpu.enqueue_dma source(%arg6 : memref<128x128xf32, #tpu.memory_space<vmem>>) target(%dma_start3A_214 : memref<128x128xf32, #tpu.memory_space<hbm>>) target_semaphore(%run_scoped3A : memref<!tpu.dma_semaphore, #tpu.memory_space<semaphore_mem>>)
      %dma_wait3A_215 = arith.constant 0 : i32
      %dma_wait3A_216 = tpu.memref_slice %arg4[%add3A_168, %dma_wait3A_215] : memref<61440x128xf32, #tpu.memory_space<hbm>> -> memref<128x128xf32, #tpu.memory_space<hbm>>
      %dma_wait3A_217 = arith.constant 0 : i32
      %dma_wait3A_218 = tpu.memref_slice %arg4[%add3A_168, %dma_wait3A_217] : memref<61440x128xf32, #tpu.memory_space<hbm>> -> memref<128x128xf32, #tpu.memory_space<hbm>>
      tpu.wait_dma2 semaphore(%run_scoped3A : memref<!tpu.dma_semaphore, #tpu.memory_space<semaphore_mem>>) src(%arg6 : memref<128x128xf32, #tpu.memory_space<vmem>>) dst(%dma_wait3A_218 : memref<128x128xf32, #tpu.memory_space<hbm>>)
      tpu.yield
    }) : () -> ()
    %dma_start3A_169 = arith.constant 1536 : i32
    %dma_start3A_170 = tpu.memref_slice %arg5[%dma_start3A_169] : memref<1920xi32, #tpu.memory_space<vmem>> -> memref<128xi32, #tpu.memory_space<vmem>>
    %dma_start3A_171 = tpu.memref_reshape %arg2 : memref<8x256x256x128xf32, #tpu.memory_space<hbm>> -> memref<524288x128xf32, #tpu.memory_space<hbm>>
    %dma_start3A_172 = arith.constant 0 : i32
    %dma_start3A_173 = arith.constant 0 : i32
    %dma_start3A_174 = tpu.memref_slice %dma_start3A_171[%dma_start3A_172, %dma_start3A_173] : memref<524288x128xf32, #tpu.memory_space<hbm>> -> memref<524288x128xf32, #tpu.memory_space<hbm>>
    tpu.enqueue_indirect_dma source(%dma_start3A_174 : memref<524288x128xf32, #tpu.memory_space<hbm>>) target(%arg6 : memref<128x128xf32, #tpu.memory_space<vmem>>) offsets(%dma_start3A_170 : memref<128xi32, #tpu.memory_space<vmem>>) semaphore(%arg7 : memref<!tpu.dma_semaphore, #tpu.memory_space<semaphore_mem>>)
    %dma_wait3A_175 = arith.constant 1536 : i32
    %dma_wait3A_176 = tpu.memref_slice %arg5[%dma_wait3A_175] : memref<1920xi32, #tpu.memory_space<vmem>> -> memref<128xi32, #tpu.memory_space<vmem>>
    %dma_wait3A_177 = tpu.memref_reshape %arg2 : memref<8x256x256x128xf32, #tpu.memory_space<hbm>> -> memref<524288x128xf32, #tpu.memory_space<hbm>>
    %dma_wait3A_178 = arith.constant 0 : i32
    %dma_wait3A_179 = arith.constant 0 : i32
    %dma_wait3A_180 = tpu.memref_slice %dma_wait3A_177[%dma_wait3A_178, %dma_wait3A_179] : memref<524288x128xf32, #tpu.memory_space<hbm>> -> memref<524288x128xf32, #tpu.memory_space<hbm>>
    tpu.wait_indirect_dma semaphore(%arg7 : memref<!tpu.dma_semaphore, #tpu.memory_space<semaphore_mem>>) src(%dma_wait3A_180 : memref<524288x128xf32, #tpu.memory_space<hbm>>) dst(%arg6 : memref<128x128xf32, #tpu.memory_space<vmem>>)
    %add3A_181 = arith.constant 1536 : i32
    %add3A_182 = arith.addi %mul3A_2, %add3A_181 : i32
    "tpu.region"() ({
      %run_scoped3A = tpu.sem_alloc : memref<!tpu.dma_semaphore, #tpu.memory_space<semaphore_mem>>
      %dma_start3A_211 = arith.constant 0 : i32
      %dma_start3A_212 = tpu.memref_slice %arg4[%add3A_182, %dma_start3A_211] : memref<61440x128xf32, #tpu.memory_space<hbm>> -> memref<128x128xf32, #tpu.memory_space<hbm>>
      %dma_start3A_213 = arith.constant 0 : i32
      %dma_start3A_214 = tpu.memref_slice %arg4[%add3A_182, %dma_start3A_213] : memref<61440x128xf32, #tpu.memory_space<hbm>> -> memref<128x128xf32, #tpu.memory_space<hbm>>
      tpu.enqueue_dma source(%arg6 : memref<128x128xf32, #tpu.memory_space<vmem>>) target(%dma_start3A_214 : memref<128x128xf32, #tpu.memory_space<hbm>>) target_semaphore(%run_scoped3A : memref<!tpu.dma_semaphore, #tpu.memory_space<semaphore_mem>>)
      %dma_wait3A_215 = arith.constant 0 : i32
      %dma_wait3A_216 = tpu.memref_slice %arg4[%add3A_182, %dma_wait3A_215] : memref<61440x128xf32, #tpu.memory_space<hbm>> -> memref<128x128xf32, #tpu.memory_space<hbm>>
      %dma_wait3A_217 = arith.constant 0 : i32
      %dma_wait3A_218 = tpu.memref_slice %arg4[%add3A_182, %dma_wait3A_217] : memref<61440x128xf32, #tpu.memory_space<hbm>> -> memref<128x128xf32, #tpu.memory_space<hbm>>
      tpu.wait_dma2 semaphore(%run_scoped3A : memref<!tpu.dma_semaphore, #tpu.memory_space<semaphore_mem>>) src(%arg6 : memref<128x128xf32, #tpu.memory_space<vmem>>) dst(%dma_wait3A_218 : memref<128x128xf32, #tpu.memory_space<hbm>>)
      tpu.yield
    }) : () -> ()
    %dma_start3A_183 = arith.constant 1664 : i32
    %dma_start3A_184 = tpu.memref_slice %arg5[%dma_start3A_183] : memref<1920xi32, #tpu.memory_space<vmem>> -> memref<128xi32, #tpu.memory_space<vmem>>
    %dma_start3A_185 = tpu.memref_reshape %arg2 : memref<8x256x256x128xf32, #tpu.memory_space<hbm>> -> memref<524288x128xf32, #tpu.memory_space<hbm>>
    %dma_start3A_186 = arith.constant 0 : i32
    %dma_start3A_187 = arith.constant 0 : i32
    %dma_start3A_188 = tpu.memref_slice %dma_start3A_185[%dma_start3A_186, %dma_start3A_187] : memref<524288x128xf32, #tpu.memory_space<hbm>> -> memref<524288x128xf32, #tpu.memory_space<hbm>>
    tpu.enqueue_indirect_dma source(%dma_start3A_188 : memref<524288x128xf32, #tpu.memory_space<hbm>>) target(%arg6 : memref<128x128xf32, #tpu.memory_space<vmem>>) offsets(%dma_start3A_184 : memref<128xi32, #tpu.memory_space<vmem>>) semaphore(%arg7 : memref<!tpu.dma_semaphore, #tpu.memory_space<semaphore_mem>>)
    %dma_wait3A_189 = arith.constant 1664 : i32
    %dma_wait3A_190 = tpu.memref_slice %arg5[%dma_wait3A_189] : memref<1920xi32, #tpu.memory_space<vmem>> -> memref<128xi32, #tpu.memory_space<vmem>>
    %dma_wait3A_191 = tpu.memref_reshape %arg2 : memref<8x256x256x128xf32, #tpu.memory_space<hbm>> -> memref<524288x128xf32, #tpu.memory_space<hbm>>
    %dma_wait3A_192 = arith.constant 0 : i32
    %dma_wait3A_193 = arith.constant 0 : i32
    %dma_wait3A_194 = tpu.memref_slice %dma_wait3A_191[%dma_wait3A_192, %dma_wait3A_193] : memref<524288x128xf32, #tpu.memory_space<hbm>> -> memref<524288x128xf32, #tpu.memory_space<hbm>>
    tpu.wait_indirect_dma semaphore(%arg7 : memref<!tpu.dma_semaphore, #tpu.memory_space<semaphore_mem>>) src(%dma_wait3A_194 : memref<524288x128xf32, #tpu.memory_space<hbm>>) dst(%arg6 : memref<128x128xf32, #tpu.memory_space<vmem>>)
    %add3A_195 = arith.constant 1664 : i32
    %add3A_196 = arith.addi %mul3A_2, %add3A_195 : i32
    "tpu.region"() ({
      %run_scoped3A = tpu.sem_alloc : memref<!tpu.dma_semaphore, #tpu.memory_space<semaphore_mem>>
      %dma_start3A_211 = arith.constant 0 : i32
      %dma_start3A_212 = tpu.memref_slice %arg4[%add3A_196, %dma_start3A_211] : memref<61440x128xf32, #tpu.memory_space<hbm>> -> memref<128x128xf32, #tpu.memory_space<hbm>>
      %dma_start3A_213 = arith.constant 0 : i32
      %dma_start3A_214 = tpu.memref_slice %arg4[%add3A_196, %dma_start3A_213] : memref<61440x128xf32, #tpu.memory_space<hbm>> -> memref<128x128xf32, #tpu.memory_space<hbm>>
      tpu.enqueue_dma source(%arg6 : memref<128x128xf32, #tpu.memory_space<vmem>>) target(%dma_start3A_214 : memref<128x128xf32, #tpu.memory_space<hbm>>) target_semaphore(%run_scoped3A : memref<!tpu.dma_semaphore, #tpu.memory_space<semaphore_mem>>)
      %dma_wait3A_215 = arith.constant 0 : i32
      %dma_wait3A_216 = tpu.memref_slice %arg4[%add3A_196, %dma_wait3A_215] : memref<61440x128xf32, #tpu.memory_space<hbm>> -> memref<128x128xf32, #tpu.memory_space<hbm>>
      %dma_wait3A_217 = arith.constant 0 : i32
      %dma_wait3A_218 = tpu.memref_slice %arg4[%add3A_196, %dma_wait3A_217] : memref<61440x128xf32, #tpu.memory_space<hbm>> -> memref<128x128xf32, #tpu.memory_space<hbm>>
      tpu.wait_dma2 semaphore(%run_scoped3A : memref<!tpu.dma_semaphore, #tpu.memory_space<semaphore_mem>>) src(%arg6 : memref<128x128xf32, #tpu.memory_space<vmem>>) dst(%dma_wait3A_218 : memref<128x128xf32, #tpu.memory_space<hbm>>)
      tpu.yield
    }) : () -> ()
    %dma_start3A_197 = arith.constant 1792 : i32
    %dma_start3A_198 = tpu.memref_slice %arg5[%dma_start3A_197] : memref<1920xi32, #tpu.memory_space<vmem>> -> memref<128xi32, #tpu.memory_space<vmem>>
    %dma_start3A_199 = tpu.memref_reshape %arg2 : memref<8x256x256x128xf32, #tpu.memory_space<hbm>> -> memref<524288x128xf32, #tpu.memory_space<hbm>>
    %dma_start3A_200 = arith.constant 0 : i32
    %dma_start3A_201 = arith.constant 0 : i32
    %dma_start3A_202 = tpu.memref_slice %dma_start3A_199[%dma_start3A_200, %dma_start3A_201] : memref<524288x128xf32, #tpu.memory_space<hbm>> -> memref<524288x128xf32, #tpu.memory_space<hbm>>
    tpu.enqueue_indirect_dma source(%dma_start3A_202 : memref<524288x128xf32, #tpu.memory_space<hbm>>) target(%arg6 : memref<128x128xf32, #tpu.memory_space<vmem>>) offsets(%dma_start3A_198 : memref<128xi32, #tpu.memory_space<vmem>>) semaphore(%arg7 : memref<!tpu.dma_semaphore, #tpu.memory_space<semaphore_mem>>)
    %dma_wait3A_203 = arith.constant 1792 : i32
    %dma_wait3A_204 = tpu.memref_slice %arg5[%dma_wait3A_203] : memref<1920xi32, #tpu.memory_space<vmem>> -> memref<128xi32, #tpu.memory_space<vmem>>
    %dma_wait3A_205 = tpu.memref_reshape %arg2 : memref<8x256x256x128xf32, #tpu.memory_space<hbm>> -> memref<524288x128xf32, #tpu.memory_space<hbm>>
    %dma_wait3A_206 = arith.constant 0 : i32
    %dma_wait3A_207 = arith.constant 0 : i32
    %dma_wait3A_208 = tpu.memref_slice %dma_wait3A_205[%dma_wait3A_206, %dma_wait3A_207] : memref<524288x128xf32, #tpu.memory_space<hbm>> -> memref<524288x128xf32, #tpu.memory_space<hbm>>
    tpu.wait_indirect_dma semaphore(%arg7 : memref<!tpu.dma_semaphore, #tpu.memory_space<semaphore_mem>>) src(%dma_wait3A_208 : memref<524288x128xf32, #tpu.memory_space<hbm>>) dst(%arg6 : memref<128x128xf32, #tpu.memory_space<vmem>>)
    %add3A_209 = arith.constant 1792 : i32
    %add3A_210 = arith.addi %mul3A_2, %add3A_209 : i32
    "tpu.region"() ({
      %run_scoped3A = tpu.sem_alloc : memref<!tpu.dma_semaphore, #tpu.memory_space<semaphore_mem>>
      %dma_start3A_211 = arith.constant 0 : i32
      %dma_start3A_212 = tpu.memref_slice %arg4[%add3A_210, %dma_start3A_211] : memref<61440x128xf32, #tpu.memory_space<hbm>> -> memref<128x128xf32, #tpu.memory_space<hbm>>
      %dma_start3A_213 = arith.constant 0 : i32
      %dma_start3A_214 = tpu.memref_slice %arg4[%add3A_210, %dma_start3A_213] : memref<61440x128xf32, #tpu.memory_space<hbm>> -> memref<128x128xf32, #tpu.memory_space<hbm>>
      tpu.enqueue_dma source(%arg6 : memref<128x128xf32, #tpu.memory_space<vmem>>) target(%dma_start3A_214 : memref<128x128xf32, #tpu.memory_space<hbm>>) target_semaphore(%run_scoped3A : memref<!tpu.dma_semaphore, #tpu.memory_space<semaphore_mem>>)
      %dma_wait3A_215 = arith.constant 0 : i32
      %dma_wait3A_216 = tpu.memref_slice %arg4[%add3A_210, %dma_wait3A_215] : memref<61440x128xf32, #tpu.memory_space<hbm>> -> memref<128x128xf32, #tpu.memory_space<hbm>>
      %dma_wait3A_217 = arith.constant 0 : i32
      %dma_wait3A_218 = tpu.memref_slice %arg4[%add3A_210, %dma_wait3A_217] : memref<61440x128xf32, #tpu.memory_space<hbm>> -> memref<128x128xf32, #tpu.memory_space<hbm>>
      tpu.wait_dma2 semaphore(%run_scoped3A : memref<!tpu.dma_semaphore, #tpu.memory_space<semaphore_mem>>) src(%arg6 : memref<128x128xf32, #tpu.memory_space<vmem>>) dst(%dma_wait3A_218 : memref<128x128xf32, #tpu.memory_space<hbm>>)
      tpu.yield
    }) : () -> ()
    return
  }
}

module attributes {stable_mosaic.version = 14 : i64} {
  func.func @_feat_kernel(%arg0: i32, %arg1: memref<1x256x3xf32, #tpu.memory_space<vmem>>, %arg2: memref<1x3x256xf32, #tpu.memory_space<vmem>>, %arg3: memref<1x768x3xf32, #tpu.memory_space<vmem>>, %arg4: memref<1x256x1xf32, #tpu.memory_space<vmem>>, %arg5: memref<1x1x256xf32, #tpu.memory_space<vmem>>, %arg6: memref<1x256x128xf32, #tpu.memory_space<vmem>>, %arg7: memref<6x128xf32, #tpu.memory_space<vmem>>, %arg8: memref<1x128xf32, #tpu.memory_space<vmem>>, %arg9: memref<1x128xf32, #tpu.memory_space<vmem>>, %arg10: memref<1x128xf32, #tpu.memory_space<vmem>>, %arg11: memref<256x128xf32, #tpu.memory_space<vmem>>, %arg12: memref<1x128xf32, #tpu.memory_space<vmem>>, %arg13: memref<1x256x30xi32, #tpu.memory_space<vmem>>, %arg14: memref<1x256x30xf32, #tpu.memory_space<vmem>>, %arg15: memref<1x256x30xi32, #tpu.memory_space<vmem>>, %arg16: memref<1x256x128xf32, #tpu.memory_space<vmem>>) attributes {dimension_semantics = [#tpu.dimension_semantics<arbitrary>], iteration_bounds = array<i64: 8>, scalar_prefetch = 0 : i64, scratch_operands = 0 : i64, tpu.core_type = #tpu.core_type<tc>, window_params = [{transform_indices = @transform_0, window_bounds = array<i64: 1, 256, 3>}, {transform_indices = @transform_1, window_bounds = array<i64: 1, 3, 256>}, {transform_indices = @transform_2, window_bounds = array<i64: 1, 768, 3>}, {transform_indices = @transform_3, window_bounds = array<i64: 1, 256, 1>}, {transform_indices = @transform_4, window_bounds = array<i64: 1, 1, 256>}, {transform_indices = @transform_5, window_bounds = array<i64: 1, 256, 128>}, {pipeline_mode = #tpu.pipeline_mode<synchronous>, transform_indices = @transform_6, window_bounds = array<i64: 6, 128>}, {pipeline_mode = #tpu.pipeline_mode<synchronous>, transform_indices = @transform_7, window_bounds = array<i64: 1, 128>}, {pipeline_mode = #tpu.pipeline_mode<synchronous>, transform_indices = @transform_8, window_bounds = array<i64: 1, 128>}, {pipeline_mode = #tpu.pipeline_mode<synchronous>, transform_indices = @transform_9, window_bounds = array<i64: 1, 128>}, {pipeline_mode = #tpu.pipeline_mode<synchronous>, transform_indices = @transform_10, window_bounds = array<i64: 256, 128>}, {pipeline_mode = #tpu.pipeline_mode<synchronous>, transform_indices = @transform_11, window_bounds = array<i64: 1, 128>}, {transform_indices = @transform_12, window_bounds = array<i64: 1, 256, 30>}, {transform_indices = @transform_13, window_bounds = array<i64: 1, 256, 30>}, {transform_indices = @transform_14, window_bounds = array<i64: 1, 256, 30>}, {transform_indices = @transform_15, window_bounds = array<i64: 1, 256, 128>}]} {
    %get3A = arith.constant 0 : index
    %get3A_0 = arith.constant 0 : index
    %get3A_1 = arith.constant 0 : index
    %get3A_2 = vector.load %arg1[%get3A, %get3A_0, %get3A_1] : memref<1x256x3xf32, #tpu.memory_space<vmem>>, vector<1x256x3xf32>
    %get3A_3 = vector.shape_cast %get3A_2 : vector<1x256x3xf32> to vector<256x3xf32>
    %get3A_4 = arith.constant 0 : index
    %get3A_5 = arith.constant 0 : index
    %get3A_6 = arith.constant 0 : index
    %get3A_7 = vector.load %arg2[%get3A_4, %get3A_5, %get3A_6] : memref<1x3x256xf32, #tpu.memory_space<vmem>>, vector<1x3x256xf32>
    %get3A_8 = vector.shape_cast %get3A_7 : vector<1x3x256xf32> to vector<3x256xf32>
    %get3A_9 = arith.constant 0 : index
    %get3A_10 = arith.constant 0 : index
    %get3A_11 = arith.constant 0 : index
    %get3A_12 = vector.load %arg4[%get3A_9, %get3A_10, %get3A_11] : memref<1x256x1xf32, #tpu.memory_space<vmem>>, vector<1x256x1xf32>
    %get3A_13 = vector.shape_cast %get3A_12 : vector<1x256x1xf32> to vector<256x1xf32>
    %get3A_14 = arith.constant 0 : index
    %get3A_15 = arith.constant 0 : index
    %get3A_16 = arith.constant 0 : index
    %get3A_17 = vector.load %arg5[%get3A_14, %get3A_15, %get3A_16] : memref<1x1x256xf32, #tpu.memory_space<vmem>>, vector<1x1x256xf32>
    %get3A_18 = vector.shape_cast %get3A_17 : vector<1x1x256xf32> to vector<1x256xf32>
    %broadcast_in_dim3A = arith.constant 0.000000e+00 : f32
    %broadcast_in_dim3A_19 = vector.broadcast %broadcast_in_dim3A : f32 to vector<256x256xf32>
    %slice3A = vector.extract_strided_slice %get3A_3 {offsets = [0, 0], sizes = [256, 1], strides = [1, 1]} : vector<256x3xf32> to vector<256x1xf32>
    %slice3A_20 = vector.extract_strided_slice %get3A_8 {offsets = [0, 0], sizes = [1, 256], strides = [1, 1]} : vector<3x256xf32> to vector<1x256xf32>
    %sub3A = vector.broadcast %slice3A : vector<256x1xf32> to vector<256x256xf32>
    %sub3A_21 = vector.broadcast %slice3A_20 : vector<1x256xf32> to vector<256x256xf32>
    %sub3A_22 = arith.subf %sub3A, %sub3A_21 : vector<256x256xf32>
    %mul3A = arith.mulf %sub3A_22, %sub3A_22 : vector<256x256xf32>
    %add3A = arith.addf %broadcast_in_dim3A_19, %mul3A : vector<256x256xf32>
    %slice3A_23 = vector.extract_strided_slice %get3A_3 {offsets = [0, 1], sizes = [256, 1], strides = [1, 1]} : vector<256x3xf32> to vector<256x1xf32>
    %slice3A_24 = vector.extract_strided_slice %get3A_8 {offsets = [1, 0], sizes = [1, 256], strides = [1, 1]} : vector<3x256xf32> to vector<1x256xf32>
    %sub3A_25 = vector.broadcast %slice3A_23 : vector<256x1xf32> to vector<256x256xf32>
    %sub3A_26 = vector.broadcast %slice3A_24 : vector<1x256xf32> to vector<256x256xf32>
    %sub3A_27 = arith.subf %sub3A_25, %sub3A_26 : vector<256x256xf32>
    %mul3A_28 = arith.mulf %sub3A_27, %sub3A_27 : vector<256x256xf32>
    %add3A_29 = arith.addf %add3A, %mul3A_28 : vector<256x256xf32>
    %slice3A_30 = vector.extract_strided_slice %get3A_3 {offsets = [0, 2], sizes = [256, 1], strides = [1, 1]} : vector<256x3xf32> to vector<256x1xf32>
    %slice3A_31 = vector.extract_strided_slice %get3A_8 {offsets = [2, 0], sizes = [1, 256], strides = [1, 1]} : vector<3x256xf32> to vector<1x256xf32>
    %sub3A_32 = vector.broadcast %slice3A_30 : vector<256x1xf32> to vector<256x256xf32>
    %sub3A_33 = vector.broadcast %slice3A_31 : vector<1x256xf32> to vector<256x256xf32>
    %sub3A_34 = arith.subf %sub3A_32, %sub3A_33 : vector<256x256xf32>
    %mul3A_35 = arith.mulf %sub3A_34, %sub3A_34 : vector<256x256xf32>
    %add3A_36 = arith.addf %add3A_29, %mul3A_35 : vector<256x256xf32>
    %add3A_37 = arith.constant 9.99999997E-7 : f32
    %add3A_38 = vector.broadcast %add3A_37 : f32 to vector<256x256xf32>
    %add3A_39 = arith.addf %add3A_36, %add3A_38 : vector<256x256xf32>
    %sqrt3A = math.sqrt %add3A_39 : vector<256x256xf32>
    %mul3A_40 = vector.broadcast %get3A_13 : vector<256x1xf32> to vector<256x256xf32>
    %mul3A_41 = vector.broadcast %get3A_18 : vector<1x256xf32> to vector<256x256xf32>
    %mul3A_42 = arith.mulf %mul3A_40, %mul3A_41 : vector<256x256xf32>
    %sub3A_43 = arith.constant 1.000000e+00 : f32
    %sub3A_44 = vector.broadcast %sub3A_43 : f32 to vector<256x256xf32>
    %sub3A_45 = arith.subf %sub3A_44, %mul3A_42 : vector<256x256xf32>
    %mul3A_46 = arith.constant 1.000000e+06 : f32
    %mul3A_47 = vector.broadcast %mul3A_46 : f32 to vector<256x256xf32>
    %mul3A_48 = arith.mulf %sub3A_45, %mul3A_47 : vector<256x256xf32>
    %add3A_49 = arith.addf %sqrt3A, %mul3A_48 : vector<256x256xf32>
    %iota3A = tpu.iota {dimensions = array<i32: 1>} : vector<256x256xi32>
    %reduce_min3A = arith.constant dense<0x7F800000> : vector<256xf32>
    %reduce_min3A_50 = vector.multi_reduction <minimumf>, %add3A_49, %reduce_min3A [1] : vector<256x256xf32> to vector<256xf32>
    %broadcast_in_dim3A_51 = vector.shape_cast %reduce_min3A_50 : vector<256xf32> to vector<256x1xf32>
    %eq3A = vector.broadcast %broadcast_in_dim3A_51 : vector<256x1xf32> to vector<256x256xf32>
    %eq3A_52 = arith.cmpf oeq, %add3A_49, %eq3A : vector<256x256xf32>
    %jit3A = arith.constant 256 : i32
    %broadcast_in_dim3A_53 = vector.broadcast %jit3A : i32 to vector<256x256xi32>
    %select_n3A = arith.select %eq3A_52, %iota3A, %broadcast_in_dim3A_53 : vector<256x256xi1>, vector<256x256xi32>
    %reduce_min3A_54 = arith.constant dense<2147483647> : vector<256xi32>
    %reduce_min3A_55 = vector.multi_reduction <minsi>, %select_n3A, %reduce_min3A_54 [1] : vector<256x256xi32> to vector<256xi32>
    %broadcast_in_dim3A_56 = vector.shape_cast %reduce_min3A_55 : vector<256xi32> to vector<256x1xi32>
    %eq3A_57 = vector.broadcast %broadcast_in_dim3A_56 : vector<256x1xi32> to vector<256x256xi32>
    %eq3A_58 = arith.cmpi eq, %iota3A, %eq3A_57 : vector<256x256xi32>
    %jit3A_59 = arith.constant 1.000000e+30 : f32
    %broadcast_in_dim3A_60 = vector.broadcast %jit3A_59 : f32 to vector<256x256xf32>
    %select_n3A_61 = arith.select %eq3A_58, %broadcast_in_dim3A_60, %add3A_49 : vector<256x256xi1>, vector<256x256xf32>
    %reduce_min3A_62 = arith.constant dense<0x7F800000> : vector<256xf32>
    %reduce_min3A_63 = vector.multi_reduction <minimumf>, %select_n3A_61, %reduce_min3A_62 [1] : vector<256x256xf32> to vector<256xf32>
    %broadcast_in_dim3A_64 = vector.shape_cast %reduce_min3A_63 : vector<256xf32> to vector<256x1xf32>
    %eq3A_65 = vector.broadcast %broadcast_in_dim3A_64 : vector<256x1xf32> to vector<256x256xf32>
    %eq3A_66 = arith.cmpf oeq, %select_n3A_61, %eq3A_65 : vector<256x256xf32>
    %jit3A_67 = arith.constant 256 : i32
    %broadcast_in_dim3A_68 = vector.broadcast %jit3A_67 : i32 to vector<256x256xi32>
    %select_n3A_69 = arith.select %eq3A_66, %iota3A, %broadcast_in_dim3A_68 : vector<256x256xi1>, vector<256x256xi32>
    %reduce_min3A_70 = arith.constant dense<2147483647> : vector<256xi32>
    %reduce_min3A_71 = vector.multi_reduction <minsi>, %select_n3A_69, %reduce_min3A_70 [1] : vector<256x256xi32> to vector<256xi32>
    %broadcast_in_dim3A_72 = vector.shape_cast %reduce_min3A_71 : vector<256xi32> to vector<256x1xi32>
    %eq3A_73 = vector.broadcast %broadcast_in_dim3A_72 : vector<256x1xi32> to vector<256x256xi32>
    %eq3A_74 = arith.cmpi eq, %iota3A, %eq3A_73 : vector<256x256xi32>
    %jit3A_75 = arith.constant 1.000000e+30 : f32
    %broadcast_in_dim3A_76 = vector.broadcast %jit3A_75 : f32 to vector<256x256xf32>
    %select_n3A_77 = arith.select %eq3A_74, %broadcast_in_dim3A_76, %select_n3A_61 : vector<256x256xi1>, vector<256x256xf32>
    %reduce_min3A_78 = arith.constant dense<0x7F800000> : vector<256xf32>
    %reduce_min3A_79 = vector.multi_reduction <minimumf>, %select_n3A_77, %reduce_min3A_78 [1] : vector<256x256xf32> to vector<256xf32>
    %broadcast_in_dim3A_80 = vector.shape_cast %reduce_min3A_79 : vector<256xf32> to vector<256x1xf32>
    %eq3A_81 = vector.broadcast %broadcast_in_dim3A_80 : vector<256x1xf32> to vector<256x256xf32>
    %eq3A_82 = arith.cmpf oeq, %select_n3A_77, %eq3A_81 : vector<256x256xf32>
    %jit3A_83 = arith.constant 256 : i32
    %broadcast_in_dim3A_84 = vector.broadcast %jit3A_83 : i32 to vector<256x256xi32>
    %select_n3A_85 = arith.select %eq3A_82, %iota3A, %broadcast_in_dim3A_84 : vector<256x256xi1>, vector<256x256xi32>
    %reduce_min3A_86 = arith.constant dense<2147483647> : vector<256xi32>
    %reduce_min3A_87 = vector.multi_reduction <minsi>, %select_n3A_85, %reduce_min3A_86 [1] : vector<256x256xi32> to vector<256xi32>
    %broadcast_in_dim3A_88 = vector.shape_cast %reduce_min3A_87 : vector<256xi32> to vector<256x1xi32>
    %eq3A_89 = vector.broadcast %broadcast_in_dim3A_88 : vector<256x1xi32> to vector<256x256xi32>
    %eq3A_90 = arith.cmpi eq, %iota3A, %eq3A_89 : vector<256x256xi32>
    %jit3A_91 = arith.constant 1.000000e+30 : f32
    %broadcast_in_dim3A_92 = vector.broadcast %jit3A_91 : f32 to vector<256x256xf32>
    %select_n3A_93 = arith.select %eq3A_90, %broadcast_in_dim3A_92, %select_n3A_77 : vector<256x256xi1>, vector<256x256xf32>
    %reduce_min3A_94 = arith.constant dense<0x7F800000> : vector<256xf32>
    %reduce_min3A_95 = vector.multi_reduction <minimumf>, %select_n3A_93, %reduce_min3A_94 [1] : vector<256x256xf32> to vector<256xf32>
    %broadcast_in_dim3A_96 = vector.shape_cast %reduce_min3A_95 : vector<256xf32> to vector<256x1xf32>
    %eq3A_97 = vector.broadcast %broadcast_in_dim3A_96 : vector<256x1xf32> to vector<256x256xf32>
    %eq3A_98 = arith.cmpf oeq, %select_n3A_93, %eq3A_97 : vector<256x256xf32>
    %jit3A_99 = arith.constant 256 : i32
    %broadcast_in_dim3A_100 = vector.broadcast %jit3A_99 : i32 to vector<256x256xi32>
    %select_n3A_101 = arith.select %eq3A_98, %iota3A, %broadcast_in_dim3A_100 : vector<256x256xi1>, vector<256x256xi32>
    %reduce_min3A_102 = arith.constant dense<2147483647> : vector<256xi32>
    %reduce_min3A_103 = vector.multi_reduction <minsi>, %select_n3A_101, %reduce_min3A_102 [1] : vector<256x256xi32> to vector<256xi32>
    %broadcast_in_dim3A_104 = vector.shape_cast %reduce_min3A_103 : vector<256xi32> to vector<256x1xi32>
    %eq3A_105 = vector.broadcast %broadcast_in_dim3A_104 : vector<256x1xi32> to vector<256x256xi32>
    %eq3A_106 = arith.cmpi eq, %iota3A, %eq3A_105 : vector<256x256xi32>
    %jit3A_107 = arith.constant 1.000000e+30 : f32
    %broadcast_in_dim3A_108 = vector.broadcast %jit3A_107 : f32 to vector<256x256xf32>
    %select_n3A_109 = arith.select %eq3A_106, %broadcast_in_dim3A_108, %select_n3A_93 : vector<256x256xi1>, vector<256x256xf32>
    %reduce_min3A_110 = arith.constant dense<0x7F800000> : vector<256xf32>
    %reduce_min3A_111 = vector.multi_reduction <minimumf>, %select_n3A_109, %reduce_min3A_110 [1] : vector<256x256xf32> to vector<256xf32>
    %broadcast_in_dim3A_112 = vector.shape_cast %reduce_min3A_111 : vector<256xf32> to vector<256x1xf32>
    %eq3A_113 = vector.broadcast %broadcast_in_dim3A_112 : vector<256x1xf32> to vector<256x256xf32>
    %eq3A_114 = arith.cmpf oeq, %select_n3A_109, %eq3A_113 : vector<256x256xf32>
    %jit3A_115 = arith.constant 256 : i32
    %broadcast_in_dim3A_116 = vector.broadcast %jit3A_115 : i32 to vector<256x256xi32>
    %select_n3A_117 = arith.select %eq3A_114, %iota3A, %broadcast_in_dim3A_116 : vector<256x256xi1>, vector<256x256xi32>
    %reduce_min3A_118 = arith.constant dense<2147483647> : vector<256xi32>
    %reduce_min3A_119 = vector.multi_reduction <minsi>, %select_n3A_117, %reduce_min3A_118 [1] : vector<256x256xi32> to vector<256xi32>
    %broadcast_in_dim3A_120 = vector.shape_cast %reduce_min3A_119 : vector<256xi32> to vector<256x1xi32>
    %eq3A_121 = vector.broadcast %broadcast_in_dim3A_120 : vector<256x1xi32> to vector<256x256xi32>
    %eq3A_122 = arith.cmpi eq, %iota3A, %eq3A_121 : vector<256x256xi32>
    %jit3A_123 = arith.constant 1.000000e+30 : f32
    %broadcast_in_dim3A_124 = vector.broadcast %jit3A_123 : f32 to vector<256x256xf32>
    %select_n3A_125 = arith.select %eq3A_122, %broadcast_in_dim3A_124, %select_n3A_109 : vector<256x256xi1>, vector<256x256xf32>
    %reduce_min3A_126 = arith.constant dense<0x7F800000> : vector<256xf32>
    %reduce_min3A_127 = vector.multi_reduction <minimumf>, %select_n3A_125, %reduce_min3A_126 [1] : vector<256x256xf32> to vector<256xf32>
    %broadcast_in_dim3A_128 = vector.shape_cast %reduce_min3A_127 : vector<256xf32> to vector<256x1xf32>
    %eq3A_129 = vector.broadcast %broadcast_in_dim3A_128 : vector<256x1xf32> to vector<256x256xf32>
    %eq3A_130 = arith.cmpf oeq, %select_n3A_125, %eq3A_129 : vector<256x256xf32>
    %jit3A_131 = arith.constant 256 : i32
    %broadcast_in_dim3A_132 = vector.broadcast %jit3A_131 : i32 to vector<256x256xi32>
    %select_n3A_133 = arith.select %eq3A_130, %iota3A, %broadcast_in_dim3A_132 : vector<256x256xi1>, vector<256x256xi32>
    %reduce_min3A_134 = arith.constant dense<2147483647> : vector<256xi32>
    %reduce_min3A_135 = vector.multi_reduction <minsi>, %select_n3A_133, %reduce_min3A_134 [1] : vector<256x256xi32> to vector<256xi32>
    %broadcast_in_dim3A_136 = vector.shape_cast %reduce_min3A_135 : vector<256xi32> to vector<256x1xi32>
    %eq3A_137 = vector.broadcast %broadcast_in_dim3A_136 : vector<256x1xi32> to vector<256x256xi32>
    %eq3A_138 = arith.cmpi eq, %iota3A, %eq3A_137 : vector<256x256xi32>
    %jit3A_139 = arith.constant 1.000000e+30 : f32
    %broadcast_in_dim3A_140 = vector.broadcast %jit3A_139 : f32 to vector<256x256xf32>
    %select_n3A_141 = arith.select %eq3A_138, %broadcast_in_dim3A_140, %select_n3A_125 : vector<256x256xi1>, vector<256x256xf32>
    %reduce_min3A_142 = arith.constant dense<0x7F800000> : vector<256xf32>
    %reduce_min3A_143 = vector.multi_reduction <minimumf>, %select_n3A_141, %reduce_min3A_142 [1] : vector<256x256xf32> to vector<256xf32>
    %broadcast_in_dim3A_144 = vector.shape_cast %reduce_min3A_143 : vector<256xf32> to vector<256x1xf32>
    %eq3A_145 = vector.broadcast %broadcast_in_dim3A_144 : vector<256x1xf32> to vector<256x256xf32>
    %eq3A_146 = arith.cmpf oeq, %select_n3A_141, %eq3A_145 : vector<256x256xf32>
    %jit3A_147 = arith.constant 256 : i32
    %broadcast_in_dim3A_148 = vector.broadcast %jit3A_147 : i32 to vector<256x256xi32>
    %select_n3A_149 = arith.select %eq3A_146, %iota3A, %broadcast_in_dim3A_148 : vector<256x256xi1>, vector<256x256xi32>
    %reduce_min3A_150 = arith.constant dense<2147483647> : vector<256xi32>
    %reduce_min3A_151 = vector.multi_reduction <minsi>, %select_n3A_149, %reduce_min3A_150 [1] : vector<256x256xi32> to vector<256xi32>
    %broadcast_in_dim3A_152 = vector.shape_cast %reduce_min3A_151 : vector<256xi32> to vector<256x1xi32>
    %eq3A_153 = vector.broadcast %broadcast_in_dim3A_152 : vector<256x1xi32> to vector<256x256xi32>
    %eq3A_154 = arith.cmpi eq, %iota3A, %eq3A_153 : vector<256x256xi32>
    %jit3A_155 = arith.constant 1.000000e+30 : f32
    %broadcast_in_dim3A_156 = vector.broadcast %jit3A_155 : f32 to vector<256x256xf32>
    %select_n3A_157 = arith.select %eq3A_154, %broadcast_in_dim3A_156, %select_n3A_141 : vector<256x256xi1>, vector<256x256xf32>
    %reduce_min3A_158 = arith.constant dense<0x7F800000> : vector<256xf32>
    %reduce_min3A_159 = vector.multi_reduction <minimumf>, %select_n3A_157, %reduce_min3A_158 [1] : vector<256x256xf32> to vector<256xf32>
    %broadcast_in_dim3A_160 = vector.shape_cast %reduce_min3A_159 : vector<256xf32> to vector<256x1xf32>
    %eq3A_161 = vector.broadcast %broadcast_in_dim3A_160 : vector<256x1xf32> to vector<256x256xf32>
    %eq3A_162 = arith.cmpf oeq, %select_n3A_157, %eq3A_161 : vector<256x256xf32>
    %jit3A_163 = arith.constant 256 : i32
    %broadcast_in_dim3A_164 = vector.broadcast %jit3A_163 : i32 to vector<256x256xi32>
    %select_n3A_165 = arith.select %eq3A_162, %iota3A, %broadcast_in_dim3A_164 : vector<256x256xi1>, vector<256x256xi32>
    %reduce_min3A_166 = arith.constant dense<2147483647> : vector<256xi32>
    %reduce_min3A_167 = vector.multi_reduction <minsi>, %select_n3A_165, %reduce_min3A_166 [1] : vector<256x256xi32> to vector<256xi32>
    %broadcast_in_dim3A_168 = vector.shape_cast %reduce_min3A_167 : vector<256xi32> to vector<256x1xi32>
    %eq3A_169 = vector.broadcast %broadcast_in_dim3A_168 : vector<256x1xi32> to vector<256x256xi32>
    %eq3A_170 = arith.cmpi eq, %iota3A, %eq3A_169 : vector<256x256xi32>
    %jit3A_171 = arith.constant 1.000000e+30 : f32
    %broadcast_in_dim3A_172 = vector.broadcast %jit3A_171 : f32 to vector<256x256xf32>
    %select_n3A_173 = arith.select %eq3A_170, %broadcast_in_dim3A_172, %select_n3A_157 : vector<256x256xi1>, vector<256x256xf32>
    %reduce_min3A_174 = arith.constant dense<0x7F800000> : vector<256xf32>
    %reduce_min3A_175 = vector.multi_reduction <minimumf>, %select_n3A_173, %reduce_min3A_174 [1] : vector<256x256xf32> to vector<256xf32>
    %broadcast_in_dim3A_176 = vector.shape_cast %reduce_min3A_175 : vector<256xf32> to vector<256x1xf32>
    %eq3A_177 = vector.broadcast %broadcast_in_dim3A_176 : vector<256x1xf32> to vector<256x256xf32>
    %eq3A_178 = arith.cmpf oeq, %select_n3A_173, %eq3A_177 : vector<256x256xf32>
    %jit3A_179 = arith.constant 256 : i32
    %broadcast_in_dim3A_180 = vector.broadcast %jit3A_179 : i32 to vector<256x256xi32>
    %select_n3A_181 = arith.select %eq3A_178, %iota3A, %broadcast_in_dim3A_180 : vector<256x256xi1>, vector<256x256xi32>
    %reduce_min3A_182 = arith.constant dense<2147483647> : vector<256xi32>
    %reduce_min3A_183 = vector.multi_reduction <minsi>, %select_n3A_181, %reduce_min3A_182 [1] : vector<256x256xi32> to vector<256xi32>
    %broadcast_in_dim3A_184 = vector.shape_cast %reduce_min3A_183 : vector<256xi32> to vector<256x1xi32>
    %eq3A_185 = vector.broadcast %broadcast_in_dim3A_184 : vector<256x1xi32> to vector<256x256xi32>
    %eq3A_186 = arith.cmpi eq, %iota3A, %eq3A_185 : vector<256x256xi32>
    %jit3A_187 = arith.constant 1.000000e+30 : f32
    %broadcast_in_dim3A_188 = vector.broadcast %jit3A_187 : f32 to vector<256x256xf32>
    %select_n3A_189 = arith.select %eq3A_186, %broadcast_in_dim3A_188, %select_n3A_173 : vector<256x256xi1>, vector<256x256xf32>
    %reduce_min3A_190 = arith.constant dense<0x7F800000> : vector<256xf32>
    %reduce_min3A_191 = vector.multi_reduction <minimumf>, %select_n3A_189, %reduce_min3A_190 [1] : vector<256x256xf32> to vector<256xf32>
    %broadcast_in_dim3A_192 = vector.shape_cast %reduce_min3A_191 : vector<256xf32> to vector<256x1xf32>
    %eq3A_193 = vector.broadcast %broadcast_in_dim3A_192 : vector<256x1xf32> to vector<256x256xf32>
    %eq3A_194 = arith.cmpf oeq, %select_n3A_189, %eq3A_193 : vector<256x256xf32>
    %jit3A_195 = arith.constant 256 : i32
    %broadcast_in_dim3A_196 = vector.broadcast %jit3A_195 : i32 to vector<256x256xi32>
    %select_n3A_197 = arith.select %eq3A_194, %iota3A, %broadcast_in_dim3A_196 : vector<256x256xi1>, vector<256x256xi32>
    %reduce_min3A_198 = arith.constant dense<2147483647> : vector<256xi32>
    %reduce_min3A_199 = vector.multi_reduction <minsi>, %select_n3A_197, %reduce_min3A_198 [1] : vector<256x256xi32> to vector<256xi32>
    %broadcast_in_dim3A_200 = vector.shape_cast %reduce_min3A_199 : vector<256xi32> to vector<256x1xi32>
    %eq3A_201 = vector.broadcast %broadcast_in_dim3A_200 : vector<256x1xi32> to vector<256x256xi32>
    %eq3A_202 = arith.cmpi eq, %iota3A, %eq3A_201 : vector<256x256xi32>
    %jit3A_203 = arith.constant 1.000000e+30 : f32
    %broadcast_in_dim3A_204 = vector.broadcast %jit3A_203 : f32 to vector<256x256xf32>
    %select_n3A_205 = arith.select %eq3A_202, %broadcast_in_dim3A_204, %select_n3A_189 : vector<256x256xi1>, vector<256x256xf32>
    %reduce_min3A_206 = arith.constant dense<0x7F800000> : vector<256xf32>
    %reduce_min3A_207 = vector.multi_reduction <minimumf>, %select_n3A_205, %reduce_min3A_206 [1] : vector<256x256xf32> to vector<256xf32>
    %broadcast_in_dim3A_208 = vector.shape_cast %reduce_min3A_207 : vector<256xf32> to vector<256x1xf32>
    %eq3A_209 = vector.broadcast %broadcast_in_dim3A_208 : vector<256x1xf32> to vector<256x256xf32>
    %eq3A_210 = arith.cmpf oeq, %select_n3A_205, %eq3A_209 : vector<256x256xf32>
    %jit3A_211 = arith.constant 256 : i32
    %broadcast_in_dim3A_212 = vector.broadcast %jit3A_211 : i32 to vector<256x256xi32>
    %select_n3A_213 = arith.select %eq3A_210, %iota3A, %broadcast_in_dim3A_212 : vector<256x256xi1>, vector<256x256xi32>
    %reduce_min3A_214 = arith.constant dense<2147483647> : vector<256xi32>
    %reduce_min3A_215 = vector.multi_reduction <minsi>, %select_n3A_213, %reduce_min3A_214 [1] : vector<256x256xi32> to vector<256xi32>
    %broadcast_in_dim3A_216 = vector.shape_cast %reduce_min3A_215 : vector<256xi32> to vector<256x1xi32>
    %eq3A_217 = vector.broadcast %broadcast_in_dim3A_216 : vector<256x1xi32> to vector<256x256xi32>
    %eq3A_218 = arith.cmpi eq, %iota3A, %eq3A_217 : vector<256x256xi32>
    %jit3A_219 = arith.constant 1.000000e+30 : f32
    %broadcast_in_dim3A_220 = vector.broadcast %jit3A_219 : f32 to vector<256x256xf32>
    %select_n3A_221 = arith.select %eq3A_218, %broadcast_in_dim3A_220, %select_n3A_205 : vector<256x256xi1>, vector<256x256xf32>
    %reduce_min3A_222 = arith.constant dense<0x7F800000> : vector<256xf32>
    %reduce_min3A_223 = vector.multi_reduction <minimumf>, %select_n3A_221, %reduce_min3A_222 [1] : vector<256x256xf32> to vector<256xf32>
    %broadcast_in_dim3A_224 = vector.shape_cast %reduce_min3A_223 : vector<256xf32> to vector<256x1xf32>
    %eq3A_225 = vector.broadcast %broadcast_in_dim3A_224 : vector<256x1xf32> to vector<256x256xf32>
    %eq3A_226 = arith.cmpf oeq, %select_n3A_221, %eq3A_225 : vector<256x256xf32>
    %jit3A_227 = arith.constant 256 : i32
    %broadcast_in_dim3A_228 = vector.broadcast %jit3A_227 : i32 to vector<256x256xi32>
    %select_n3A_229 = arith.select %eq3A_226, %iota3A, %broadcast_in_dim3A_228 : vector<256x256xi1>, vector<256x256xi32>
    %reduce_min3A_230 = arith.constant dense<2147483647> : vector<256xi32>
    %reduce_min3A_231 = vector.multi_reduction <minsi>, %select_n3A_229, %reduce_min3A_230 [1] : vector<256x256xi32> to vector<256xi32>
    %broadcast_in_dim3A_232 = vector.shape_cast %reduce_min3A_231 : vector<256xi32> to vector<256x1xi32>
    %eq3A_233 = vector.broadcast %broadcast_in_dim3A_232 : vector<256x1xi32> to vector<256x256xi32>
    %eq3A_234 = arith.cmpi eq, %iota3A, %eq3A_233 : vector<256x256xi32>
    %jit3A_235 = arith.constant 1.000000e+30 : f32
    %broadcast_in_dim3A_236 = vector.broadcast %jit3A_235 : f32 to vector<256x256xf32>
    %select_n3A_237 = arith.select %eq3A_234, %broadcast_in_dim3A_236, %select_n3A_221 : vector<256x256xi1>, vector<256x256xf32>
    %reduce_min3A_238 = arith.constant dense<0x7F800000> : vector<256xf32>
    %reduce_min3A_239 = vector.multi_reduction <minimumf>, %select_n3A_237, %reduce_min3A_238 [1] : vector<256x256xf32> to vector<256xf32>
    %broadcast_in_dim3A_240 = vector.shape_cast %reduce_min3A_239 : vector<256xf32> to vector<256x1xf32>
    %eq3A_241 = vector.broadcast %broadcast_in_dim3A_240 : vector<256x1xf32> to vector<256x256xf32>
    %eq3A_242 = arith.cmpf oeq, %select_n3A_237, %eq3A_241 : vector<256x256xf32>
    %jit3A_243 = arith.constant 256 : i32
    %broadcast_in_dim3A_244 = vector.broadcast %jit3A_243 : i32 to vector<256x256xi32>
    %select_n3A_245 = arith.select %eq3A_242, %iota3A, %broadcast_in_dim3A_244 : vector<256x256xi1>, vector<256x256xi32>
    %reduce_min3A_246 = arith.constant dense<2147483647> : vector<256xi32>
    %reduce_min3A_247 = vector.multi_reduction <minsi>, %select_n3A_245, %reduce_min3A_246 [1] : vector<256x256xi32> to vector<256xi32>
    %broadcast_in_dim3A_248 = vector.shape_cast %reduce_min3A_247 : vector<256xi32> to vector<256x1xi32>
    %eq3A_249 = vector.broadcast %broadcast_in_dim3A_248 : vector<256x1xi32> to vector<256x256xi32>
    %eq3A_250 = arith.cmpi eq, %iota3A, %eq3A_249 : vector<256x256xi32>
    %jit3A_251 = arith.constant 1.000000e+30 : f32
    %broadcast_in_dim3A_252 = vector.broadcast %jit3A_251 : f32 to vector<256x256xf32>
    %select_n3A_253 = arith.select %eq3A_250, %broadcast_in_dim3A_252, %select_n3A_237 : vector<256x256xi1>, vector<256x256xf32>
    %reduce_min3A_254 = arith.constant dense<0x7F800000> : vector<256xf32>
    %reduce_min3A_255 = vector.multi_reduction <minimumf>, %select_n3A_253, %reduce_min3A_254 [1] : vector<256x256xf32> to vector<256xf32>
    %broadcast_in_dim3A_256 = vector.shape_cast %reduce_min3A_255 : vector<256xf32> to vector<256x1xf32>
    %eq3A_257 = vector.broadcast %broadcast_in_dim3A_256 : vector<256x1xf32> to vector<256x256xf32>
    %eq3A_258 = arith.cmpf oeq, %select_n3A_253, %eq3A_257 : vector<256x256xf32>
    %jit3A_259 = arith.constant 256 : i32
    %broadcast_in_dim3A_260 = vector.broadcast %jit3A_259 : i32 to vector<256x256xi32>
    %select_n3A_261 = arith.select %eq3A_258, %iota3A, %broadcast_in_dim3A_260 : vector<256x256xi1>, vector<256x256xi32>
    %reduce_min3A_262 = arith.constant dense<2147483647> : vector<256xi32>
    %reduce_min3A_263 = vector.multi_reduction <minsi>, %select_n3A_261, %reduce_min3A_262 [1] : vector<256x256xi32> to vector<256xi32>
    %broadcast_in_dim3A_264 = vector.shape_cast %reduce_min3A_263 : vector<256xi32> to vector<256x1xi32>
    %eq3A_265 = vector.broadcast %broadcast_in_dim3A_264 : vector<256x1xi32> to vector<256x256xi32>
    %eq3A_266 = arith.cmpi eq, %iota3A, %eq3A_265 : vector<256x256xi32>
    %jit3A_267 = arith.constant 1.000000e+30 : f32
    %broadcast_in_dim3A_268 = vector.broadcast %jit3A_267 : f32 to vector<256x256xf32>
    %select_n3A_269 = arith.select %eq3A_266, %broadcast_in_dim3A_268, %select_n3A_253 : vector<256x256xi1>, vector<256x256xf32>
    %reduce_min3A_270 = arith.constant dense<0x7F800000> : vector<256xf32>
    %reduce_min3A_271 = vector.multi_reduction <minimumf>, %select_n3A_269, %reduce_min3A_270 [1] : vector<256x256xf32> to vector<256xf32>
    %broadcast_in_dim3A_272 = vector.shape_cast %reduce_min3A_271 : vector<256xf32> to vector<256x1xf32>
    %eq3A_273 = vector.broadcast %broadcast_in_dim3A_272 : vector<256x1xf32> to vector<256x256xf32>
    %eq3A_274 = arith.cmpf oeq, %select_n3A_269, %eq3A_273 : vector<256x256xf32>
    %jit3A_275 = arith.constant 256 : i32
    %broadcast_in_dim3A_276 = vector.broadcast %jit3A_275 : i32 to vector<256x256xi32>
    %select_n3A_277 = arith.select %eq3A_274, %iota3A, %broadcast_in_dim3A_276 : vector<256x256xi1>, vector<256x256xi32>
    %reduce_min3A_278 = arith.constant dense<2147483647> : vector<256xi32>
    %reduce_min3A_279 = vector.multi_reduction <minsi>, %select_n3A_277, %reduce_min3A_278 [1] : vector<256x256xi32> to vector<256xi32>
    %broadcast_in_dim3A_280 = vector.shape_cast %reduce_min3A_279 : vector<256xi32> to vector<256x1xi32>
    %eq3A_281 = vector.broadcast %broadcast_in_dim3A_280 : vector<256x1xi32> to vector<256x256xi32>
    %eq3A_282 = arith.cmpi eq, %iota3A, %eq3A_281 : vector<256x256xi32>
    %jit3A_283 = arith.constant 1.000000e+30 : f32
    %broadcast_in_dim3A_284 = vector.broadcast %jit3A_283 : f32 to vector<256x256xf32>
    %select_n3A_285 = arith.select %eq3A_282, %broadcast_in_dim3A_284, %select_n3A_269 : vector<256x256xi1>, vector<256x256xf32>
    %reduce_min3A_286 = arith.constant dense<0x7F800000> : vector<256xf32>
    %reduce_min3A_287 = vector.multi_reduction <minimumf>, %select_n3A_285, %reduce_min3A_286 [1] : vector<256x256xf32> to vector<256xf32>
    %broadcast_in_dim3A_288 = vector.shape_cast %reduce_min3A_287 : vector<256xf32> to vector<256x1xf32>
    %eq3A_289 = vector.broadcast %broadcast_in_dim3A_288 : vector<256x1xf32> to vector<256x256xf32>
    %eq3A_290 = arith.cmpf oeq, %select_n3A_285, %eq3A_289 : vector<256x256xf32>
    %jit3A_291 = arith.constant 256 : i32
    %broadcast_in_dim3A_292 = vector.broadcast %jit3A_291 : i32 to vector<256x256xi32>
    %select_n3A_293 = arith.select %eq3A_290, %iota3A, %broadcast_in_dim3A_292 : vector<256x256xi1>, vector<256x256xi32>
    %reduce_min3A_294 = arith.constant dense<2147483647> : vector<256xi32>
    %reduce_min3A_295 = vector.multi_reduction <minsi>, %select_n3A_293, %reduce_min3A_294 [1] : vector<256x256xi32> to vector<256xi32>
    %broadcast_in_dim3A_296 = vector.shape_cast %reduce_min3A_295 : vector<256xi32> to vector<256x1xi32>
    %eq3A_297 = vector.broadcast %broadcast_in_dim3A_296 : vector<256x1xi32> to vector<256x256xi32>
    %eq3A_298 = arith.cmpi eq, %iota3A, %eq3A_297 : vector<256x256xi32>
    %jit3A_299 = arith.constant 1.000000e+30 : f32
    %broadcast_in_dim3A_300 = vector.broadcast %jit3A_299 : f32 to vector<256x256xf32>
    %select_n3A_301 = arith.select %eq3A_298, %broadcast_in_dim3A_300, %select_n3A_285 : vector<256x256xi1>, vector<256x256xf32>
    %reduce_min3A_302 = arith.constant dense<0x7F800000> : vector<256xf32>
    %reduce_min3A_303 = vector.multi_reduction <minimumf>, %select_n3A_301, %reduce_min3A_302 [1] : vector<256x256xf32> to vector<256xf32>
    %broadcast_in_dim3A_304 = vector.shape_cast %reduce_min3A_303 : vector<256xf32> to vector<256x1xf32>
    %eq3A_305 = vector.broadcast %broadcast_in_dim3A_304 : vector<256x1xf32> to vector<256x256xf32>
    %eq3A_306 = arith.cmpf oeq, %select_n3A_301, %eq3A_305 : vector<256x256xf32>
    %jit3A_307 = arith.constant 256 : i32
    %broadcast_in_dim3A_308 = vector.broadcast %jit3A_307 : i32 to vector<256x256xi32>
    %select_n3A_309 = arith.select %eq3A_306, %iota3A, %broadcast_in_dim3A_308 : vector<256x256xi1>, vector<256x256xi32>
    %reduce_min3A_310 = arith.constant dense<2147483647> : vector<256xi32>
    %reduce_min3A_311 = vector.multi_reduction <minsi>, %select_n3A_309, %reduce_min3A_310 [1] : vector<256x256xi32> to vector<256xi32>
    %broadcast_in_dim3A_312 = vector.shape_cast %reduce_min3A_311 : vector<256xi32> to vector<256x1xi32>
    %eq3A_313 = vector.broadcast %broadcast_in_dim3A_312 : vector<256x1xi32> to vector<256x256xi32>
    %eq3A_314 = arith.cmpi eq, %iota3A, %eq3A_313 : vector<256x256xi32>
    %jit3A_315 = arith.constant 1.000000e+30 : f32
    %broadcast_in_dim3A_316 = vector.broadcast %jit3A_315 : f32 to vector<256x256xf32>
    %select_n3A_317 = arith.select %eq3A_314, %broadcast_in_dim3A_316, %select_n3A_301 : vector<256x256xi1>, vector<256x256xf32>
    %reduce_min3A_318 = arith.constant dense<0x7F800000> : vector<256xf32>
    %reduce_min3A_319 = vector.multi_reduction <minimumf>, %select_n3A_317, %reduce_min3A_318 [1] : vector<256x256xf32> to vector<256xf32>
    %broadcast_in_dim3A_320 = vector.shape_cast %reduce_min3A_319 : vector<256xf32> to vector<256x1xf32>
    %eq3A_321 = vector.broadcast %broadcast_in_dim3A_320 : vector<256x1xf32> to vector<256x256xf32>
    %eq3A_322 = arith.cmpf oeq, %select_n3A_317, %eq3A_321 : vector<256x256xf32>
    %jit3A_323 = arith.constant 256 : i32
    %broadcast_in_dim3A_324 = vector.broadcast %jit3A_323 : i32 to vector<256x256xi32>
    %select_n3A_325 = arith.select %eq3A_322, %iota3A, %broadcast_in_dim3A_324 : vector<256x256xi1>, vector<256x256xi32>
    %reduce_min3A_326 = arith.constant dense<2147483647> : vector<256xi32>
    %reduce_min3A_327 = vector.multi_reduction <minsi>, %select_n3A_325, %reduce_min3A_326 [1] : vector<256x256xi32> to vector<256xi32>
    %broadcast_in_dim3A_328 = vector.shape_cast %reduce_min3A_327 : vector<256xi32> to vector<256x1xi32>
    %eq3A_329 = vector.broadcast %broadcast_in_dim3A_328 : vector<256x1xi32> to vector<256x256xi32>
    %eq3A_330 = arith.cmpi eq, %iota3A, %eq3A_329 : vector<256x256xi32>
    %jit3A_331 = arith.constant 1.000000e+30 : f32
    %broadcast_in_dim3A_332 = vector.broadcast %jit3A_331 : f32 to vector<256x256xf32>
    %select_n3A_333 = arith.select %eq3A_330, %broadcast_in_dim3A_332, %select_n3A_317 : vector<256x256xi1>, vector<256x256xf32>
    %reduce_min3A_334 = arith.constant dense<0x7F800000> : vector<256xf32>
    %reduce_min3A_335 = vector.multi_reduction <minimumf>, %select_n3A_333, %reduce_min3A_334 [1] : vector<256x256xf32> to vector<256xf32>
    %broadcast_in_dim3A_336 = vector.shape_cast %reduce_min3A_335 : vector<256xf32> to vector<256x1xf32>
    %eq3A_337 = vector.broadcast %broadcast_in_dim3A_336 : vector<256x1xf32> to vector<256x256xf32>
    %eq3A_338 = arith.cmpf oeq, %select_n3A_333, %eq3A_337 : vector<256x256xf32>
    %jit3A_339 = arith.constant 256 : i32
    %broadcast_in_dim3A_340 = vector.broadcast %jit3A_339 : i32 to vector<256x256xi32>
    %select_n3A_341 = arith.select %eq3A_338, %iota3A, %broadcast_in_dim3A_340 : vector<256x256xi1>, vector<256x256xi32>
    %reduce_min3A_342 = arith.constant dense<2147483647> : vector<256xi32>
    %reduce_min3A_343 = vector.multi_reduction <minsi>, %select_n3A_341, %reduce_min3A_342 [1] : vector<256x256xi32> to vector<256xi32>
    %broadcast_in_dim3A_344 = vector.shape_cast %reduce_min3A_343 : vector<256xi32> to vector<256x1xi32>
    %eq3A_345 = vector.broadcast %broadcast_in_dim3A_344 : vector<256x1xi32> to vector<256x256xi32>
    %eq3A_346 = arith.cmpi eq, %iota3A, %eq3A_345 : vector<256x256xi32>
    %jit3A_347 = arith.constant 1.000000e+30 : f32
    %broadcast_in_dim3A_348 = vector.broadcast %jit3A_347 : f32 to vector<256x256xf32>
    %select_n3A_349 = arith.select %eq3A_346, %broadcast_in_dim3A_348, %select_n3A_333 : vector<256x256xi1>, vector<256x256xf32>
    %reduce_min3A_350 = arith.constant dense<0x7F800000> : vector<256xf32>
    %reduce_min3A_351 = vector.multi_reduction <minimumf>, %select_n3A_349, %reduce_min3A_350 [1] : vector<256x256xf32> to vector<256xf32>
    %broadcast_in_dim3A_352 = vector.shape_cast %reduce_min3A_351 : vector<256xf32> to vector<256x1xf32>
    %eq3A_353 = vector.broadcast %broadcast_in_dim3A_352 : vector<256x1xf32> to vector<256x256xf32>
    %eq3A_354 = arith.cmpf oeq, %select_n3A_349, %eq3A_353 : vector<256x256xf32>
    %jit3A_355 = arith.constant 256 : i32
    %broadcast_in_dim3A_356 = vector.broadcast %jit3A_355 : i32 to vector<256x256xi32>
    %select_n3A_357 = arith.select %eq3A_354, %iota3A, %broadcast_in_dim3A_356 : vector<256x256xi1>, vector<256x256xi32>
    %reduce_min3A_358 = arith.constant dense<2147483647> : vector<256xi32>
    %reduce_min3A_359 = vector.multi_reduction <minsi>, %select_n3A_357, %reduce_min3A_358 [1] : vector<256x256xi32> to vector<256xi32>
    %broadcast_in_dim3A_360 = vector.shape_cast %reduce_min3A_359 : vector<256xi32> to vector<256x1xi32>
    %eq3A_361 = vector.broadcast %broadcast_in_dim3A_360 : vector<256x1xi32> to vector<256x256xi32>
    %eq3A_362 = arith.cmpi eq, %iota3A, %eq3A_361 : vector<256x256xi32>
    %jit3A_363 = arith.constant 1.000000e+30 : f32
    %broadcast_in_dim3A_364 = vector.broadcast %jit3A_363 : f32 to vector<256x256xf32>
    %select_n3A_365 = arith.select %eq3A_362, %broadcast_in_dim3A_364, %select_n3A_349 : vector<256x256xi1>, vector<256x256xf32>
    %reduce_min3A_366 = arith.constant dense<0x7F800000> : vector<256xf32>
    %reduce_min3A_367 = vector.multi_reduction <minimumf>, %select_n3A_365, %reduce_min3A_366 [1] : vector<256x256xf32> to vector<256xf32>
    %broadcast_in_dim3A_368 = vector.shape_cast %reduce_min3A_367 : vector<256xf32> to vector<256x1xf32>
    %eq3A_369 = vector.broadcast %broadcast_in_dim3A_368 : vector<256x1xf32> to vector<256x256xf32>
    %eq3A_370 = arith.cmpf oeq, %select_n3A_365, %eq3A_369 : vector<256x256xf32>
    %jit3A_371 = arith.constant 256 : i32
    %broadcast_in_dim3A_372 = vector.broadcast %jit3A_371 : i32 to vector<256x256xi32>
    %select_n3A_373 = arith.select %eq3A_370, %iota3A, %broadcast_in_dim3A_372 : vector<256x256xi1>, vector<256x256xi32>
    %reduce_min3A_374 = arith.constant dense<2147483647> : vector<256xi32>
    %reduce_min3A_375 = vector.multi_reduction <minsi>, %select_n3A_373, %reduce_min3A_374 [1] : vector<256x256xi32> to vector<256xi32>
    %broadcast_in_dim3A_376 = vector.shape_cast %reduce_min3A_375 : vector<256xi32> to vector<256x1xi32>
    %eq3A_377 = vector.broadcast %broadcast_in_dim3A_376 : vector<256x1xi32> to vector<256x256xi32>
    %eq3A_378 = arith.cmpi eq, %iota3A, %eq3A_377 : vector<256x256xi32>
    %jit3A_379 = arith.constant 1.000000e+30 : f32
    %broadcast_in_dim3A_380 = vector.broadcast %jit3A_379 : f32 to vector<256x256xf32>
    %select_n3A_381 = arith.select %eq3A_378, %broadcast_in_dim3A_380, %select_n3A_365 : vector<256x256xi1>, vector<256x256xf32>
    %reduce_min3A_382 = arith.constant dense<0x7F800000> : vector<256xf32>
    %reduce_min3A_383 = vector.multi_reduction <minimumf>, %select_n3A_381, %reduce_min3A_382 [1] : vector<256x256xf32> to vector<256xf32>
    %broadcast_in_dim3A_384 = vector.shape_cast %reduce_min3A_383 : vector<256xf32> to vector<256x1xf32>
    %eq3A_385 = vector.broadcast %broadcast_in_dim3A_384 : vector<256x1xf32> to vector<256x256xf32>
    %eq3A_386 = arith.cmpf oeq, %select_n3A_381, %eq3A_385 : vector<256x256xf32>
    %jit3A_387 = arith.constant 256 : i32
    %broadcast_in_dim3A_388 = vector.broadcast %jit3A_387 : i32 to vector<256x256xi32>
    %select_n3A_389 = arith.select %eq3A_386, %iota3A, %broadcast_in_dim3A_388 : vector<256x256xi1>, vector<256x256xi32>
    %reduce_min3A_390 = arith.constant dense<2147483647> : vector<256xi32>
    %reduce_min3A_391 = vector.multi_reduction <minsi>, %select_n3A_389, %reduce_min3A_390 [1] : vector<256x256xi32> to vector<256xi32>
    %broadcast_in_dim3A_392 = vector.shape_cast %reduce_min3A_391 : vector<256xi32> to vector<256x1xi32>
    %eq3A_393 = vector.broadcast %broadcast_in_dim3A_392 : vector<256x1xi32> to vector<256x256xi32>
    %eq3A_394 = arith.cmpi eq, %iota3A, %eq3A_393 : vector<256x256xi32>
    %jit3A_395 = arith.constant 1.000000e+30 : f32
    %broadcast_in_dim3A_396 = vector.broadcast %jit3A_395 : f32 to vector<256x256xf32>
    %select_n3A_397 = arith.select %eq3A_394, %broadcast_in_dim3A_396, %select_n3A_381 : vector<256x256xi1>, vector<256x256xf32>
    %reduce_min3A_398 = arith.constant dense<0x7F800000> : vector<256xf32>
    %reduce_min3A_399 = vector.multi_reduction <minimumf>, %select_n3A_397, %reduce_min3A_398 [1] : vector<256x256xf32> to vector<256xf32>
    %broadcast_in_dim3A_400 = vector.shape_cast %reduce_min3A_399 : vector<256xf32> to vector<256x1xf32>
    %eq3A_401 = vector.broadcast %broadcast_in_dim3A_400 : vector<256x1xf32> to vector<256x256xf32>
    %eq3A_402 = arith.cmpf oeq, %select_n3A_397, %eq3A_401 : vector<256x256xf32>
    %jit3A_403 = arith.constant 256 : i32
    %broadcast_in_dim3A_404 = vector.broadcast %jit3A_403 : i32 to vector<256x256xi32>
    %select_n3A_405 = arith.select %eq3A_402, %iota3A, %broadcast_in_dim3A_404 : vector<256x256xi1>, vector<256x256xi32>
    %reduce_min3A_406 = arith.constant dense<2147483647> : vector<256xi32>
    %reduce_min3A_407 = vector.multi_reduction <minsi>, %select_n3A_405, %reduce_min3A_406 [1] : vector<256x256xi32> to vector<256xi32>
    %broadcast_in_dim3A_408 = vector.shape_cast %reduce_min3A_407 : vector<256xi32> to vector<256x1xi32>
    %eq3A_409 = vector.broadcast %broadcast_in_dim3A_408 : vector<256x1xi32> to vector<256x256xi32>
    %eq3A_410 = arith.cmpi eq, %iota3A, %eq3A_409 : vector<256x256xi32>
    %jit3A_411 = arith.constant 1.000000e+30 : f32
    %broadcast_in_dim3A_412 = vector.broadcast %jit3A_411 : f32 to vector<256x256xf32>
    %select_n3A_413 = arith.select %eq3A_410, %broadcast_in_dim3A_412, %select_n3A_397 : vector<256x256xi1>, vector<256x256xf32>
    %reduce_min3A_414 = arith.constant dense<0x7F800000> : vector<256xf32>
    %reduce_min3A_415 = vector.multi_reduction <minimumf>, %select_n3A_413, %reduce_min3A_414 [1] : vector<256x256xf32> to vector<256xf32>
    %broadcast_in_dim3A_416 = vector.shape_cast %reduce_min3A_415 : vector<256xf32> to vector<256x1xf32>
    %eq3A_417 = vector.broadcast %broadcast_in_dim3A_416 : vector<256x1xf32> to vector<256x256xf32>
    %eq3A_418 = arith.cmpf oeq, %select_n3A_413, %eq3A_417 : vector<256x256xf32>
    %jit3A_419 = arith.constant 256 : i32
    %broadcast_in_dim3A_420 = vector.broadcast %jit3A_419 : i32 to vector<256x256xi32>
    %select_n3A_421 = arith.select %eq3A_418, %iota3A, %broadcast_in_dim3A_420 : vector<256x256xi1>, vector<256x256xi32>
    %reduce_min3A_422 = arith.constant dense<2147483647> : vector<256xi32>
    %reduce_min3A_423 = vector.multi_reduction <minsi>, %select_n3A_421, %reduce_min3A_422 [1] : vector<256x256xi32> to vector<256xi32>
    %broadcast_in_dim3A_424 = vector.shape_cast %reduce_min3A_423 : vector<256xi32> to vector<256x1xi32>
    %eq3A_425 = vector.broadcast %broadcast_in_dim3A_424 : vector<256x1xi32> to vector<256x256xi32>
    %eq3A_426 = arith.cmpi eq, %iota3A, %eq3A_425 : vector<256x256xi32>
    %jit3A_427 = arith.constant 1.000000e+30 : f32
    %broadcast_in_dim3A_428 = vector.broadcast %jit3A_427 : f32 to vector<256x256xf32>
    %select_n3A_429 = arith.select %eq3A_426, %broadcast_in_dim3A_428, %select_n3A_413 : vector<256x256xi1>, vector<256x256xf32>
    %reduce_min3A_430 = arith.constant dense<0x7F800000> : vector<256xf32>
    %reduce_min3A_431 = vector.multi_reduction <minimumf>, %select_n3A_429, %reduce_min3A_430 [1] : vector<256x256xf32> to vector<256xf32>
    %broadcast_in_dim3A_432 = vector.shape_cast %reduce_min3A_431 : vector<256xf32> to vector<256x1xf32>
    %eq3A_433 = vector.broadcast %broadcast_in_dim3A_432 : vector<256x1xf32> to vector<256x256xf32>
    %eq3A_434 = arith.cmpf oeq, %select_n3A_429, %eq3A_433 : vector<256x256xf32>
    %jit3A_435 = arith.constant 256 : i32
    %broadcast_in_dim3A_436 = vector.broadcast %jit3A_435 : i32 to vector<256x256xi32>
    %select_n3A_437 = arith.select %eq3A_434, %iota3A, %broadcast_in_dim3A_436 : vector<256x256xi1>, vector<256x256xi32>
    %reduce_min3A_438 = arith.constant dense<2147483647> : vector<256xi32>
    %reduce_min3A_439 = vector.multi_reduction <minsi>, %select_n3A_437, %reduce_min3A_438 [1] : vector<256x256xi32> to vector<256xi32>
    %broadcast_in_dim3A_440 = vector.shape_cast %reduce_min3A_439 : vector<256xi32> to vector<256x1xi32>
    %eq3A_441 = vector.broadcast %broadcast_in_dim3A_440 : vector<256x1xi32> to vector<256x256xi32>
    %eq3A_442 = arith.cmpi eq, %iota3A, %eq3A_441 : vector<256x256xi32>
    %jit3A_443 = arith.constant 1.000000e+30 : f32
    %broadcast_in_dim3A_444 = vector.broadcast %jit3A_443 : f32 to vector<256x256xf32>
    %select_n3A_445 = arith.select %eq3A_442, %broadcast_in_dim3A_444, %select_n3A_429 : vector<256x256xi1>, vector<256x256xf32>
    %reduce_min3A_446 = arith.constant dense<0x7F800000> : vector<256xf32>
    %reduce_min3A_447 = vector.multi_reduction <minimumf>, %select_n3A_445, %reduce_min3A_446 [1] : vector<256x256xf32> to vector<256xf32>
    %broadcast_in_dim3A_448 = vector.shape_cast %reduce_min3A_447 : vector<256xf32> to vector<256x1xf32>
    %eq3A_449 = vector.broadcast %broadcast_in_dim3A_448 : vector<256x1xf32> to vector<256x256xf32>
    %eq3A_450 = arith.cmpf oeq, %select_n3A_445, %eq3A_449 : vector<256x256xf32>
    %jit3A_451 = arith.constant 256 : i32
    %broadcast_in_dim3A_452 = vector.broadcast %jit3A_451 : i32 to vector<256x256xi32>
    %select_n3A_453 = arith.select %eq3A_450, %iota3A, %broadcast_in_dim3A_452 : vector<256x256xi1>, vector<256x256xi32>
    %reduce_min3A_454 = arith.constant dense<2147483647> : vector<256xi32>
    %reduce_min3A_455 = vector.multi_reduction <minsi>, %select_n3A_453, %reduce_min3A_454 [1] : vector<256x256xi32> to vector<256xi32>
    %broadcast_in_dim3A_456 = vector.shape_cast %reduce_min3A_455 : vector<256xi32> to vector<256x1xi32>
    %eq3A_457 = vector.broadcast %broadcast_in_dim3A_456 : vector<256x1xi32> to vector<256x256xi32>
    %eq3A_458 = arith.cmpi eq, %iota3A, %eq3A_457 : vector<256x256xi32>
    %jit3A_459 = arith.constant 1.000000e+30 : f32
    %broadcast_in_dim3A_460 = vector.broadcast %jit3A_459 : f32 to vector<256x256xf32>
    %select_n3A_461 = arith.select %eq3A_458, %broadcast_in_dim3A_460, %select_n3A_445 : vector<256x256xi1>, vector<256x256xf32>
    %reduce_min3A_462 = arith.constant dense<0x7F800000> : vector<256xf32>
    %reduce_min3A_463 = vector.multi_reduction <minimumf>, %select_n3A_461, %reduce_min3A_462 [1] : vector<256x256xf32> to vector<256xf32>
    %broadcast_in_dim3A_464 = vector.shape_cast %reduce_min3A_463 : vector<256xf32> to vector<256x1xf32>
    %eq3A_465 = vector.broadcast %broadcast_in_dim3A_464 : vector<256x1xf32> to vector<256x256xf32>
    %eq3A_466 = arith.cmpf oeq, %select_n3A_461, %eq3A_465 : vector<256x256xf32>
    %jit3A_467 = arith.constant 256 : i32
    %broadcast_in_dim3A_468 = vector.broadcast %jit3A_467 : i32 to vector<256x256xi32>
    %select_n3A_469 = arith.select %eq3A_466, %iota3A, %broadcast_in_dim3A_468 : vector<256x256xi1>, vector<256x256xi32>
    %reduce_min3A_470 = arith.constant dense<2147483647> : vector<256xi32>
    %reduce_min3A_471 = vector.multi_reduction <minsi>, %select_n3A_469, %reduce_min3A_470 [1] : vector<256x256xi32> to vector<256xi32>
    %broadcast_in_dim3A_472 = vector.shape_cast %reduce_min3A_471 : vector<256xi32> to vector<256x1xi32>
    %eq3A_473 = vector.broadcast %broadcast_in_dim3A_472 : vector<256x1xi32> to vector<256x256xi32>
    %eq3A_474 = arith.cmpi eq, %iota3A, %eq3A_473 : vector<256x256xi32>
    %jit3A_475 = arith.constant 1.000000e+30 : f32
    %broadcast_in_dim3A_476 = vector.broadcast %jit3A_475 : f32 to vector<256x256xf32>
    %select_n3A_477 = arith.select %eq3A_474, %broadcast_in_dim3A_476, %select_n3A_461 : vector<256x256xi1>, vector<256x256xf32>
    %reduce_min3A_478 = arith.constant dense<0x7F800000> : vector<256xf32>
    %reduce_min3A_479 = vector.multi_reduction <minimumf>, %select_n3A_477, %reduce_min3A_478 [1] : vector<256x256xf32> to vector<256xf32>
    %broadcast_in_dim3A_480 = vector.shape_cast %reduce_min3A_479 : vector<256xf32> to vector<256x1xf32>
    %eq3A_481 = vector.broadcast %broadcast_in_dim3A_480 : vector<256x1xf32> to vector<256x256xf32>
    %eq3A_482 = arith.cmpf oeq, %select_n3A_477, %eq3A_481 : vector<256x256xf32>
    %jit3A_483 = arith.constant 256 : i32
    %broadcast_in_dim3A_484 = vector.broadcast %jit3A_483 : i32 to vector<256x256xi32>
    %select_n3A_485 = arith.select %eq3A_482, %iota3A, %broadcast_in_dim3A_484 : vector<256x256xi1>, vector<256x256xi32>
    %reduce_min3A_486 = arith.constant dense<2147483647> : vector<256xi32>
    %reduce_min3A_487 = vector.multi_reduction <minsi>, %select_n3A_485, %reduce_min3A_486 [1] : vector<256x256xi32> to vector<256xi32>
    %broadcast_in_dim3A_488 = vector.shape_cast %reduce_min3A_487 : vector<256xi32> to vector<256x1xi32>
    %eq3A_489 = vector.broadcast %broadcast_in_dim3A_488 : vector<256x1xi32> to vector<256x256xi32>
    %eq3A_490 = arith.cmpi eq, %iota3A, %eq3A_489 : vector<256x256xi32>
    %jit3A_491 = arith.constant 1.000000e+30 : f32
    %broadcast_in_dim3A_492 = vector.broadcast %jit3A_491 : f32 to vector<256x256xf32>
    %select_n3A_493 = arith.select %eq3A_490, %broadcast_in_dim3A_492, %select_n3A_477 : vector<256x256xi1>, vector<256x256xf32>
    %reduce_min3A_494 = arith.constant dense<0x7F800000> : vector<256xf32>
    %reduce_min3A_495 = vector.multi_reduction <minimumf>, %select_n3A_493, %reduce_min3A_494 [1] : vector<256x256xf32> to vector<256xf32>
    %broadcast_in_dim3A_496 = vector.shape_cast %reduce_min3A_495 : vector<256xf32> to vector<256x1xf32>
    %eq3A_497 = vector.broadcast %broadcast_in_dim3A_496 : vector<256x1xf32> to vector<256x256xf32>
    %eq3A_498 = arith.cmpf oeq, %select_n3A_493, %eq3A_497 : vector<256x256xf32>
    %jit3A_499 = arith.constant 256 : i32
    %broadcast_in_dim3A_500 = vector.broadcast %jit3A_499 : i32 to vector<256x256xi32>
    %select_n3A_501 = arith.select %eq3A_498, %iota3A, %broadcast_in_dim3A_500 : vector<256x256xi1>, vector<256x256xi32>
    %reduce_min3A_502 = arith.constant dense<2147483647> : vector<256xi32>
    %reduce_min3A_503 = vector.multi_reduction <minsi>, %select_n3A_501, %reduce_min3A_502 [1] : vector<256x256xi32> to vector<256xi32>
    %broadcast_in_dim3A_504 = vector.shape_cast %reduce_min3A_503 : vector<256xi32> to vector<256x1xi32>
    %eq3A_505 = vector.broadcast %broadcast_in_dim3A_504 : vector<256x1xi32> to vector<256x256xi32>
    %eq3A_506 = arith.cmpi eq, %iota3A, %eq3A_505 : vector<256x256xi32>
    %jit3A_507 = arith.constant 1.000000e+30 : f32
    %broadcast_in_dim3A_508 = vector.broadcast %jit3A_507 : f32 to vector<256x256xf32>
    %select_n3A_509 = arith.select %eq3A_506, %broadcast_in_dim3A_508, %select_n3A_493 : vector<256x256xi1>, vector<256x256xf32>
    %reduce_min3A_510 = arith.constant dense<0x7F800000> : vector<256xf32>
    %reduce_min3A_511 = vector.multi_reduction <minimumf>, %select_n3A_509, %reduce_min3A_510 [1] : vector<256x256xf32> to vector<256xf32>
    %broadcast_in_dim3A_512 = vector.shape_cast %reduce_min3A_511 : vector<256xf32> to vector<256x1xf32>
    %eq3A_513 = vector.broadcast %broadcast_in_dim3A_512 : vector<256x1xf32> to vector<256x256xf32>
    %eq3A_514 = arith.cmpf oeq, %select_n3A_509, %eq3A_513 : vector<256x256xf32>
    %jit3A_515 = arith.constant 256 : i32
    %broadcast_in_dim3A_516 = vector.broadcast %jit3A_515 : i32 to vector<256x256xi32>
    %select_n3A_517 = arith.select %eq3A_514, %iota3A, %broadcast_in_dim3A_516 : vector<256x256xi1>, vector<256x256xi32>
    %reduce_min3A_518 = arith.constant dense<2147483647> : vector<256xi32>
    %reduce_min3A_519 = vector.multi_reduction <minsi>, %select_n3A_517, %reduce_min3A_518 [1] : vector<256x256xi32> to vector<256xi32>
    %broadcast_in_dim3A_520 = vector.shape_cast %reduce_min3A_519 : vector<256xi32> to vector<256x1xi32>
    %concatenate3A = tpu.concatenate %broadcast_in_dim3A_56, %broadcast_in_dim3A_72, %broadcast_in_dim3A_88, %broadcast_in_dim3A_104, %broadcast_in_dim3A_120, %broadcast_in_dim3A_136, %broadcast_in_dim3A_152, %broadcast_in_dim3A_168, %broadcast_in_dim3A_184, %broadcast_in_dim3A_200, %broadcast_in_dim3A_216, %broadcast_in_dim3A_232, %broadcast_in_dim3A_248, %broadcast_in_dim3A_264, %broadcast_in_dim3A_280, %broadcast_in_dim3A_296, %broadcast_in_dim3A_312, %broadcast_in_dim3A_328, %broadcast_in_dim3A_344, %broadcast_in_dim3A_360, %broadcast_in_dim3A_376, %broadcast_in_dim3A_392, %broadcast_in_dim3A_408, %broadcast_in_dim3A_424, %broadcast_in_dim3A_440, %broadcast_in_dim3A_456, %broadcast_in_dim3A_472, %broadcast_in_dim3A_488, %broadcast_in_dim3A_504, %broadcast_in_dim3A_520 in 1 : vector<256x1xi32>, vector<256x1xi32>, vector<256x1xi32>, vector<256x1xi32>, vector<256x1xi32>, vector<256x1xi32>, vector<256x1xi32>, vector<256x1xi32>, vector<256x1xi32>, vector<256x1xi32>, vector<256x1xi32>, vector<256x1xi32>, vector<256x1xi32>, vector<256x1xi32>, vector<256x1xi32>, vector<256x1xi32>, vector<256x1xi32>, vector<256x1xi32>, vector<256x1xi32>, vector<256x1xi32>, vector<256x1xi32>, vector<256x1xi32>, vector<256x1xi32>, vector<256x1xi32>, vector<256x1xi32>, vector<256x1xi32>, vector<256x1xi32>, vector<256x1xi32>, vector<256x1xi32>, vector<256x1xi32> -> vector<256x30xi32>
    %concatenate3A_521 = tpu.concatenate %broadcast_in_dim3A_51, %broadcast_in_dim3A_64, %broadcast_in_dim3A_80, %broadcast_in_dim3A_96, %broadcast_in_dim3A_112, %broadcast_in_dim3A_128, %broadcast_in_dim3A_144, %broadcast_in_dim3A_160, %broadcast_in_dim3A_176, %broadcast_in_dim3A_192, %broadcast_in_dim3A_208, %broadcast_in_dim3A_224, %broadcast_in_dim3A_240, %broadcast_in_dim3A_256, %broadcast_in_dim3A_272, %broadcast_in_dim3A_288, %broadcast_in_dim3A_304, %broadcast_in_dim3A_320, %broadcast_in_dim3A_336, %broadcast_in_dim3A_352, %broadcast_in_dim3A_368, %broadcast_in_dim3A_384, %broadcast_in_dim3A_400, %broadcast_in_dim3A_416, %broadcast_in_dim3A_432, %broadcast_in_dim3A_448, %broadcast_in_dim3A_464, %broadcast_in_dim3A_480, %broadcast_in_dim3A_496, %broadcast_in_dim3A_512 in 1 : vector<256x1xf32>, vector<256x1xf32>, vector<256x1xf32>, vector<256x1xf32>, vector<256x1xf32>, vector<256x1xf32>, vector<256x1xf32>, vector<256x1xf32>, vector<256x1xf32>, vector<256x1xf32>, vector<256x1xf32>, vector<256x1xf32>, vector<256x1xf32>, vector<256x1xf32>, vector<256x1xf32>, vector<256x1xf32>, vector<256x1xf32>, vector<256x1xf32>, vector<256x1xf32>, vector<256x1xf32>, vector<256x1xf32>, vector<256x1xf32>, vector<256x1xf32>, vector<256x1xf32>, vector<256x1xf32>, vector<256x1xf32>, vector<256x1xf32>, vector<256x1xf32>, vector<256x1xf32>, vector<256x1xf32> -> vector<256x30xf32>
    %swap3A = arith.constant 0 : index
    %swap3A_522 = arith.constant 0 : index
    %swap3A_523 = arith.constant 0 : index
    %swap3A_524 = vector.load %arg13[%swap3A, %swap3A_522, %swap3A_523] : memref<1x256x30xi32, #tpu.memory_space<vmem>>, vector<1x256x30xi32>
    %swap3A_525 = vector.shape_cast %swap3A_524 : vector<1x256x30xi32> to vector<256x30xi32>
    %swap3A_526 = vector.shape_cast %concatenate3A : vector<256x30xi32> to vector<1x256x30xi32>
    tpu.vector_store %arg13[%swap3A, %swap3A_522, %swap3A_523], %swap3A_526 {strides = array<i32>} : memref<1x256x30xi32, #tpu.memory_space<vmem>>, vector<1x256x30xi32>,
    %swap3A_527 = arith.constant 0 : index
    %swap3A_528 = arith.constant 0 : index
    %swap3A_529 = arith.constant 0 : index
    %swap3A_530 = vector.load %arg14[%swap3A_527, %swap3A_528, %swap3A_529] : memref<1x256x30xf32, #tpu.memory_space<vmem>>, vector<1x256x30xf32>
    %swap3A_531 = vector.shape_cast %swap3A_530 : vector<1x256x30xf32> to vector<256x30xf32>
    %swap3A_532 = vector.shape_cast %concatenate3A_521 : vector<256x30xf32> to vector<1x256x30xf32>
    tpu.vector_store %arg14[%swap3A_527, %swap3A_528, %swap3A_529], %swap3A_532 {strides = array<i32>} : memref<1x256x30xf32, #tpu.memory_space<vmem>>, vector<1x256x30xf32>,
    %mul3A_533 = arith.constant 256 : i32
    %mul3A_534 = arith.muli %arg0, %mul3A_533 : i32
    %iota3A_535 = tpu.iota {dimensions = array<i32: 0>} : vector<256x30xi32>
    %add3A_536 = vector.broadcast %mul3A_534 : i32 to vector<256x30xi32>
    %add3A_537 = arith.addi %add3A_536, %iota3A_535 : vector<256x30xi32>
    %mul3A_538 = arith.constant 256 : i32
    %mul3A_539 = vector.broadcast %mul3A_538 : i32 to vector<256x30xi32>
    %mul3A_540 = arith.muli %add3A_537, %mul3A_539 : vector<256x30xi32>
    %add3A_541 = arith.addi %concatenate3A, %mul3A_540 : vector<256x30xi32>
    %swap3A_542 = arith.constant 0 : index
    %swap3A_543 = arith.constant 0 : index
    %swap3A_544 = arith.constant 0 : index
    %swap3A_545 = vector.load %arg15[%swap3A_542, %swap3A_543, %swap3A_544] : memref<1x256x30xi32, #tpu.memory_space<vmem>>, vector<1x256x30xi32>
    %swap3A_546 = vector.shape_cast %swap3A_545 : vector<1x256x30xi32> to vector<256x30xi32>
    %swap3A_547 = vector.shape_cast %add3A_541 : vector<256x30xi32> to vector<1x256x30xi32>
    tpu.vector_store %arg15[%swap3A_542, %swap3A_543, %swap3A_544], %swap3A_547 {strides = array<i32>} : memref<1x256x30xi32, #tpu.memory_space<vmem>>, vector<1x256x30xi32>,
    %get3A_548 = arith.constant 0 : index
    %get3A_549 = arith.constant 0 : index
    %get3A_550 = arith.constant 0 : index
    %get3A_551 = vector.load %arg3[%get3A_548, %get3A_549, %get3A_550] : memref<1x768x3xf32, #tpu.memory_space<vmem>>, vector<1x768x3xf32>
    %get3A_552 = vector.shape_cast %get3A_551 : vector<1x768x3xf32> to vector<768x3xf32>
    %slice3A_553 = vector.extract_strided_slice %get3A_552 {offsets = [1, 0], sizes = [767, 3], strides = [1, 1]} : vector<768x3xf32> to vector<767x3xf32>
    %slice3A_554 = vector.extract_strided_slice %get3A_552 {offsets = [0, 0], sizes = [767, 3], strides = [1, 1]} : vector<768x3xf32> to vector<767x3xf32>
    %sub3A_555 = arith.subf %slice3A_553, %slice3A_554 : vector<767x3xf32>
    %mul3A_556 = arith.mulf %sub3A_555, %sub3A_555 : vector<767x3xf32>
    %reduce_sum3A = arith.constant dense<0.000000e+00> : vector<767xf32>
    %reduce_sum3A_557 = vector.multi_reduction <add>, %mul3A_556, %reduce_sum3A [1] : vector<767x3xf32> to vector<767xf32>
    %broadcast_in_dim3A_558 = vector.shape_cast %reduce_sum3A_557 : vector<767xf32> to vector<767x1xf32>
    %sqrt3A_559 = math.sqrt %broadcast_in_dim3A_558 : vector<767x1xf32>
    %add3A_560 = arith.constant 1.000000e-07 : f32
    %add3A_561 = vector.broadcast %add3A_560 : f32 to vector<767x1xf32>
    %add3A_562 = arith.addf %sqrt3A_559, %add3A_561 : vector<767x1xf32>
    %div3A = vector.broadcast %add3A_562 : vector<767x1xf32> to vector<767x3xf32>
    %div3A_563 = arith.divf %sub3A_555, %div3A : vector<767x3xf32>
    %slice3A_564 = vector.extract_strided_slice %div3A_563 {offsets = [0, 0], sizes = [765, 3], strides = [1, 1]} : vector<767x3xf32> to vector<765x3xf32>
    %slice3A_565 = vector.extract_strided_slice %div3A_563 {offsets = [1, 0], sizes = [765, 3], strides = [1, 1]} : vector<767x3xf32> to vector<765x3xf32>
    %slice3A_566 = vector.extract_strided_slice %div3A_563 {offsets = [2, 0], sizes = [765, 3], strides = [1, 1]} : vector<767x3xf32> to vector<765x3xf32>
    %slice3A_567 = vector.extract_strided_slice %slice3A_564 {offsets = [0, 1], sizes = [765, 1], strides = [1, 1]} : vector<765x3xf32> to vector<765x1xf32>
    %slice3A_568 = vector.extract_strided_slice %slice3A_565 {offsets = [0, 2], sizes = [765, 1], strides = [1, 1]} : vector<765x3xf32> to vector<765x1xf32>
    %mul3A_569 = arith.mulf %slice3A_567, %slice3A_568 : vector<765x1xf32>
    %slice3A_570 = vector.extract_strided_slice %slice3A_564 {offsets = [0, 2], sizes = [765, 1], strides = [1, 1]} : vector<765x3xf32> to vector<765x1xf32>
    %slice3A_571 = vector.extract_strided_slice %slice3A_565 {offsets = [0, 1], sizes = [765, 1], strides = [1, 1]} : vector<765x3xf32> to vector<765x1xf32>
    %mul3A_572 = arith.mulf %slice3A_570, %slice3A_571 : vector<765x1xf32>
    %sub3A_573 = arith.subf %mul3A_569, %mul3A_572 : vector<765x1xf32>
    %slice3A_574 = vector.extract_strided_slice %slice3A_564 {offsets = [0, 2], sizes = [765, 1], strides = [1, 1]} : vector<765x3xf32> to vector<765x1xf32>
    %slice3A_575 = vector.extract_strided_slice %slice3A_565 {offsets = [0, 0], sizes = [765, 1], strides = [1, 1]} : vector<765x3xf32> to vector<765x1xf32>
    %mul3A_576 = arith.mulf %slice3A_574, %slice3A_575 : vector<765x1xf32>
    %slice3A_577 = vector.extract_strided_slice %slice3A_564 {offsets = [0, 0], sizes = [765, 1], strides = [1, 1]} : vector<765x3xf32> to vector<765x1xf32>
    %slice3A_578 = vector.extract_strided_slice %slice3A_565 {offsets = [0, 2], sizes = [765, 1], strides = [1, 1]} : vector<765x3xf32> to vector<765x1xf32>
    %mul3A_579 = arith.mulf %slice3A_577, %slice3A_578 : vector<765x1xf32>
    %sub3A_580 = arith.subf %mul3A_576, %mul3A_579 : vector<765x1xf32>
    %slice3A_581 = vector.extract_strided_slice %slice3A_564 {offsets = [0, 0], sizes = [765, 1], strides = [1, 1]} : vector<765x3xf32> to vector<765x1xf32>
    %slice3A_582 = vector.extract_strided_slice %slice3A_565 {offsets = [0, 1], sizes = [765, 1], strides = [1, 1]} : vector<765x3xf32> to vector<765x1xf32>
    %mul3A_583 = arith.mulf %slice3A_581, %slice3A_582 : vector<765x1xf32>
    %slice3A_584 = vector.extract_strided_slice %slice3A_564 {offsets = [0, 1], sizes = [765, 1], strides = [1, 1]} : vector<765x3xf32> to vector<765x1xf32>
    %slice3A_585 = vector.extract_strided_slice %slice3A_565 {offsets = [0, 0], sizes = [765, 1], strides = [1, 1]} : vector<765x3xf32> to vector<765x1xf32>
    %mul3A_586 = arith.mulf %slice3A_584, %slice3A_585 : vector<765x1xf32>
    %sub3A_587 = arith.subf %mul3A_583, %mul3A_586 : vector<765x1xf32>
    %concatenate3A_588 = tpu.concatenate %sub3A_573, %sub3A_580, %sub3A_587 in 1 : vector<765x1xf32>, vector<765x1xf32>, vector<765x1xf32> -> vector<765x3xf32>
    %mul3A_589 = arith.mulf %concatenate3A_588, %concatenate3A_588 : vector<765x3xf32>
    %reduce_sum3A_590 = arith.constant dense<0.000000e+00> : vector<765xf32>
    %reduce_sum3A_591 = vector.multi_reduction <add>, %mul3A_589, %reduce_sum3A_590 [1] : vector<765x3xf32> to vector<765xf32>
    %broadcast_in_dim3A_592 = vector.shape_cast %reduce_sum3A_591 : vector<765xf32> to vector<765x1xf32>
    %sqrt3A_593 = math.sqrt %broadcast_in_dim3A_592 : vector<765x1xf32>
    %add3A_594 = arith.constant 1.000000e-07 : f32
    %add3A_595 = vector.broadcast %add3A_594 : f32 to vector<765x1xf32>
    %add3A_596 = arith.addf %sqrt3A_593, %add3A_595 : vector<765x1xf32>
    %div3A_597 = vector.broadcast %add3A_596 : vector<765x1xf32> to vector<765x3xf32>
    %div3A_598 = arith.divf %concatenate3A_588, %div3A_597 : vector<765x3xf32>
    %slice3A_599 = vector.extract_strided_slice %slice3A_565 {offsets = [0, 1], sizes = [765, 1], strides = [1, 1]} : vector<765x3xf32> to vector<765x1xf32>
    %slice3A_600 = vector.extract_strided_slice %slice3A_566 {offsets = [0, 2], sizes = [765, 1], strides = [1, 1]} : vector<765x3xf32> to vector<765x1xf32>
    %mul3A_601 = arith.mulf %slice3A_599, %slice3A_600 : vector<765x1xf32>
    %slice3A_602 = vector.extract_strided_slice %slice3A_565 {offsets = [0, 2], sizes = [765, 1], strides = [1, 1]} : vector<765x3xf32> to vector<765x1xf32>
    %slice3A_603 = vector.extract_strided_slice %slice3A_566 {offsets = [0, 1], sizes = [765, 1], strides = [1, 1]} : vector<765x3xf32> to vector<765x1xf32>
    %mul3A_604 = arith.mulf %slice3A_602, %slice3A_603 : vector<765x1xf32>
    %sub3A_605 = arith.subf %mul3A_601, %mul3A_604 : vector<765x1xf32>
    %slice3A_606 = vector.extract_strided_slice %slice3A_565 {offsets = [0, 2], sizes = [765, 1], strides = [1, 1]} : vector<765x3xf32> to vector<765x1xf32>
    %slice3A_607 = vector.extract_strided_slice %slice3A_566 {offsets = [0, 0], sizes = [765, 1], strides = [1, 1]} : vector<765x3xf32> to vector<765x1xf32>
    %mul3A_608 = arith.mulf %slice3A_606, %slice3A_607 : vector<765x1xf32>
    %slice3A_609 = vector.extract_strided_slice %slice3A_565 {offsets = [0, 0], sizes = [765, 1], strides = [1, 1]} : vector<765x3xf32> to vector<765x1xf32>
    %slice3A_610 = vector.extract_strided_slice %slice3A_566 {offsets = [0, 2], sizes = [765, 1], strides = [1, 1]} : vector<765x3xf32> to vector<765x1xf32>
    %mul3A_611 = arith.mulf %slice3A_609, %slice3A_610 : vector<765x1xf32>
    %sub3A_612 = arith.subf %mul3A_608, %mul3A_611 : vector<765x1xf32>
    %slice3A_613 = vector.extract_strided_slice %slice3A_565 {offsets = [0, 0], sizes = [765, 1], strides = [1, 1]} : vector<765x3xf32> to vector<765x1xf32>
    %slice3A_614 = vector.extract_strided_slice %slice3A_566 {offsets = [0, 1], sizes = [765, 1], strides = [1, 1]} : vector<765x3xf32> to vector<765x1xf32>
    %mul3A_615 = arith.mulf %slice3A_613, %slice3A_614 : vector<765x1xf32>
    %slice3A_616 = vector.extract_strided_slice %slice3A_565 {offsets = [0, 1], sizes = [765, 1], strides = [1, 1]} : vector<765x3xf32> to vector<765x1xf32>
    %slice3A_617 = vector.extract_strided_slice %slice3A_566 {offsets = [0, 0], sizes = [765, 1], strides = [1, 1]} : vector<765x3xf32> to vector<765x1xf32>
    %mul3A_618 = arith.mulf %slice3A_616, %slice3A_617 : vector<765x1xf32>
    %sub3A_619 = arith.subf %mul3A_615, %mul3A_618 : vector<765x1xf32>
    %concatenate3A_620 = tpu.concatenate %sub3A_605, %sub3A_612, %sub3A_619 in 1 : vector<765x1xf32>, vector<765x1xf32>, vector<765x1xf32> -> vector<765x3xf32>
    %mul3A_621 = arith.mulf %concatenate3A_620, %concatenate3A_620 : vector<765x3xf32>
    %reduce_sum3A_622 = arith.constant dense<0.000000e+00> : vector<765xf32>
    %reduce_sum3A_623 = vector.multi_reduction <add>, %mul3A_621, %reduce_sum3A_622 [1] : vector<765x3xf32> to vector<765xf32>
    %broadcast_in_dim3A_624 = vector.shape_cast %reduce_sum3A_623 : vector<765xf32> to vector<765x1xf32>
    %sqrt3A_625 = math.sqrt %broadcast_in_dim3A_624 : vector<765x1xf32>
    %add3A_626 = arith.constant 1.000000e-07 : f32
    %add3A_627 = vector.broadcast %add3A_626 : f32 to vector<765x1xf32>
    %add3A_628 = arith.addf %sqrt3A_625, %add3A_627 : vector<765x1xf32>
    %div3A_629 = vector.broadcast %add3A_628 : vector<765x1xf32> to vector<765x3xf32>
    %div3A_630 = arith.divf %concatenate3A_620, %div3A_629 : vector<765x3xf32>
    %mul3A_631 = arith.mulf %div3A_598, %div3A_630 : vector<765x3xf32>
    %reduce_sum3A_632 = arith.constant dense<0.000000e+00> : vector<765xf32>
    %reduce_sum3A_633 = vector.multi_reduction <add>, %mul3A_631, %reduce_sum3A_632 [1] : vector<765x3xf32> to vector<765xf32>
    %broadcast_in_dim3A_634 = vector.shape_cast %reduce_sum3A_633 : vector<765xf32> to vector<765x1xf32>
    %jit3A_635 = arith.constant -0.99999988 : f32
    %jit3A_636 = arith.constant 0.99999988 : f32
    %max3A = vector.broadcast %jit3A_635 : f32 to vector<765x1xf32>
    %max3A_637 = arith.maximumf %max3A, %broadcast_in_dim3A_634 : vector<765x1xf32>
    %min3A = vector.broadcast %jit3A_636 : f32 to vector<765x1xf32>
    %min3A_638 = arith.minimumf %min3A, %max3A_637 : vector<765x1xf32>
    %mul3A_639 = arith.mulf %slice3A_564, %div3A_630 : vector<765x3xf32>
    %reduce_sum3A_640 = arith.constant dense<0.000000e+00> : vector<765xf32>
    %reduce_sum3A_641 = vector.multi_reduction <add>, %mul3A_639, %reduce_sum3A_640 [1] : vector<765x3xf32> to vector<765xf32>
    %broadcast_in_dim3A_642 = vector.shape_cast %reduce_sum3A_641 : vector<765xf32> to vector<765x1xf32>
    %sign3A = tpu.bitcast %broadcast_in_dim3A_642 : vector<765x1xf32> -> vector<765x1xi32>
    %sign3A_643 = arith.constant -2147483648 : i32
    %sign3A_644 = vector.broadcast %sign3A_643 : i32 to vector<765x1xi32>
    %sign3A_645 = arith.andi %sign3A, %sign3A_644 : vector<765x1xi32>
    %sign3A_646 = arith.constant 1065353216 : i32
    %sign3A_647 = vector.broadcast %sign3A_646 : i32 to vector<765x1xi32>
    %sign3A_648 = arith.ori %sign3A_647, %sign3A_645 : vector<765x1xi32>
    %sign3A_649 = tpu.bitcast %sign3A_648 : vector<765x1xi32> -> vector<765x1xf32>
    %sign3A_650 = math.absf %broadcast_in_dim3A_642 : vector<765x1xf32>
    %sign3A_651 = arith.constant 0.000000e+00 : f32
    %sign3A_652 = vector.broadcast %sign3A_651 : f32 to vector<765x1xf32>
    %sign3A_653 = arith.cmpf ogt, %sign3A_650, %sign3A_652 : vector<765x1xf32>
    %sign3A_654 = arith.select %sign3A_653, %sign3A_649, %broadcast_in_dim3A_642 : vector<765x1xi1>, vector<765x1xf32>
    %mul3A_655 = arith.mulf %min3A_638, %min3A_638 : vector<765x1xf32>
    %sub3A_656 = arith.constant 1.000000e+00 : f32
    %sub3A_657 = vector.broadcast %sub3A_656 : f32 to vector<765x1xf32>
    %sub3A_658 = arith.subf %sub3A_657, %mul3A_655 : vector<765x1xf32>
    %max3A_659 = arith.constant 0.000000e+00 : f32
    %max3A_660 = vector.broadcast %max3A_659 : f32 to vector<765x1xf32>
    %max3A_661 = arith.maximumf %sub3A_658, %max3A_660 : vector<765x1xf32>
    %sqrt3A_662 = math.sqrt %max3A_661 : vector<765x1xf32>
    %mul3A_663 = arith.mulf %sign3A_654, %sqrt3A_662 : vector<765x1xf32>
    %broadcast_in_dim3A_664 = arith.constant 1.000000e+00 : f32
    %broadcast_in_dim3A_665 = vector.broadcast %broadcast_in_dim3A_664 : f32 to vector<1x1xf32>
    %broadcast_in_dim3A_666 = arith.constant 1.000000e+00 : f32
    %broadcast_in_dim3A_667 = vector.broadcast %broadcast_in_dim3A_666 : f32 to vector<2x1xf32>
    %concatenate3A_668 = tpu.concatenate %broadcast_in_dim3A_665, %min3A_638, %broadcast_in_dim3A_667 in 0 : vector<1x1xf32>, vector<765x1xf32>, vector<2x1xf32> -> vector<768x1xf32>
    %broadcast_in_dim3A_669 = arith.constant 0.000000e+00 : f32
    %broadcast_in_dim3A_670 = vector.broadcast %broadcast_in_dim3A_669 : f32 to vector<1x1xf32>
    %broadcast_in_dim3A_671 = arith.constant 0.000000e+00 : f32
    %broadcast_in_dim3A_672 = vector.broadcast %broadcast_in_dim3A_671 : f32 to vector<2x1xf32>
    %concatenate3A_673 = tpu.concatenate %broadcast_in_dim3A_670, %mul3A_663, %broadcast_in_dim3A_672 in 0 : vector<1x1xf32>, vector<765x1xf32>, vector<2x1xf32> -> vector<768x1xf32>
    %iota3A_674 = tpu.iota {dimensions = array<i32: 0>} : vector<256x768xi32>
    %iota3A_675 = tpu.iota {dimensions = array<i32: 1>} : vector<256x768xi32>
    %mul3A_676 = arith.constant 3 : i32
    %mul3A_677 = vector.broadcast %mul3A_676 : i32 to vector<256x768xi32>
    %mul3A_678 = arith.muli %mul3A_677, %iota3A_674 : vector<256x768xi32>
    %add3A_679 = arith.constant 0 : i32
    %add3A_680 = vector.broadcast %add3A_679 : i32 to vector<256x768xi32>
    %add3A_681 = arith.addi %mul3A_678, %add3A_680 : vector<256x768xi32>
    %eq3A_682 = arith.cmpi eq, %iota3A_675, %add3A_681 : vector<256x768xi32>
    %jit3A_683 = arith.constant 1.000000e+00 : f32
    %jit3A_684 = arith.constant 0.000000e+00 : f32
    %broadcast_in_dim3A_685 = vector.broadcast %jit3A_683 : f32 to vector<256x768xf32>
    %broadcast_in_dim3A_686 = vector.broadcast %jit3A_684 : f32 to vector<256x768xf32>
    %select_n3A_687 = arith.select %eq3A_682, %broadcast_in_dim3A_685, %broadcast_in_dim3A_686 : vector<256x768xi1>, vector<256x768xf32>
    %dot_general3A = arith.constant dense<0.000000e+00> : vector<256x1xf32>
    %dot_general3A_688 = tpu.matmul %select_n3A_687, %concatenate3A_668, %dot_general3A {dimension_numbers = #tpu.dot_dimension_numbers<[1], [0], [0], [1], [0, 0, 1, 1], [], []>, transpose_lhs_hint = false} : vector<256x768xf32>, vector<768x1xf32>, vector<256x1xf32> -> vector<256x1xf32>
    %mul3A_689 = arith.constant 3 : i32
    %mul3A_690 = vector.broadcast %mul3A_689 : i32 to vector<256x768xi32>
    %mul3A_691 = arith.muli %mul3A_690, %iota3A_674 : vector<256x768xi32>
    %add3A_692 = arith.constant 1 : i32
    %add3A_693 = vector.broadcast %add3A_692 : i32 to vector<256x768xi32>
    %add3A_694 = arith.addi %mul3A_691, %add3A_693 : vector<256x768xi32>
    %eq3A_695 = arith.cmpi eq, %iota3A_675, %add3A_694 : vector<256x768xi32>
    %jit3A_696 = arith.constant 1.000000e+00 : f32
    %jit3A_697 = arith.constant 0.000000e+00 : f32
    %broadcast_in_dim3A_698 = vector.broadcast %jit3A_696 : f32 to vector<256x768xf32>
    %broadcast_in_dim3A_699 = vector.broadcast %jit3A_697 : f32 to vector<256x768xf32>
    %select_n3A_700 = arith.select %eq3A_695, %broadcast_in_dim3A_698, %broadcast_in_dim3A_699 : vector<256x768xi1>, vector<256x768xf32>
    %dot_general3A_701 = arith.constant dense<0.000000e+00> : vector<256x1xf32>
    %dot_general3A_702 = tpu.matmul %select_n3A_700, %concatenate3A_668, %dot_general3A_701 {dimension_numbers = #tpu.dot_dimension_numbers<[1], [0], [0], [1], [0, 0, 1, 1], [], []>, transpose_lhs_hint = false} : vector<256x768xf32>, vector<768x1xf32>, vector<256x1xf32> -> vector<256x1xf32>
    %mul3A_703 = arith.constant 3 : i32
    %mul3A_704 = vector.broadcast %mul3A_703 : i32 to vector<256x768xi32>
    %mul3A_705 = arith.muli %mul3A_704, %iota3A_674 : vector<256x768xi32>
    %add3A_706 = arith.constant 2 : i32
    %add3A_707 = vector.broadcast %add3A_706 : i32 to vector<256x768xi32>
    %add3A_708 = arith.addi %mul3A_705, %add3A_707 : vector<256x768xi32>
    %eq3A_709 = arith.cmpi eq, %iota3A_675, %add3A_708 : vector<256x768xi32>
    %jit3A_710 = arith.constant 1.000000e+00 : f32
    %jit3A_711 = arith.constant 0.000000e+00 : f32
    %broadcast_in_dim3A_712 = vector.broadcast %jit3A_710 : f32 to vector<256x768xf32>
    %broadcast_in_dim3A_713 = vector.broadcast %jit3A_711 : f32 to vector<256x768xf32>
    %select_n3A_714 = arith.select %eq3A_709, %broadcast_in_dim3A_712, %broadcast_in_dim3A_713 : vector<256x768xi1>, vector<256x768xf32>
    %dot_general3A_715 = arith.constant dense<0.000000e+00> : vector<256x1xf32>
    %dot_general3A_716 = tpu.matmul %select_n3A_714, %concatenate3A_668, %dot_general3A_715 {dimension_numbers = #tpu.dot_dimension_numbers<[1], [0], [0], [1], [0, 0, 1, 1], [], []>, transpose_lhs_hint = false} : vector<256x768xf32>, vector<768x1xf32>, vector<256x1xf32> -> vector<256x1xf32>
    %mul3A_717 = arith.constant 3 : i32
    %mul3A_718 = vector.broadcast %mul3A_717 : i32 to vector<256x768xi32>
    %mul3A_719 = arith.muli %mul3A_718, %iota3A_674 : vector<256x768xi32>
    %add3A_720 = arith.constant 0 : i32
    %add3A_721 = vector.broadcast %add3A_720 : i32 to vector<256x768xi32>
    %add3A_722 = arith.addi %mul3A_719, %add3A_721 : vector<256x768xi32>
    %eq3A_723 = arith.cmpi eq, %iota3A_675, %add3A_722 : vector<256x768xi32>
    %jit3A_724 = arith.constant 1.000000e+00 : f32
    %jit3A_725 = arith.constant 0.000000e+00 : f32
    %broadcast_in_dim3A_726 = vector.broadcast %jit3A_724 : f32 to vector<256x768xf32>
    %broadcast_in_dim3A_727 = vector.broadcast %jit3A_725 : f32 to vector<256x768xf32>
    %select_n3A_728 = arith.select %eq3A_723, %broadcast_in_dim3A_726, %broadcast_in_dim3A_727 : vector<256x768xi1>, vector<256x768xf32>
    %dot_general3A_729 = arith.constant dense<0.000000e+00> : vector<256x1xf32>
    %dot_general3A_730 = tpu.matmul %select_n3A_728, %concatenate3A_673, %dot_general3A_729 {dimension_numbers = #tpu.dot_dimension_numbers<[1], [0], [0], [1], [0, 0, 1, 1], [], []>, transpose_lhs_hint = false} : vector<256x768xf32>, vector<768x1xf32>, vector<256x1xf32> -> vector<256x1xf32>
    %mul3A_731 = arith.constant 3 : i32
    %mul3A_732 = vector.broadcast %mul3A_731 : i32 to vector<256x768xi32>
    %mul3A_733 = arith.muli %mul3A_732, %iota3A_674 : vector<256x768xi32>
    %add3A_734 = arith.constant 1 : i32
    %add3A_735 = vector.broadcast %add3A_734 : i32 to vector<256x768xi32>
    %add3A_736 = arith.addi %mul3A_733, %add3A_735 : vector<256x768xi32>
    %eq3A_737 = arith.cmpi eq, %iota3A_675, %add3A_736 : vector<256x768xi32>
    %jit3A_738 = arith.constant 1.000000e+00 : f32
    %jit3A_739 = arith.constant 0.000000e+00 : f32
    %broadcast_in_dim3A_740 = vector.broadcast %jit3A_738 : f32 to vector<256x768xf32>
    %broadcast_in_dim3A_741 = vector.broadcast %jit3A_739 : f32 to vector<256x768xf32>
    %select_n3A_742 = arith.select %eq3A_737, %broadcast_in_dim3A_740, %broadcast_in_dim3A_741 : vector<256x768xi1>, vector<256x768xf32>
    %dot_general3A_743 = arith.constant dense<0.000000e+00> : vector<256x1xf32>
    %dot_general3A_744 = tpu.matmul %select_n3A_742, %concatenate3A_673, %dot_general3A_743 {dimension_numbers = #tpu.dot_dimension_numbers<[1], [0], [0], [1], [0, 0, 1, 1], [], []>, transpose_lhs_hint = false} : vector<256x768xf32>, vector<768x1xf32>, vector<256x1xf32> -> vector<256x1xf32>
    %mul3A_745 = arith.constant 3 : i32
    %mul3A_746 = vector.broadcast %mul3A_745 : i32 to vector<256x768xi32>
    %mul3A_747 = arith.muli %mul3A_746, %iota3A_674 : vector<256x768xi32>
    %add3A_748 = arith.constant 2 : i32
    %add3A_749 = vector.broadcast %add3A_748 : i32 to vector<256x768xi32>
    %add3A_750 = arith.addi %mul3A_747, %add3A_749 : vector<256x768xi32>
    %eq3A_751 = arith.cmpi eq, %iota3A_675, %add3A_750 : vector<256x768xi32>
    %jit3A_752 = arith.constant 1.000000e+00 : f32
    %jit3A_753 = arith.constant 0.000000e+00 : f32
    %broadcast_in_dim3A_754 = vector.broadcast %jit3A_752 : f32 to vector<256x768xf32>
    %broadcast_in_dim3A_755 = vector.broadcast %jit3A_753 : f32 to vector<256x768xf32>
    %select_n3A_756 = arith.select %eq3A_751, %broadcast_in_dim3A_754, %broadcast_in_dim3A_755 : vector<256x768xi1>, vector<256x768xf32>
    %dot_general3A_757 = arith.constant dense<0.000000e+00> : vector<256x1xf32>
    %dot_general3A_758 = tpu.matmul %select_n3A_756, %concatenate3A_673, %dot_general3A_757 {dimension_numbers = #tpu.dot_dimension_numbers<[1], [0], [0], [1], [0, 0, 1, 1], [], []>, transpose_lhs_hint = false} : vector<256x768xf32>, vector<768x1xf32>, vector<256x1xf32> -> vector<256x1xf32>
    %concatenate3A_759 = tpu.concatenate %dot_general3A_688, %dot_general3A_702, %dot_general3A_716, %dot_general3A_730, %dot_general3A_744, %dot_general3A_758 in 1 : vector<256x1xf32>, vector<256x1xf32>, vector<256x1xf32>, vector<256x1xf32>, vector<256x1xf32>, vector<256x1xf32> -> vector<256x6xf32>
    %get3A_760 = arith.constant 0 : index
    %get3A_761 = arith.constant 0 : index
    %get3A_762 = vector.load %arg7[%get3A_760, %get3A_761] : memref<6x128xf32, #tpu.memory_space<vmem>>, vector<6x128xf32>
    %dot_general3A_763 = arith.constant dense<0.000000e+00> : vector<256x128xf32>
    %dot_general3A_764 = tpu.matmul %concatenate3A_759, %get3A_762, %dot_general3A_763 {dimension_numbers = #tpu.dot_dimension_numbers<[1], [0], [0], [1], [0, 0, 1, 1], [], []>, transpose_lhs_hint = false} : vector<256x6xf32>, vector<6x128xf32>, vector<256x128xf32> -> vector<256x128xf32>
    %get3A_765 = arith.constant 0 : index
    %get3A_766 = arith.constant 0 : index
    %get3A_767 = vector.load %arg8[%get3A_765, %get3A_766] : memref<1x128xf32, #tpu.memory_space<vmem>>, vector<1x128xf32>
    %add3A_768 = vector.broadcast %get3A_767 : vector<1x128xf32> to vector<256x128xf32>
    %add3A_769 = arith.addf %dot_general3A_764, %add3A_768 : vector<256x128xf32>
    %get3A_770 = arith.constant 0 : index
    %get3A_771 = arith.constant 0 : index
    %get3A_772 = vector.load %arg9[%get3A_770, %get3A_771] : memref<1x128xf32, #tpu.memory_space<vmem>>, vector<1x128xf32>
    %get3A_773 = arith.constant 0 : index
    %get3A_774 = arith.constant 0 : index
    %get3A_775 = vector.load %arg10[%get3A_773, %get3A_774] : memref<1x128xf32, #tpu.memory_space<vmem>>, vector<1x128xf32>
    %reduce_sum3A_776 = arith.constant dense<0.000000e+00> : vector<256xf32>
    %reduce_sum3A_777 = vector.multi_reduction <add>, %add3A_769, %reduce_sum3A_776 [1] : vector<256x128xf32> to vector<256xf32>
    %broadcast_in_dim3A_778 = vector.shape_cast %reduce_sum3A_777 : vector<256xf32> to vector<256x1xf32>
    %div3A_779 = arith.constant 1.280000e+02 : f32
    %div3A_780 = vector.broadcast %div3A_779 : f32 to vector<256x1xf32>
    %div3A_781 = arith.divf %broadcast_in_dim3A_778, %div3A_780 : vector<256x1xf32>
    %sub3A_782 = vector.broadcast %div3A_781 : vector<256x1xf32> to vector<256x128xf32>
    %sub3A_783 = arith.subf %add3A_769, %sub3A_782 : vector<256x128xf32>
    %integer_pow3A = arith.mulf %sub3A_783, %sub3A_783 : vector<256x128xf32>
    %reduce_sum3A_784 = arith.constant dense<0.000000e+00> : vector<256xf32>
    %reduce_sum3A_785 = vector.multi_reduction <add>, %integer_pow3A, %reduce_sum3A_784 [1] : vector<256x128xf32> to vector<256xf32>
    %broadcast_in_dim3A_786 = vector.shape_cast %reduce_sum3A_785 : vector<256xf32> to vector<256x1xf32>
    %div3A_787 = arith.constant 1.280000e+02 : f32
    %div3A_788 = vector.broadcast %div3A_787 : f32 to vector<256x1xf32>
    %div3A_789 = arith.divf %broadcast_in_dim3A_786, %div3A_788 : vector<256x1xf32>
    %sub3A_790 = vector.broadcast %div3A_781 : vector<256x1xf32> to vector<256x128xf32>
    %sub3A_791 = arith.subf %add3A_769, %sub3A_790 : vector<256x128xf32>
    %add3A_792 = arith.constant 9.99999974E-6 : f32
    %add3A_793 = vector.broadcast %add3A_792 : f32 to vector<256x1xf32>
    %add3A_794 = arith.addf %div3A_789, %add3A_793 : vector<256x1xf32>
    %sqrt3A_795 = math.sqrt %add3A_794 : vector<256x1xf32>
    %div3A_796 = vector.broadcast %sqrt3A_795 : vector<256x1xf32> to vector<256x128xf32>
    %div3A_797 = arith.divf %sub3A_791, %div3A_796 : vector<256x128xf32>
    %mul3A_798 = vector.broadcast %get3A_772 : vector<1x128xf32> to vector<256x128xf32>
    %mul3A_799 = arith.mulf %div3A_797, %mul3A_798 : vector<256x128xf32>
    %add3A_800 = vector.broadcast %get3A_775 : vector<1x128xf32> to vector<256x128xf32>
    %add3A_801 = arith.addf %mul3A_799, %add3A_800 : vector<256x128xf32>
    %get3A_802 = arith.constant 0 : index
    %get3A_803 = arith.constant 0 : index
    %get3A_804 = vector.load %arg11[%get3A_802, %get3A_803] : memref<256x128xf32, #tpu.memory_space<vmem>>, vector<256x128xf32>
    %slice3A_805 = vector.extract_strided_slice %get3A_804 {offsets = [0, 0], sizes = [128, 128], strides = [1, 1]} : vector<256x128xf32> to vector<128x128xf32>
    %dot_general3A_806 = arith.constant dense<0.000000e+00> : vector<256x128xf32>
    %dot_general3A_807 = tpu.matmul %add3A_801, %slice3A_805, %dot_general3A_806 {dimension_numbers = #tpu.dot_dimension_numbers<[1], [0], [0], [1], [0, 0, 1, 1], [], []>, transpose_lhs_hint = false} : vector<256x128xf32>, vector<128x128xf32>, vector<256x128xf32> -> vector<256x128xf32>
    %get3A_808 = arith.constant 0 : index
    %get3A_809 = arith.constant 0 : index
    %get3A_810 = arith.constant 0 : index
    %get3A_811 = vector.load %arg6[%get3A_808, %get3A_809, %get3A_810] : memref<1x256x128xf32, #tpu.memory_space<vmem>>, vector<1x256x128xf32>
    %get3A_812 = vector.shape_cast %get3A_811 : vector<1x256x128xf32> to vector<256x128xf32>
    %slice3A_813 = vector.extract_strided_slice %get3A_804 {offsets = [128, 0], sizes = [128, 128], strides = [1, 1]} : vector<256x128xf32> to vector<128x128xf32>
    %dot_general3A_814 = arith.constant dense<0.000000e+00> : vector<256x128xf32>
    %dot_general3A_815 = tpu.matmul %get3A_812, %slice3A_813, %dot_general3A_814 {dimension_numbers = #tpu.dot_dimension_numbers<[1], [0], [0], [1], [0, 0, 1, 1], [], []>, transpose_lhs_hint = false} : vector<256x128xf32>, vector<128x128xf32>, vector<256x128xf32> -> vector<256x128xf32>
    %add3A_816 = arith.addf %dot_general3A_807, %dot_general3A_815 : vector<256x128xf32>
    %get3A_817 = arith.constant 0 : index
    %get3A_818 = arith.constant 0 : index
    %get3A_819 = vector.load %arg12[%get3A_817, %get3A_818] : memref<1x128xf32, #tpu.memory_space<vmem>>, vector<1x128xf32>
    %add3A_820 = vector.broadcast %get3A_819 : vector<1x128xf32> to vector<256x128xf32>
    %add3A_821 = arith.addf %add3A_816, %add3A_820 : vector<256x128xf32>
    %swap3A_822 = arith.constant 0 : index
    %swap3A_823 = arith.constant 0 : index
    %swap3A_824 = arith.constant 0 : index
    %swap3A_825 = vector.load %arg16[%swap3A_822, %swap3A_823, %swap3A_824] : memref<1x256x128xf32, #tpu.memory_space<vmem>>, vector<1x256x128xf32>
    %swap3A_826 = vector.shape_cast %swap3A_825 : vector<1x256x128xf32> to vector<256x128xf32>
    %swap3A_827 = vector.shape_cast %add3A_821 : vector<256x128xf32> to vector<1x256x128xf32>
    tpu.vector_store %arg16[%swap3A_822, %swap3A_823, %swap3A_824], %swap3A_827 {strides = array<i32>} : memref<1x256x128xf32, #tpu.memory_space<vmem>>, vector<1x256x128xf32>,
    return
  }
  func.func @transform_0(%arg0: i32) -> (i32, i32, i32) {
    %c0_i32 = arith.constant 0 : i32
    %c0_i32_0 = arith.constant 0 : i32
    %c0_i32_1 = arith.constant 0 : i32
    return %arg0, %c0_i32, %c0_i32_0 : i32, i32, i32
  }
  func.func @transform_1(%arg0: i32) -> (i32, i32, i32) {
    %c0_i32 = arith.constant 0 : i32
    %c0_i32_0 = arith.constant 0 : i32
    %c0_i32_1 = arith.constant 0 : i32
    return %arg0, %c0_i32, %c0_i32_0 : i32, i32, i32
  }
  func.func @transform_2(%arg0: i32) -> (i32, i32, i32) {
    %c0_i32 = arith.constant 0 : i32
    %c0_i32_0 = arith.constant 0 : i32
    %c0_i32_1 = arith.constant 0 : i32
    return %arg0, %c0_i32, %c0_i32_0 : i32, i32, i32
  }
  func.func @transform_3(%arg0: i32) -> (i32, i32, i32) {
    %c0_i32 = arith.constant 0 : i32
    %c0_i32_0 = arith.constant 0 : i32
    %c0_i32_1 = arith.constant 0 : i32
    return %arg0, %c0_i32, %c0_i32_0 : i32, i32, i32
  }
  func.func @transform_4(%arg0: i32) -> (i32, i32, i32) {
    %c0_i32 = arith.constant 0 : i32
    %c0_i32_0 = arith.constant 0 : i32
    %c0_i32_1 = arith.constant 0 : i32
    return %arg0, %c0_i32, %c0_i32_0 : i32, i32, i32
  }
  func.func @transform_5(%arg0: i32) -> (i32, i32, i32) {
    %c0_i32 = arith.constant 0 : i32
    %c0_i32_0 = arith.constant 0 : i32
    %c0_i32_1 = arith.constant 0 : i32
    return %arg0, %c0_i32, %c0_i32_0 : i32, i32, i32
  }
  func.func @transform_6(%arg0: i32) -> (i32, i32) {
    %c0_i32 = arith.constant 0 : i32
    %c0_i32_0 = arith.constant 0 : i32
    %c0_i32_1 = arith.constant 0 : i32
    return %c0_i32, %c0_i32_0 : i32, i32
  }
  func.func @transform_7(%arg0: i32) -> (i32, i32) {
    %c0_i32 = arith.constant 0 : i32
    %c0_i32_0 = arith.constant 0 : i32
    %c0_i32_1 = arith.constant 0 : i32
    return %c0_i32, %c0_i32_0 : i32, i32
  }
  func.func @transform_8(%arg0: i32) -> (i32, i32) {
    %c0_i32 = arith.constant 0 : i32
    %c0_i32_0 = arith.constant 0 : i32
    %c0_i32_1 = arith.constant 0 : i32
    return %c0_i32, %c0_i32_0 : i32, i32
  }
  func.func @transform_9(%arg0: i32) -> (i32, i32) {
    %c0_i32 = arith.constant 0 : i32
    %c0_i32_0 = arith.constant 0 : i32
    %c0_i32_1 = arith.constant 0 : i32
    return %c0_i32, %c0_i32_0 : i32, i32
  }
  func.func @transform_10(%arg0: i32) -> (i32, i32) {
    %c0_i32 = arith.constant 0 : i32
    %c0_i32_0 = arith.constant 0 : i32
    %c0_i32_1 = arith.constant 0 : i32
    return %c0_i32, %c0_i32_0 : i32, i32
  }
  func.func @transform_11(%arg0: i32) -> (i32, i32) {
    %c0_i32 = arith.constant 0 : i32
    %c0_i32_0 = arith.constant 0 : i32
    %c0_i32_1 = arith.constant 0 : i32
    return %c0_i32, %c0_i32_0 : i32, i32
  }
  func.func @transform_12(%arg0: i32) -> (i32, i32, i32) {
    %c0_i32 = arith.constant 0 : i32
    %c0_i32_0 = arith.constant 0 : i32
    %c0_i32_1 = arith.constant 0 : i32
    return %arg0, %c0_i32, %c0_i32_0 : i32, i32, i32
  }
  func.func @transform_13(%arg0: i32) -> (i32, i32, i32) {
    %c0_i32 = arith.constant 0 : i32
    %c0_i32_0 = arith.constant 0 : i32
    %c0_i32_1 = arith.constant 0 : i32
    return %arg0, %c0_i32, %c0_i32_0 : i32, i32, i32
  }
  func.func @transform_14(%arg0: i32) -> (i32, i32, i32) {
    %c0_i32 = arith.constant 0 : i32
    %c0_i32_0 = arith.constant 0 : i32
    %c0_i32_1 = arith.constant 0 : i32
    return %arg0, %c0_i32, %c0_i32_0 : i32, i32, i32
  }
  func.func @transform_15(%arg0: i32) -> (i32, i32, i32) {
    %c0_i32 = arith.constant 0 : i32
    %c0_i32_0 = arith.constant 0 : i32
    %c0_i32_1 = arith.constant 0 : i32
    return %arg0, %c0_i32, %c0_i32_0 : i32, i32, i32
  }
}

module attributes {stable_mosaic.version = 14 : i64} {
  func.func @_edge_feat_kernel(%arg0: i32, %arg1: i32, %arg2: memref<1x1920x8xf32, #tpu.memory_space<vmem>>, %arg3: memref<1x1920x128xf32, #tpu.memory_space<vmem>>, %arg4: memref<1x256x1xf32, #tpu.memory_space<vmem>>, %arg5: memref<1x256x1xf32, #tpu.memory_space<vmem>>, %arg6: memref<1x64x1xf32, #tpu.memory_space<vmem>>, %arg7: memref<1x64x1xf32, #tpu.memory_space<vmem>>, %arg8: memref<49x128xf32, #tpu.memory_space<vmem>>, %arg9: memref<1x128xf32, #tpu.memory_space<vmem>>, %arg10: memref<1x128xf32, #tpu.memory_space<vmem>>, %arg11: memref<1x128xf32, #tpu.memory_space<vmem>>, %arg12: memref<256x128xf32, #tpu.memory_space<vmem>>, %arg13: memref<1x128xf32, #tpu.memory_space<vmem>>, %arg14: memref<1x1920x128xf32, #tpu.memory_space<vmem>>, %arg15: memref<1x1920x8xf32, #tpu.memory_space<vmem>>) attributes {dimension_semantics = [#tpu.dimension_semantics<arbitrary>, #tpu.dimension_semantics<arbitrary>], iteration_bounds = array<i64: 8, 4>, scalar_prefetch = 0 : i64, scratch_operands = 0 : i64, tpu.core_type = #tpu.core_type<tc>, window_params = [{transform_indices = @transform_0, window_bounds = array<i64: 1, 1920, 8>}, {transform_indices = @transform_1, window_bounds = array<i64: 1, 1920, 128>}, {transform_indices = @transform_2, window_bounds = array<i64: 1, 256, 1>}, {transform_indices = @transform_3, window_bounds = array<i64: 1, 256, 1>}, {transform_indices = @transform_4, window_bounds = array<i64: 1, 64, 1>}, {transform_indices = @transform_5, window_bounds = array<i64: 1, 64, 1>}, {pipeline_mode = #tpu.pipeline_mode<synchronous>, transform_indices = @transform_6, window_bounds = array<i64: 49, 128>}, {pipeline_mode = #tpu.pipeline_mode<synchronous>, transform_indices = @transform_7, window_bounds = array<i64: 1, 128>}, {pipeline_mode = #tpu.pipeline_mode<synchronous>, transform_indices = @transform_8, window_bounds = array<i64: 1, 128>}, {pipeline_mode = #tpu.pipeline_mode<synchronous>, transform_indices = @transform_9, window_bounds = array<i64: 1, 128>}, {pipeline_mode = #tpu.pipeline_mode<synchronous>, transform_indices = @transform_10, window_bounds = array<i64: 256, 128>}, {pipeline_mode = #tpu.pipeline_mode<synchronous>, transform_indices = @transform_11, window_bounds = array<i64: 1, 128>}, {transform_indices = @transform_12, window_bounds = array<i64: 1, 1920, 128>}, {transform_indices = @transform_13, window_bounds = array<i64: 1, 1920, 8>}]} {
    %get3A = arith.constant 0 : index
    %get3A_0 = arith.constant 0 : index
    %get3A_1 = arith.constant 0 : index
    %get3A_2 = vector.load %arg2[%get3A, %get3A_0, %get3A_1] : memref<1x1920x8xf32, #tpu.memory_space<vmem>>, vector<1x1920x8xf32>
    %get3A_3 = vector.shape_cast %get3A_2 : vector<1x1920x8xf32> to vector<1920x8xf32>
    %slice3A = vector.extract_strided_slice %get3A_3 {offsets = [0, 0], sizes = [1920, 1], strides = [1, 1]} : vector<1920x8xf32> to vector<1920x1xf32>
    %get3A_4 = arith.constant 0 : index
    %get3A_5 = arith.constant 0 : index
    %get3A_6 = arith.constant 0 : index
    %get3A_7 = vector.load %arg2[%get3A_4, %get3A_5, %get3A_6] : memref<1x1920x8xf32, #tpu.memory_space<vmem>>, vector<1x1920x8xf32>
    %get3A_8 = vector.shape_cast %get3A_7 : vector<1x1920x8xf32> to vector<1920x8xf32>
    %slice3A_9 = vector.extract_strided_slice %get3A_8 {offsets = [0, 1], sizes = [1920, 1], strides = [1, 1]} : vector<1920x8xf32> to vector<1920x1xf32>
    %get3A_10 = arith.constant 0 : index
    %get3A_11 = arith.constant 0 : index
    %get3A_12 = arith.constant 0 : index
    %get3A_13 = vector.load %arg4[%get3A_10, %get3A_11, %get3A_12] : memref<1x256x1xf32, #tpu.memory_space<vmem>>, vector<1x256x1xf32>
    %get3A_14 = vector.shape_cast %get3A_13 : vector<1x256x1xf32> to vector<256x1xf32>
    %get3A_15 = arith.constant 0 : index
    %get3A_16 = arith.constant 0 : index
    %get3A_17 = arith.constant 0 : index
    %get3A_18 = vector.load %arg5[%get3A_15, %get3A_16, %get3A_17] : memref<1x256x1xf32, #tpu.memory_space<vmem>>, vector<1x256x1xf32>
    %get3A_19 = vector.shape_cast %get3A_18 : vector<1x256x1xf32> to vector<256x1xf32>
    %iota3A = tpu.iota {dimensions = array<i32: 1>} : vector<1920x256xi32>
    %convert_element_type3A = arith.sitofp %iota3A : vector<1920x256xi32> to vector<1920x256xf32>
    %eq3A = vector.broadcast %slice3A : vector<1920x1xf32> to vector<1920x256xf32>
    %eq3A_20 = arith.cmpf oeq, %convert_element_type3A, %eq3A : vector<1920x256xf32>
    %jit3A = arith.constant 1.000000e+00 : f32
    %jit3A_21 = arith.constant 0.000000e+00 : f32
    %broadcast_in_dim3A = vector.broadcast %jit3A : f32 to vector<1920x256xf32>
    %broadcast_in_dim3A_22 = vector.broadcast %jit3A_21 : f32 to vector<1920x256xf32>
    %select_n3A = arith.select %eq3A_20, %broadcast_in_dim3A, %broadcast_in_dim3A_22 : vector<1920x256xi1>, vector<1920x256xf32>
    %iota3A_23 = tpu.iota {dimensions = array<i32: 0>} : vector<1920x64xi32>
    %iota3A_24 = tpu.iota {dimensions = array<i32: 1>} : vector<1920x64xi32>
    %mul3A = arith.constant 30 : i32
    %mul3A_25 = vector.broadcast %mul3A : i32 to vector<1920x64xi32>
    %mul3A_26 = arith.muli %mul3A_25, %iota3A_24 : vector<1920x64xi32>
    %sub3A = arith.subi %iota3A_23, %mul3A_26 : vector<1920x64xi32>
    %ge3A = arith.constant 0 : i32
    %ge3A_27 = vector.broadcast %ge3A : i32 to vector<1920x64xi32>
    %ge3A_28 = arith.cmpi sge, %sub3A, %ge3A_27 : vector<1920x64xi32>
    %lt3A = arith.constant 30 : i32
    %lt3A_29 = vector.broadcast %lt3A : i32 to vector<1920x64xi32>
    %lt3A_30 = arith.cmpi slt, %sub3A, %lt3A_29 : vector<1920x64xi32>
    %and3A = arith.andi %ge3A_28, %lt3A_30 : vector<1920x64xi1>
    %jit3A_31 = arith.constant 1.000000e+00 : f32
    %jit3A_32 = arith.constant 0.000000e+00 : f32
    %broadcast_in_dim3A_33 = vector.broadcast %jit3A_31 : f32 to vector<1920x64xf32>
    %broadcast_in_dim3A_34 = vector.broadcast %jit3A_32 : f32 to vector<1920x64xf32>
    %select_n3A_35 = arith.select %and3A, %broadcast_in_dim3A_33, %broadcast_in_dim3A_34 : vector<1920x64xi1>, vector<1920x64xf32>
    %mul3A_36 = arith.constant 64 : i32
    %mul3A_37 = arith.muli %arg1, %mul3A_36 : i32
    %iota3A_38 = tpu.iota {dimensions = array<i32: 0>} : vector<64x1xi32>
    %convert_element_type3A_39 = arith.sitofp %iota3A_38 : vector<64x1xi32> to vector<64x1xf32>
    %dot_general3A = arith.constant dense<0.000000e+00> : vector<1920x1xf32>
    %dot_general3A_40 = tpu.matmul %select_n3A_35, %convert_element_type3A_39, %dot_general3A {dimension_numbers = #tpu.dot_dimension_numbers<[1], [0], [0], [1], [0, 0, 1, 1], [], []>, transpose_lhs_hint = false} : vector<1920x64xf32>, vector<64x1xf32>, vector<1920x1xf32> -> vector<1920x1xf32>
    %convert_element_type3A_41 = arith.sitofp %mul3A_37 : i32 to f32
    %add3A = vector.broadcast %convert_element_type3A_41 : f32 to vector<1920x1xf32>
    %add3A_42 = arith.addf %dot_general3A_40, %add3A : vector<1920x1xf32>
    %get3A_43 = arith.constant 0 : index
    %get3A_44 = arith.constant 0 : index
    %get3A_45 = arith.constant 0 : index
    %get3A_46 = vector.load %arg6[%get3A_43, %get3A_44, %get3A_45] : memref<1x64x1xf32, #tpu.memory_space<vmem>>, vector<1x64x1xf32>
    %get3A_47 = vector.shape_cast %get3A_46 : vector<1x64x1xf32> to vector<64x1xf32>
    %get3A_48 = arith.constant 0 : index
    %get3A_49 = arith.constant 0 : index
    %get3A_50 = arith.constant 0 : index
    %get3A_51 = vector.load %arg7[%get3A_48, %get3A_49, %get3A_50] : memref<1x64x1xf32, #tpu.memory_space<vmem>>, vector<1x64x1xf32>
    %get3A_52 = vector.shape_cast %get3A_51 : vector<1x64x1xf32> to vector<64x1xf32>
    %dot_general3A_53 = arith.constant dense<0.000000e+00> : vector<1920x1xf32>
    %dot_general3A_54 = tpu.matmul %select_n3A_35, %get3A_47, %dot_general3A_53 {dimension_numbers = #tpu.dot_dimension_numbers<[1], [0], [0], [1], [0, 0, 1, 1], [], []>, transpose_lhs_hint = false} : vector<1920x64xf32>, vector<64x1xf32>, vector<1920x1xf32> -> vector<1920x1xf32>
    %dot_general3A_55 = arith.constant dense<0.000000e+00> : vector<1920x1xf32>
    %dot_general3A_56 = tpu.matmul %select_n3A, %get3A_14, %dot_general3A_55 {dimension_numbers = #tpu.dot_dimension_numbers<[1], [0], [0], [1], [0, 0, 1, 1], [], []>, transpose_lhs_hint = false} : vector<1920x256xf32>, vector<256x1xf32>, vector<1920x1xf32> -> vector<1920x1xf32>
    %mul3A_57 = arith.mulf %dot_general3A_54, %dot_general3A_56 : vector<1920x1xf32>
    %dot_general3A_58 = arith.constant dense<0.000000e+00> : vector<1920x1xf32>
    %dot_general3A_59 = tpu.matmul %select_n3A_35, %get3A_52, %dot_general3A_58 {dimension_numbers = #tpu.dot_dimension_numbers<[1], [0], [0], [1], [0, 0, 1, 1], [], []>, transpose_lhs_hint = false} : vector<1920x64xf32>, vector<64x1xf32>, vector<1920x1xf32> -> vector<1920x1xf32>
    %dot_general3A_60 = arith.constant dense<0.000000e+00> : vector<1920x1xf32>
    %dot_general3A_61 = tpu.matmul %select_n3A, %get3A_19, %dot_general3A_60 {dimension_numbers = #tpu.dot_dimension_numbers<[1], [0], [0], [1], [0, 0, 1, 1], [], []>, transpose_lhs_hint = false} : vector<1920x256xf32>, vector<256x1xf32>, vector<1920x1xf32> -> vector<1920x1xf32>
    %eq3A_62 = arith.cmpf oeq, %dot_general3A_59, %dot_general3A_61 : vector<1920x1xf32>
    %jit3A_63 = arith.constant 1.000000e+00 : f32
    %jit3A_64 = arith.constant 0.000000e+00 : f32
    %broadcast_in_dim3A_65 = vector.broadcast %jit3A_63 : f32 to vector<1920x1xf32>
    %broadcast_in_dim3A_66 = vector.broadcast %jit3A_64 : f32 to vector<1920x1xf32>
    %select_n3A_67 = arith.select %eq3A_62, %broadcast_in_dim3A_65, %broadcast_in_dim3A_66 : vector<1920x1xi1>, vector<1920x1xf32>
    %sub3A_68 = arith.subf %slice3A, %add3A_42 : vector<1920x1xf32>
    %mul3A_69 = arith.mulf %sub3A_68, %select_n3A_67 : vector<1920x1xf32>
    %iota3A_70 = tpu.iota {dimensions = array<i32: 1>} : vector<1920x16xi32>
    %convert_element_type3A_71 = arith.sitofp %iota3A_70 : vector<1920x16xi32> to vector<1920x16xf32>
    %mul3A_72 = arith.constant 2.000000e+00 : f32
    %mul3A_73 = vector.broadcast %mul3A_72 : f32 to vector<1920x16xf32>
    %mul3A_74 = arith.mulf %convert_element_type3A_71, %mul3A_73 : vector<1920x16xf32>
    %mul3A_75 = arith.constant -0.287823141 : f32
    %mul3A_76 = vector.broadcast %mul3A_75 : f32 to vector<1920x16xf32>
    %mul3A_77 = arith.mulf %mul3A_74, %mul3A_76 : vector<1920x16xf32>
    %exp3A = math.exp %mul3A_77 : vector<1920x16xf32>
    %mul3A_78 = vector.broadcast %mul3A_69 : vector<1920x1xf32> to vector<1920x16xf32>
    %mul3A_79 = arith.mulf %mul3A_78, %exp3A : vector<1920x16xf32>
    %mul3A_80 = arith.constant 1.33333337 : f32
    %mul3A_81 = vector.broadcast %mul3A_80 : f32 to vector<1920x16xf32>
    %mul3A_82 = arith.mulf %convert_element_type3A_71, %mul3A_81 : vector<1920x16xf32>
    %add3A_83 = arith.constant 2.000000e+00 : f32
    %add3A_84 = vector.broadcast %add3A_83 : f32 to vector<1920x16xf32>
    %add3A_85 = arith.addf %add3A_84, %mul3A_82 : vector<1920x16xf32>
    %sub3A_86 = vector.broadcast %slice3A_9 : vector<1920x1xf32> to vector<1920x16xf32>
    %sub3A_87 = arith.subf %sub3A_86, %add3A_85 : vector<1920x16xf32>
    %div3A = arith.constant 1.250000e+00 : f32
    %div3A_88 = vector.broadcast %div3A : f32 to vector<1920x16xf32>
    %div3A_89 = arith.divf %sub3A_87, %div3A_88 : vector<1920x16xf32>
    %integer_pow3A = arith.mulf %div3A_89, %div3A_89 : vector<1920x16xf32>
    %neg3A = arith.constant 0.000000e+00 : f32
    %neg3A_90 = vector.broadcast %neg3A : f32 to vector<1920x16xf32>
    %neg3A_91 = arith.subf %neg3A_90, %integer_pow3A : vector<1920x16xf32>
    %exp3A_92 = math.exp %neg3A_91 : vector<1920x16xf32>
    %get3A_93 = arith.constant 0 : index
    %get3A_94 = arith.constant 0 : index
    %get3A_95 = vector.load %arg8[%get3A_93, %get3A_94] : memref<49x128xf32, #tpu.memory_space<vmem>>, vector<49x128xf32>
    %cos3A = math.cos %mul3A_79 : vector<1920x16xf32>
    %slice3A_96 = vector.extract_strided_slice %get3A_95 {offsets = [0, 0], sizes = [16, 128], strides = [1, 1]} : vector<49x128xf32> to vector<16x128xf32>
    %dot_general3A_97 = arith.constant dense<0.000000e+00> : vector<1920x128xf32>
    %dot_general3A_98 = tpu.matmul %cos3A, %slice3A_96, %dot_general3A_97 {dimension_numbers = #tpu.dot_dimension_numbers<[1], [0], [0], [1], [0, 0, 1, 1], [], []>, transpose_lhs_hint = false} : vector<1920x16xf32>, vector<16x128xf32>, vector<1920x128xf32> -> vector<1920x128xf32>
    %sin3A = math.sin %mul3A_79 : vector<1920x16xf32>
    %slice3A_99 = vector.extract_strided_slice %get3A_95 {offsets = [16, 0], sizes = [16, 128], strides = [1, 1]} : vector<49x128xf32> to vector<16x128xf32>
    %dot_general3A_100 = arith.constant dense<0.000000e+00> : vector<1920x128xf32>
    %dot_general3A_101 = tpu.matmul %sin3A, %slice3A_99, %dot_general3A_100 {dimension_numbers = #tpu.dot_dimension_numbers<[1], [0], [0], [1], [0, 0, 1, 1], [], []>, transpose_lhs_hint = false} : vector<1920x16xf32>, vector<16x128xf32>, vector<1920x128xf32> -> vector<1920x128xf32>
    %add3A_102 = arith.addf %dot_general3A_98, %dot_general3A_101 : vector<1920x128xf32>
    %slice3A_103 = vector.extract_strided_slice %get3A_95 {offsets = [32, 0], sizes = [16, 128], strides = [1, 1]} : vector<49x128xf32> to vector<16x128xf32>
    %dot_general3A_104 = arith.constant dense<0.000000e+00> : vector<1920x128xf32>
    %dot_general3A_105 = tpu.matmul %exp3A_92, %slice3A_103, %dot_general3A_104 {dimension_numbers = #tpu.dot_dimension_numbers<[1], [0], [0], [1], [0, 0, 1, 1], [], []>, transpose_lhs_hint = false} : vector<1920x16xf32>, vector<16x128xf32>, vector<1920x128xf32> -> vector<1920x128xf32>
    %add3A_106 = arith.addf %add3A_102, %dot_general3A_105 : vector<1920x128xf32>
    %slice3A_107 = vector.extract_strided_slice %get3A_95 {offsets = [48, 0], sizes = [1, 128], strides = [1, 1]} : vector<49x128xf32> to vector<1x128xf32>
    %mul3A_108 = vector.broadcast %select_n3A_67 : vector<1920x1xf32> to vector<1920x128xf32>
    %mul3A_109 = vector.broadcast %slice3A_107 : vector<1x128xf32> to vector<1920x128xf32>
    %mul3A_110 = arith.mulf %mul3A_108, %mul3A_109 : vector<1920x128xf32>
    %add3A_111 = arith.addf %add3A_106, %mul3A_110 : vector<1920x128xf32>
    %get3A_112 = arith.constant 0 : index
    %get3A_113 = arith.constant 0 : index
    %get3A_114 = vector.load %arg9[%get3A_112, %get3A_113] : memref<1x128xf32, #tpu.memory_space<vmem>>, vector<1x128xf32>
    %add3A_115 = vector.broadcast %get3A_114 : vector<1x128xf32> to vector<1920x128xf32>
    %add3A_116 = arith.addf %add3A_111, %add3A_115 : vector<1920x128xf32>
    %get3A_117 = arith.constant 0 : index
    %get3A_118 = arith.constant 0 : index
    %get3A_119 = vector.load %arg10[%get3A_117, %get3A_118] : memref<1x128xf32, #tpu.memory_space<vmem>>, vector<1x128xf32>
    %get3A_120 = arith.constant 0 : index
    %get3A_121 = arith.constant 0 : index
    %get3A_122 = vector.load %arg11[%get3A_120, %get3A_121] : memref<1x128xf32, #tpu.memory_space<vmem>>, vector<1x128xf32>
    %reduce_sum3A = arith.constant dense<0.000000e+00> : vector<1920xf32>
    %reduce_sum3A_123 = vector.multi_reduction <add>, %add3A_116, %reduce_sum3A [1] : vector<1920x128xf32> to vector<1920xf32>
    %broadcast_in_dim3A_124 = vector.shape_cast %reduce_sum3A_123 : vector<1920xf32> to vector<1920x1xf32>
    %div3A_125 = arith.constant 1.280000e+02 : f32
    %div3A_126 = vector.broadcast %div3A_125 : f32 to vector<1920x1xf32>
    %div3A_127 = arith.divf %broadcast_in_dim3A_124, %div3A_126 : vector<1920x1xf32>
    %sub3A_128 = vector.broadcast %div3A_127 : vector<1920x1xf32> to vector<1920x128xf32>
    %sub3A_129 = arith.subf %add3A_116, %sub3A_128 : vector<1920x128xf32>
    %integer_pow3A_130 = arith.mulf %sub3A_129, %sub3A_129 : vector<1920x128xf32>
    %reduce_sum3A_131 = arith.constant dense<0.000000e+00> : vector<1920xf32>
    %reduce_sum3A_132 = vector.multi_reduction <add>, %integer_pow3A_130, %reduce_sum3A_131 [1] : vector<1920x128xf32> to vector<1920xf32>
    %broadcast_in_dim3A_133 = vector.shape_cast %reduce_sum3A_132 : vector<1920xf32> to vector<1920x1xf32>
    %div3A_134 = arith.constant 1.280000e+02 : f32
    %div3A_135 = vector.broadcast %div3A_134 : f32 to vector<1920x1xf32>
    %div3A_136 = arith.divf %broadcast_in_dim3A_133, %div3A_135 : vector<1920x1xf32>
    %sub3A_137 = vector.broadcast %div3A_127 : vector<1920x1xf32> to vector<1920x128xf32>
    %sub3A_138 = arith.subf %add3A_116, %sub3A_137 : vector<1920x128xf32>
    %add3A_139 = arith.constant 9.99999974E-6 : f32
    %add3A_140 = vector.broadcast %add3A_139 : f32 to vector<1920x1xf32>
    %add3A_141 = arith.addf %div3A_136, %add3A_140 : vector<1920x1xf32>
    %sqrt3A = math.sqrt %add3A_141 : vector<1920x1xf32>
    %div3A_142 = vector.broadcast %sqrt3A : vector<1920x1xf32> to vector<1920x128xf32>
    %div3A_143 = arith.divf %sub3A_138, %div3A_142 : vector<1920x128xf32>
    %mul3A_144 = vector.broadcast %get3A_119 : vector<1x128xf32> to vector<1920x128xf32>
    %mul3A_145 = arith.mulf %div3A_143, %mul3A_144 : vector<1920x128xf32>
    %add3A_146 = vector.broadcast %get3A_122 : vector<1x128xf32> to vector<1920x128xf32>
    %add3A_147 = arith.addf %mul3A_145, %add3A_146 : vector<1920x128xf32>
    %get3A_148 = arith.constant 0 : index
    %get3A_149 = arith.constant 0 : index
    %get3A_150 = vector.load %arg12[%get3A_148, %get3A_149] : memref<256x128xf32, #tpu.memory_space<vmem>>, vector<256x128xf32>
    %slice3A_151 = vector.extract_strided_slice %get3A_150 {offsets = [0, 0], sizes = [128, 128], strides = [1, 1]} : vector<256x128xf32> to vector<128x128xf32>
    %dot_general3A_152 = arith.constant dense<0.000000e+00> : vector<1920x128xf32>
    %dot_general3A_153 = tpu.matmul %add3A_147, %slice3A_151, %dot_general3A_152 {dimension_numbers = #tpu.dot_dimension_numbers<[1], [0], [0], [1], [0, 0, 1, 1], [], []>, transpose_lhs_hint = false} : vector<1920x128xf32>, vector<128x128xf32>, vector<1920x128xf32> -> vector<1920x128xf32>
    %get3A_154 = arith.constant 0 : index
    %get3A_155 = arith.constant 0 : index
    %get3A_156 = arith.constant 0 : index
    %get3A_157 = vector.load %arg3[%get3A_154, %get3A_155, %get3A_156] : memref<1x1920x128xf32, #tpu.memory_space<vmem>>, vector<1x1920x128xf32>
    %get3A_158 = vector.shape_cast %get3A_157 : vector<1x1920x128xf32> to vector<1920x128xf32>
    %slice3A_159 = vector.extract_strided_slice %get3A_150 {offsets = [128, 0], sizes = [128, 128], strides = [1, 1]} : vector<256x128xf32> to vector<128x128xf32>
    %dot_general3A_160 = arith.constant dense<0.000000e+00> : vector<1920x128xf32>
    %dot_general3A_161 = tpu.matmul %get3A_158, %slice3A_159, %dot_general3A_160 {dimension_numbers = #tpu.dot_dimension_numbers<[1], [0], [0], [1], [0, 0, 1, 1], [], []>, transpose_lhs_hint = false} : vector<1920x128xf32>, vector<128x128xf32>, vector<1920x128xf32> -> vector<1920x128xf32>
    %add3A_162 = arith.addf %dot_general3A_153, %dot_general3A_161 : vector<1920x128xf32>
    %get3A_163 = arith.constant 0 : index
    %get3A_164 = arith.constant 0 : index
    %get3A_165 = vector.load %arg13[%get3A_163, %get3A_164] : memref<1x128xf32, #tpu.memory_space<vmem>>, vector<1x128xf32>
    %add3A_166 = vector.broadcast %get3A_165 : vector<1x128xf32> to vector<1920x128xf32>
    %add3A_167 = arith.addf %add3A_162, %add3A_166 : vector<1920x128xf32>
    %swap3A = arith.constant 0 : index
    %swap3A_168 = arith.constant 0 : index
    %swap3A_169 = arith.constant 0 : index
    %swap3A_170 = vector.load %arg14[%swap3A, %swap3A_168, %swap3A_169] : memref<1x1920x128xf32, #tpu.memory_space<vmem>>, vector<1x1920x128xf32>
    %swap3A_171 = vector.shape_cast %swap3A_170 : vector<1x1920x128xf32> to vector<1920x128xf32>
    %swap3A_172 = vector.shape_cast %add3A_167 : vector<1920x128xf32> to vector<1x1920x128xf32>
    tpu.vector_store %arg14[%swap3A, %swap3A_168, %swap3A_169], %swap3A_172 {strides = array<i32>} : memref<1x1920x128xf32, #tpu.memory_space<vmem>>, vector<1x1920x128xf32>,
    %broadcast_in_dim3A_173 = arith.constant 0.000000e+00 : f32
    %broadcast_in_dim3A_174 = vector.broadcast %broadcast_in_dim3A_173 : f32 to vector<1920x5xf32>
    %concatenate3A = tpu.concatenate %slice3A, %mul3A_57, %add3A_42, %broadcast_in_dim3A_174 in 1 : vector<1920x1xf32>, vector<1920x1xf32>, vector<1920x1xf32>, vector<1920x5xf32> -> vector<1920x8xf32>
    %swap3A_175 = arith.constant 0 : index
    %swap3A_176 = arith.constant 0 : index
    %swap3A_177 = arith.constant 0 : index
    %swap3A_178 = vector.load %arg15[%swap3A_175, %swap3A_176, %swap3A_177] : memref<1x1920x8xf32, #tpu.memory_space<vmem>>, vector<1x1920x8xf32>
    %swap3A_179 = vector.shape_cast %swap3A_178 : vector<1x1920x8xf32> to vector<1920x8xf32>
    %swap3A_180 = vector.shape_cast %concatenate3A : vector<1920x8xf32> to vector<1x1920x8xf32>
    tpu.vector_store %arg15[%swap3A_175, %swap3A_176, %swap3A_177], %swap3A_180 {strides = array<i32>} : memref<1x1920x8xf32, #tpu.memory_space<vmem>>, vector<1x1920x8xf32>,
    return
  }
  func.func @transform_0(%arg0: i32, %arg1: i32) -> (i32, i32, i32) {
    %c0_i32 = arith.constant 0 : i32
    %c0_i32_0 = arith.constant 0 : i32
    return %arg0, %arg1, %c0_i32 : i32, i32, i32
  }
  func.func @transform_1(%arg0: i32, %arg1: i32) -> (i32, i32, i32) {
    %c0_i32 = arith.constant 0 : i32
    %c0_i32_0 = arith.constant 0 : i32
    return %arg0, %arg1, %c0_i32 : i32, i32, i32
  }
  func.func @transform_2(%arg0: i32, %arg1: i32) -> (i32, i32, i32) {
    %c0_i32 = arith.constant 0 : i32
    %c0_i32_0 = arith.constant 0 : i32
    %c0_i32_1 = arith.constant 0 : i32
    return %arg0, %c0_i32, %c0_i32_0 : i32, i32, i32
  }
  func.func @transform_3(%arg0: i32, %arg1: i32) -> (i32, i32, i32) {
    %c0_i32 = arith.constant 0 : i32
    %c0_i32_0 = arith.constant 0 : i32
    %c0_i32_1 = arith.constant 0 : i32
    return %arg0, %c0_i32, %c0_i32_0 : i32, i32, i32
  }
  func.func @transform_4(%arg0: i32, %arg1: i32) -> (i32, i32, i32) {
    %c0_i32 = arith.constant 0 : i32
    %c0_i32_0 = arith.constant 0 : i32
    return %arg0, %arg1, %c0_i32 : i32, i32, i32
  }
  func.func @transform_5(%arg0: i32, %arg1: i32) -> (i32, i32, i32) {
    %c0_i32 = arith.constant 0 : i32
    %c0_i32_0 = arith.constant 0 : i32
    return %arg0, %arg1, %c0_i32 : i32, i32, i32
  }
  func.func @transform_6(%arg0: i32, %arg1: i32) -> (i32, i32) {
    %c0_i32 = arith.constant 0 : i32
    %c0_i32_0 = arith.constant 0 : i32
    %c0_i32_1 = arith.constant 0 : i32
    return %c0_i32, %c0_i32_0 : i32, i32
  }
  func.func @transform_7(%arg0: i32, %arg1: i32) -> (i32, i32) {
    %c0_i32 = arith.constant 0 : i32
    %c0_i32_0 = arith.constant 0 : i32
    %c0_i32_1 = arith.constant 0 : i32
    return %c0_i32, %c0_i32_0 : i32, i32
  }
  func.func @transform_8(%arg0: i32, %arg1: i32) -> (i32, i32) {
    %c0_i32 = arith.constant 0 : i32
    %c0_i32_0 = arith.constant 0 : i32
    %c0_i32_1 = arith.constant 0 : i32
    return %c0_i32, %c0_i32_0 : i32, i32
  }
  func.func @transform_9(%arg0: i32, %arg1: i32) -> (i32, i32) {
    %c0_i32 = arith.constant 0 : i32
    %c0_i32_0 = arith.constant 0 : i32
    %c0_i32_1 = arith.constant 0 : i32
    return %c0_i32, %c0_i32_0 : i32, i32
  }
  func.func @transform_10(%arg0: i32, %arg1: i32) -> (i32, i32) {
    %c0_i32 = arith.constant 0 : i32
    %c0_i32_0 = arith.constant 0 : i32
    %c0_i32_1 = arith.constant 0 : i32
    return %c0_i32, %c0_i32_0 : i32, i32
  }
  func.func @transform_11(%arg0: i32, %arg1: i32) -> (i32, i32) {
    %c0_i32 = arith.constant 0 : i32
    %c0_i32_0 = arith.constant 0 : i32
    %c0_i32_1 = arith.constant 0 : i32
    return %c0_i32, %c0_i32_0 : i32, i32
  }
  func.func @transform_12(%arg0: i32, %arg1: i32) -> (i32, i32, i32) {
    %c0_i32 = arith.constant 0 : i32
    %c0_i32_0 = arith.constant 0 : i32
    return %arg0, %arg1, %c0_i32 : i32, i32, i32
  }
  func.func @transform_13(%arg0: i32, %arg1: i32) -> (i32, i32, i32) {
    %c0_i32 = arith.constant 0 : i32
    %c0_i32_0 = arith.constant 0 : i32
    return %arg0, %arg1, %c0_i32 : i32, i32, i32
  }
}

module attributes {stable_mosaic.version = 14 : i64} {
  func.func @_layer_kernel(%arg0: i32, %arg1: i32, %arg2: memref<1x1920x128xf32, #tpu.memory_space<vmem>>, %arg3: memref<1x256x128xf32, #tpu.memory_space<vmem>>, %arg4: memref<1x64x128xf32, #tpu.memory_space<vmem>>, %arg5: memref<1x1920x8xf32, #tpu.memory_space<vmem>>, %arg6: memref<1x64x1xf32, #tpu.memory_space<vmem>>, %arg7: memref<384x128xf32, #tpu.memory_space<vmem>>, %arg8: memref<1x128xf32, #tpu.memory_space<vmem>>, %arg9: memref<128x128xf32, #tpu.memory_space<vmem>>, %arg10: memref<1x128xf32, #tpu.memory_space<vmem>>, %arg11: memref<128x128xf32, #tpu.memory_space<vmem>>, %arg12: memref<1x128xf32, #tpu.memory_space<vmem>>, %arg13: memref<1x128xf32, #tpu.memory_space<vmem>>, %arg14: memref<1x128xf32, #tpu.memory_space<vmem>>, %arg15: memref<128x512xf32, #tpu.memory_space<vmem>>, %arg16: memref<1x512xf32, #tpu.memory_space<vmem>>, %arg17: memref<512x128xf32, #tpu.memory_space<vmem>>, %arg18: memref<1x128xf32, #tpu.memory_space<vmem>>, %arg19: memref<1x128xf32, #tpu.memory_space<vmem>>, %arg20: memref<1x128xf32, #tpu.memory_space<vmem>>, %arg21: memref<384x128xf32, #tpu.memory_space<vmem>>, %arg22: memref<1x128xf32, #tpu.memory_space<vmem>>, %arg23: memref<128x128xf32, #tpu.memory_space<vmem>>, %arg24: memref<1x128xf32, #tpu.memory_space<vmem>>, %arg25: memref<128x128xf32, #tpu.memory_space<vmem>>, %arg26: memref<1x128xf32, #tpu.memory_space<vmem>>, %arg27: memref<1x128xf32, #tpu.memory_space<vmem>>, %arg28: memref<1x128xf32, #tpu.memory_space<vmem>>, %arg29: memref<128x512xf32, #tpu.memory_space<vmem>>, %arg30: memref<1x512xf32, #tpu.memory_space<vmem>>, %arg31: memref<512x128xf32, #tpu.memory_space<vmem>>, %arg32: memref<1x128xf32, #tpu.memory_space<vmem>>, %arg33: memref<1x128xf32, #tpu.memory_space<vmem>>, %arg34: memref<1x128xf32, #tpu.memory_space<vmem>>, %arg35: memref<1x1920x128xf32, #tpu.memory_space<vmem>>, %arg36: memref<1x64x128xf32, #tpu.memory_space<vmem>>) attributes {dimension_semantics = [#tpu.dimension_semantics<arbitrary>, #tpu.dimension_semantics<arbitrary>], iteration_bounds = array<i64: 8, 4>, scalar_prefetch = 0 : i64, scratch_operands = 0 : i64, tpu.core_type = #tpu.core_type<tc>, window_params = [{transform_indices = @transform_0, window_bounds = array<i64: 1, 1920, 128>}, {transform_indices = @transform_1, window_bounds = array<i64: 1, 256, 128>}, {transform_indices = @transform_2, window_bounds = array<i64: 1, 64, 128>}, {transform_indices = @transform_3, window_bounds = array<i64: 1, 1920, 8>}, {transform_indices = @transform_4, window_bounds = array<i64: 1, 64, 1>}, {pipeline_mode = #tpu.pipeline_mode<synchronous>, transform_indices = @transform_5, window_bounds = array<i64: 384, 128>}, {pipeline_mode = #tpu.pipeline_mode<synchronous>, transform_indices = @transform_6, window_bounds = array<i64: 1, 128>}, {pipeline_mode = #tpu.pipeline_mode<synchronous>, transform_indices = @transform_7, window_bounds = array<i64: 128, 128>}, {pipeline_mode = #tpu.pipeline_mode<synchronous>, transform_indices = @transform_8, window_bounds = array<i64: 1, 128>}, {pipeline_mode = #tpu.pipeline_mode<synchronous>, transform_indices = @transform_9, window_bounds = array<i64: 128, 128>}, {pipeline_mode = #tpu.pipeline_mode<synchronous>, transform_indices = @transform_10, window_bounds = array<i64: 1, 128>}, {pipeline_mode = #tpu.pipeline_mode<synchronous>, transform_indices = @transform_11, window_bounds = array<i64: 1, 128>}, {pipeline_mode = #tpu.pipeline_mode<synchronous>, transform_indices = @transform_12, window_bounds = array<i64: 1, 128>}, {pipeline_mode = #tpu.pipeline_mode<synchronous>, transform_indices = @transform_13, window_bounds = array<i64: 128, 512>}, {pipeline_mode = #tpu.pipeline_mode<synchronous>, transform_indices = @transform_14, window_bounds = array<i64: 1, 512>}, {pipeline_mode = #tpu.pipeline_mode<synchronous>, transform_indices = @transform_15, window_bounds = array<i64: 512, 128>}, {pipeline_mode = #tpu.pipeline_mode<synchronous>, transform_indices = @transform_16, window_bounds = array<i64: 1, 128>}, {pipeline_mode = #tpu.pipeline_mode<synchronous>, transform_indices = @transform_17, window_bounds = array<i64: 1, 128>}, {pipeline_mode = #tpu.pipeline_mode<synchronous>, transform_indices = @transform_18, window_bounds = array<i64: 1, 128>}, {pipeline_mode = #tpu.pipeline_mode<synchronous>, transform_indices = @transform_19, window_bounds = array<i64: 384, 128>}, {pipeline_mode = #tpu.pipeline_mode<synchronous>, transform_indices = @transform_20, window_bounds = array<i64: 1, 128>}, {pipeline_mode = #tpu.pipeline_mode<synchronous>, transform_indices = @transform_21, window_bounds = array<i64: 128, 128>}, {pipeline_mode = #tpu.pipeline_mode<synchronous>, transform_indices = @transform_22, window_bounds = array<i64: 1, 128>}, {pipeline_mode = #tpu.pipeline_mode<synchronous>, transform_indices = @transform_23, window_bounds = array<i64: 128, 128>}, {pipeline_mode = #tpu.pipeline_mode<synchronous>, transform_indices = @transform_24, window_bounds = array<i64: 1, 128>}, {pipeline_mode = #tpu.pipeline_mode<synchronous>, transform_indices = @transform_25, window_bounds = array<i64: 1, 128>}, {pipeline_mode = #tpu.pipeline_mode<synchronous>, transform_indices = @transform_26, window_bounds = array<i64: 1, 128>}, {pipeline_mode = #tpu.pipeline_mode<synchronous>, transform_indices = @transform_27, window_bounds = array<i64: 128, 512>}, {pipeline_mode = #tpu.pipeline_mode<synchronous>, transform_indices = @transform_28, window_bounds = array<i64: 1, 512>}, {pipeline_mode = #tpu.pipeline_mode<synchronous>, transform_indices = @transform_29, window_bounds = array<i64: 512, 128>}, {pipeline_mode = #tpu.pipeline_mode<synchronous>, transform_indices = @transform_30, window_bounds = array<i64: 1, 128>}, {pipeline_mode = #tpu.pipeline_mode<synchronous>, transform_indices = @transform_31, window_bounds = array<i64: 1, 128>}, {pipeline_mode = #tpu.pipeline_mode<synchronous>, transform_indices = @transform_32, window_bounds = array<i64: 1, 128>}, {transform_indices = @transform_33, window_bounds = array<i64: 1, 1920, 128>}, {transform_indices = @transform_34, window_bounds = array<i64: 1, 64, 128>}]} {
    %get3A = arith.constant 0 : index
    %get3A_0 = arith.constant 0 : index
    %get3A_1 = arith.constant 0 : index
    %get3A_2 = vector.load %arg2[%get3A, %get3A_0, %get3A_1] : memref<1x1920x128xf32, #tpu.memory_space<vmem>>, vector<1x1920x128xf32>
    %get3A_3 = vector.shape_cast %get3A_2 : vector<1x1920x128xf32> to vector<1920x128xf32>
    %get3A_4 = arith.constant 0 : index
    %get3A_5 = arith.constant 0 : index
    %get3A_6 = arith.constant 0 : index
    %get3A_7 = vector.load %arg3[%get3A_4, %get3A_5, %get3A_6] : memref<1x256x128xf32, #tpu.memory_space<vmem>>, vector<1x256x128xf32>
    %get3A_8 = vector.shape_cast %get3A_7 : vector<1x256x128xf32> to vector<256x128xf32>
    %get3A_9 = arith.constant 0 : index
    %get3A_10 = arith.constant 0 : index
    %get3A_11 = arith.constant 0 : index
    %get3A_12 = vector.load %arg4[%get3A_9, %get3A_10, %get3A_11] : memref<1x64x128xf32, #tpu.memory_space<vmem>>, vector<1x64x128xf32>
    %get3A_13 = vector.shape_cast %get3A_12 : vector<1x64x128xf32> to vector<64x128xf32>
    %get3A_14 = arith.constant 0 : index
    %get3A_15 = arith.constant 0 : index
    %get3A_16 = arith.constant 0 : index
    %get3A_17 = vector.load %arg5[%get3A_14, %get3A_15, %get3A_16] : memref<1x1920x8xf32, #tpu.memory_space<vmem>>, vector<1x1920x8xf32>
    %get3A_18 = vector.shape_cast %get3A_17 : vector<1x1920x8xf32> to vector<1920x8xf32>
    %get3A_19 = arith.constant 0 : index
    %get3A_20 = arith.constant 0 : index
    %get3A_21 = vector.load %arg7[%get3A_19, %get3A_20] : memref<384x128xf32, #tpu.memory_space<vmem>>, vector<384x128xf32>
    %get3A_22 = arith.constant 0 : index
    %get3A_23 = arith.constant 0 : index
    %get3A_24 = vector.load %arg8[%get3A_22, %get3A_23] : memref<1x128xf32, #tpu.memory_space<vmem>>, vector<1x128xf32>
    %get3A_25 = arith.constant 0 : index
    %get3A_26 = arith.constant 0 : index
    %get3A_27 = vector.load %arg9[%get3A_25, %get3A_26] : memref<128x128xf32, #tpu.memory_space<vmem>>, vector<128x128xf32>
    %get3A_28 = arith.constant 0 : index
    %get3A_29 = arith.constant 0 : index
    %get3A_30 = vector.load %arg10[%get3A_28, %get3A_29] : memref<1x128xf32, #tpu.memory_space<vmem>>, vector<1x128xf32>
    %get3A_31 = arith.constant 0 : index
    %get3A_32 = arith.constant 0 : index
    %get3A_33 = vector.load %arg11[%get3A_31, %get3A_32] : memref<128x128xf32, #tpu.memory_space<vmem>>, vector<128x128xf32>
    %get3A_34 = arith.constant 0 : index
    %get3A_35 = arith.constant 0 : index
    %get3A_36 = vector.load %arg12[%get3A_34, %get3A_35] : memref<1x128xf32, #tpu.memory_space<vmem>>, vector<1x128xf32>
    %slice3A = vector.extract_strided_slice %get3A_18 {offsets = [0, 0], sizes = [1920, 1], strides = [1, 1]} : vector<1920x8xf32> to vector<1920x1xf32>
    %slice3A_37 = vector.extract_strided_slice %get3A_18 {offsets = [0, 1], sizes = [1920, 1], strides = [1, 1]} : vector<1920x8xf32> to vector<1920x1xf32>
    %iota3A = tpu.iota {dimensions = array<i32: 1>} : vector<1920x256xi32>
    %convert_element_type3A = arith.sitofp %iota3A : vector<1920x256xi32> to vector<1920x256xf32>
    %eq3A = vector.broadcast %slice3A : vector<1920x1xf32> to vector<1920x256xf32>
    %eq3A_38 = arith.cmpf oeq, %convert_element_type3A, %eq3A : vector<1920x256xf32>
    %jit3A = arith.constant 1.000000e+00 : f32
    %jit3A_39 = arith.constant 0.000000e+00 : f32
    %broadcast_in_dim3A = vector.broadcast %jit3A : f32 to vector<1920x256xf32>
    %broadcast_in_dim3A_40 = vector.broadcast %jit3A_39 : f32 to vector<1920x256xf32>
    %select_n3A = arith.select %eq3A_38, %broadcast_in_dim3A, %broadcast_in_dim3A_40 : vector<1920x256xi1>, vector<1920x256xf32>
    %iota3A_41 = tpu.iota {dimensions = array<i32: 0>} : vector<1920x64xi32>
    %iota3A_42 = tpu.iota {dimensions = array<i32: 1>} : vector<1920x64xi32>
    %mul3A = arith.constant 30 : i32
    %mul3A_43 = vector.broadcast %mul3A : i32 to vector<1920x64xi32>
    %mul3A_44 = arith.muli %mul3A_43, %iota3A_42 : vector<1920x64xi32>
    %sub3A = arith.subi %iota3A_41, %mul3A_44 : vector<1920x64xi32>
    %ge3A = arith.constant 0 : i32
    %ge3A_45 = vector.broadcast %ge3A : i32 to vector<1920x64xi32>
    %ge3A_46 = arith.cmpi sge, %sub3A, %ge3A_45 : vector<1920x64xi32>
    %lt3A = arith.constant 30 : i32
    %lt3A_47 = vector.broadcast %lt3A : i32 to vector<1920x64xi32>
    %lt3A_48 = arith.cmpi slt, %sub3A, %lt3A_47 : vector<1920x64xi32>
    %and3A = arith.andi %ge3A_46, %lt3A_48 : vector<1920x64xi1>
    %jit3A_49 = arith.constant 1.000000e+00 : f32
    %jit3A_50 = arith.constant 0.000000e+00 : f32
    %broadcast_in_dim3A_51 = vector.broadcast %jit3A_49 : f32 to vector<1920x64xf32>
    %broadcast_in_dim3A_52 = vector.broadcast %jit3A_50 : f32 to vector<1920x64xf32>
    %select_n3A_53 = arith.select %and3A, %broadcast_in_dim3A_51, %broadcast_in_dim3A_52 : vector<1920x64xi1>, vector<1920x64xf32>
    %slice3A_54 = vector.extract_strided_slice %get3A_21 {offsets = [0, 0], sizes = [128, 128], strides = [1, 1]} : vector<384x128xf32> to vector<128x128xf32>
    %dot_general3A = arith.constant dense<0.000000e+00> : vector<64x128xf32>
    %dot_general3A_55 = tpu.matmul %get3A_13, %slice3A_54, %dot_general3A {dimension_numbers = #tpu.dot_dimension_numbers<[1], [0], [0], [1], [0, 0, 1, 1], [], []>, transpose_lhs_hint = false} : vector<64x128xf32>, vector<128x128xf32>, vector<64x128xf32> -> vector<64x128xf32>
    %slice3A_56 = vector.extract_strided_slice %get3A_21 {offsets = [256, 0], sizes = [128, 128], strides = [1, 1]} : vector<384x128xf32> to vector<128x128xf32>
    %dot_general3A_57 = arith.constant dense<0.000000e+00> : vector<256x128xf32>
    %dot_general3A_58 = tpu.matmul %get3A_8, %slice3A_56, %dot_general3A_57 {dimension_numbers = #tpu.dot_dimension_numbers<[1], [0], [0], [1], [0, 0, 1, 1], [], []>, transpose_lhs_hint = false} : vector<256x128xf32>, vector<128x128xf32>, vector<256x128xf32> -> vector<256x128xf32>
    %slice3A_59 = vector.extract_strided_slice %get3A_21 {offsets = [128, 0], sizes = [128, 128], strides = [1, 1]} : vector<384x128xf32> to vector<128x128xf32>
    %dot_general3A_60 = arith.constant dense<0.000000e+00> : vector<1920x128xf32>
    %dot_general3A_61 = tpu.matmul %get3A_3, %slice3A_59, %dot_general3A_60 {dimension_numbers = #tpu.dot_dimension_numbers<[1], [0], [0], [1], [0, 0, 1, 1], [], []>, transpose_lhs_hint = false} : vector<1920x128xf32>, vector<128x128xf32>, vector<1920x128xf32> -> vector<1920x128xf32>
    %convert_element_type3A_62 = arith.truncf %select_n3A_53 : vector<1920x64xf32> to vector<1920x64xbf16>
    %convert_element_type3A_63 = arith.truncf %dot_general3A_55 : vector<64x128xf32> to vector<64x128xbf16>
    %convert_element_type3A_64 = arith.extf %convert_element_type3A_63 : vector<64x128xbf16> to vector<64x128xf32>
    %sub3A_65 = arith.subf %dot_general3A_55, %convert_element_type3A_64 : vector<64x128xf32>
    %convert_element_type3A_66 = arith.truncf %sub3A_65 : vector<64x128xf32> to vector<64x128xbf16>
    %dot_general3A_67 = arith.constant dense<0.000000e+00> : vector<1920x128xf32>
    %dot_general3A_68 = tpu.matmul %convert_element_type3A_62, %convert_element_type3A_63, %dot_general3A_67 {dimension_numbers = #tpu.dot_dimension_numbers<[1], [0], [0], [1], [0, 0, 1, 1], [], []>, transpose_lhs_hint = false} : vector<1920x64xbf16>, vector<64x128xbf16>, vector<1920x128xf32> -> vector<1920x128xf32>
    %dot_general3A_69 = arith.constant dense<0.000000e+00> : vector<1920x128xf32>
    %dot_general3A_70 = tpu.matmul %convert_element_type3A_62, %convert_element_type3A_66, %dot_general3A_69 {dimension_numbers = #tpu.dot_dimension_numbers<[1], [0], [0], [1], [0, 0, 1, 1], [], []>, transpose_lhs_hint = false} : vector<1920x64xbf16>, vector<64x128xbf16>, vector<1920x128xf32> -> vector<1920x128xf32>
    %add3A = arith.addf %dot_general3A_68, %dot_general3A_70 : vector<1920x128xf32>
    %add3A_71 = arith.addf %dot_general3A_61, %add3A : vector<1920x128xf32>
    %convert_element_type3A_72 = arith.truncf %select_n3A : vector<1920x256xf32> to vector<1920x256xbf16>
    %convert_element_type3A_73 = arith.truncf %dot_general3A_58 : vector<256x128xf32> to vector<256x128xbf16>
    %convert_element_type3A_74 = arith.extf %convert_element_type3A_73 : vector<256x128xbf16> to vector<256x128xf32>
    %sub3A_75 = arith.subf %dot_general3A_58, %convert_element_type3A_74 : vector<256x128xf32>
    %convert_element_type3A_76 = arith.truncf %sub3A_75 : vector<256x128xf32> to vector<256x128xbf16>
    %dot_general3A_77 = arith.constant dense<0.000000e+00> : vector<1920x128xf32>
    %dot_general3A_78 = tpu.matmul %convert_element_type3A_72, %convert_element_type3A_73, %dot_general3A_77 {dimension_numbers = #tpu.dot_dimension_numbers<[1], [0], [0], [1], [0, 0, 1, 1], [], []>, transpose_lhs_hint = false} : vector<1920x256xbf16>, vector<256x128xbf16>, vector<1920x128xf32> -> vector<1920x128xf32>
    %dot_general3A_79 = arith.constant dense<0.000000e+00> : vector<1920x128xf32>
    %dot_general3A_80 = tpu.matmul %convert_element_type3A_72, %convert_element_type3A_76, %dot_general3A_79 {dimension_numbers = #tpu.dot_dimension_numbers<[1], [0], [0], [1], [0, 0, 1, 1], [], []>, transpose_lhs_hint = false} : vector<1920x256xbf16>, vector<256x128xbf16>, vector<1920x128xf32> -> vector<1920x128xf32>
    %add3A_81 = arith.addf %dot_general3A_78, %dot_general3A_80 : vector<1920x128xf32>
    %add3A_82 = arith.addf %add3A_71, %add3A_81 : vector<1920x128xf32>
    %add3A_83 = vector.broadcast %get3A_24 : vector<1x128xf32> to vector<1920x128xf32>
    %add3A_84 = arith.addf %add3A_82, %add3A_83 : vector<1920x128xf32>
    %max3A = arith.constant 0.000000e+00 : f32
    %max3A_85 = vector.broadcast %max3A : f32 to vector<1920x128xf32>
    %max3A_86 = arith.maximumf %add3A_84, %max3A_85 : vector<1920x128xf32>
    %dot_general3A_87 = arith.constant dense<0.000000e+00> : vector<1920x128xf32>
    %dot_general3A_88 = tpu.matmul %max3A_86, %get3A_27, %dot_general3A_87 {dimension_numbers = #tpu.dot_dimension_numbers<[1], [0], [0], [1], [0, 0, 1, 1], [], []>, transpose_lhs_hint = false} : vector<1920x128xf32>, vector<128x128xf32>, vector<1920x128xf32> -> vector<1920x128xf32>
    %add3A_89 = vector.broadcast %get3A_30 : vector<1x128xf32> to vector<1920x128xf32>
    %add3A_90 = arith.addf %dot_general3A_88, %add3A_89 : vector<1920x128xf32>
    %max3A_91 = arith.constant 0.000000e+00 : f32
    %max3A_92 = vector.broadcast %max3A_91 : f32 to vector<1920x128xf32>
    %max3A_93 = arith.maximumf %add3A_90, %max3A_92 : vector<1920x128xf32>
    %dot_general3A_94 = arith.constant dense<0.000000e+00> : vector<1920x128xf32>
    %dot_general3A_95 = tpu.matmul %max3A_93, %get3A_33, %dot_general3A_94 {dimension_numbers = #tpu.dot_dimension_numbers<[1], [0], [0], [1], [0, 0, 1, 1], [], []>, transpose_lhs_hint = false} : vector<1920x128xf32>, vector<128x128xf32>, vector<1920x128xf32> -> vector<1920x128xf32>
    %add3A_96 = vector.broadcast %get3A_36 : vector<1x128xf32> to vector<1920x128xf32>
    %add3A_97 = arith.addf %dot_general3A_95, %add3A_96 : vector<1920x128xf32>
    %add3A_98 = arith.addf %get3A_3, %add3A_97 : vector<1920x128xf32>
    %get3A_99 = arith.constant 0 : index
    %get3A_100 = arith.constant 0 : index
    %get3A_101 = vector.load %arg13[%get3A_99, %get3A_100] : memref<1x128xf32, #tpu.memory_space<vmem>>, vector<1x128xf32>
    %get3A_102 = arith.constant 0 : index
    %get3A_103 = arith.constant 0 : index
    %get3A_104 = vector.load %arg14[%get3A_102, %get3A_103] : memref<1x128xf32, #tpu.memory_space<vmem>>, vector<1x128xf32>
    %reduce_sum3A = arith.constant dense<0.000000e+00> : vector<1920xf32>
    %reduce_sum3A_105 = vector.multi_reduction <add>, %add3A_98, %reduce_sum3A [1] : vector<1920x128xf32> to vector<1920xf32>
    %broadcast_in_dim3A_106 = vector.shape_cast %reduce_sum3A_105 : vector<1920xf32> to vector<1920x1xf32>
    %div3A = arith.constant 1.280000e+02 : f32
    %div3A_107 = vector.broadcast %div3A : f32 to vector<1920x1xf32>
    %div3A_108 = arith.divf %broadcast_in_dim3A_106, %div3A_107 : vector<1920x1xf32>
    %sub3A_109 = vector.broadcast %div3A_108 : vector<1920x1xf32> to vector<1920x128xf32>
    %sub3A_110 = arith.subf %add3A_98, %sub3A_109 : vector<1920x128xf32>
    %integer_pow3A = arith.mulf %sub3A_110, %sub3A_110 : vector<1920x128xf32>
    %reduce_sum3A_111 = arith.constant dense<0.000000e+00> : vector<1920xf32>
    %reduce_sum3A_112 = vector.multi_reduction <add>, %integer_pow3A, %reduce_sum3A_111 [1] : vector<1920x128xf32> to vector<1920xf32>
    %broadcast_in_dim3A_113 = vector.shape_cast %reduce_sum3A_112 : vector<1920xf32> to vector<1920x1xf32>
    %div3A_114 = arith.constant 1.280000e+02 : f32
    %div3A_115 = vector.broadcast %div3A_114 : f32 to vector<1920x1xf32>
    %div3A_116 = arith.divf %broadcast_in_dim3A_113, %div3A_115 : vector<1920x1xf32>
    %sub3A_117 = vector.broadcast %div3A_108 : vector<1920x1xf32> to vector<1920x128xf32>
    %sub3A_118 = arith.subf %add3A_98, %sub3A_117 : vector<1920x128xf32>
    %add3A_119 = arith.constant 9.99999974E-6 : f32
    %add3A_120 = vector.broadcast %add3A_119 : f32 to vector<1920x1xf32>
    %add3A_121 = arith.addf %div3A_116, %add3A_120 : vector<1920x1xf32>
    %sqrt3A = math.sqrt %add3A_121 : vector<1920x1xf32>
    %div3A_122 = vector.broadcast %sqrt3A : vector<1920x1xf32> to vector<1920x128xf32>
    %div3A_123 = arith.divf %sub3A_118, %div3A_122 : vector<1920x128xf32>
    %mul3A_124 = vector.broadcast %get3A_101 : vector<1x128xf32> to vector<1920x128xf32>
    %mul3A_125 = arith.mulf %div3A_123, %mul3A_124 : vector<1920x128xf32>
    %add3A_126 = vector.broadcast %get3A_104 : vector<1x128xf32> to vector<1920x128xf32>
    %add3A_127 = arith.addf %mul3A_125, %add3A_126 : vector<1920x128xf32>
    %get3A_128 = arith.constant 0 : index
    %get3A_129 = arith.constant 0 : index
    %get3A_130 = vector.load %arg15[%get3A_128, %get3A_129] : memref<128x512xf32, #tpu.memory_space<vmem>>, vector<128x512xf32>
    %dot_general3A_131 = arith.constant dense<0.000000e+00> : vector<1920x512xf32>
    %dot_general3A_132 = tpu.matmul %add3A_127, %get3A_130, %dot_general3A_131 {dimension_numbers = #tpu.dot_dimension_numbers<[1], [0], [0], [1], [0, 0, 1, 1], [], []>, transpose_lhs_hint = false} : vector<1920x128xf32>, vector<128x512xf32>, vector<1920x512xf32> -> vector<1920x512xf32>
    %get3A_133 = arith.constant 0 : index
    %get3A_134 = arith.constant 0 : index
    %get3A_135 = vector.load %arg16[%get3A_133, %get3A_134] : memref<1x512xf32, #tpu.memory_space<vmem>>, vector<1x512xf32>
    %add3A_136 = vector.broadcast %get3A_135 : vector<1x512xf32> to vector<1920x512xf32>
    %add3A_137 = arith.addf %dot_general3A_132, %add3A_136 : vector<1920x512xf32>
    %max3A_138 = arith.constant 0.000000e+00 : f32
    %max3A_139 = vector.broadcast %max3A_138 : f32 to vector<1920x512xf32>
    %max3A_140 = arith.maximumf %add3A_137, %max3A_139 : vector<1920x512xf32>
    %get3A_141 = arith.constant 0 : index
    %get3A_142 = arith.constant 0 : index
    %get3A_143 = vector.load %arg17[%get3A_141, %get3A_142] : memref<512x128xf32, #tpu.memory_space<vmem>>, vector<512x128xf32>
    %dot_general3A_144 = arith.constant dense<0.000000e+00> : vector<1920x128xf32>
    %dot_general3A_145 = tpu.matmul %max3A_140, %get3A_143, %dot_general3A_144 {dimension_numbers = #tpu.dot_dimension_numbers<[1], [0], [0], [1], [0, 0, 1, 1], [], []>, transpose_lhs_hint = false} : vector<1920x512xf32>, vector<512x128xf32>, vector<1920x128xf32> -> vector<1920x128xf32>
    %get3A_146 = arith.constant 0 : index
    %get3A_147 = arith.constant 0 : index
    %get3A_148 = vector.load %arg18[%get3A_146, %get3A_147] : memref<1x128xf32, #tpu.memory_space<vmem>>, vector<1x128xf32>
    %add3A_149 = vector.broadcast %get3A_148 : vector<1x128xf32> to vector<1920x128xf32>
    %add3A_150 = arith.addf %dot_general3A_145, %add3A_149 : vector<1920x128xf32>
    %add3A_151 = arith.addf %add3A_127, %add3A_150 : vector<1920x128xf32>
    %get3A_152 = arith.constant 0 : index
    %get3A_153 = arith.constant 0 : index
    %get3A_154 = vector.load %arg19[%get3A_152, %get3A_153] : memref<1x128xf32, #tpu.memory_space<vmem>>, vector<1x128xf32>
    %get3A_155 = arith.constant 0 : index
    %get3A_156 = arith.constant 0 : index
    %get3A_157 = vector.load %arg20[%get3A_155, %get3A_156] : memref<1x128xf32, #tpu.memory_space<vmem>>, vector<1x128xf32>
    %reduce_sum3A_158 = arith.constant dense<0.000000e+00> : vector<1920xf32>
    %reduce_sum3A_159 = vector.multi_reduction <add>, %add3A_151, %reduce_sum3A_158 [1] : vector<1920x128xf32> to vector<1920xf32>
    %broadcast_in_dim3A_160 = vector.shape_cast %reduce_sum3A_159 : vector<1920xf32> to vector<1920x1xf32>
    %div3A_161 = arith.constant 1.280000e+02 : f32
    %div3A_162 = vector.broadcast %div3A_161 : f32 to vector<1920x1xf32>
    %div3A_163 = arith.divf %broadcast_in_dim3A_160, %div3A_162 : vector<1920x1xf32>
    %sub3A_164 = vector.broadcast %div3A_163 : vector<1920x1xf32> to vector<1920x128xf32>
    %sub3A_165 = arith.subf %add3A_151, %sub3A_164 : vector<1920x128xf32>
    %integer_pow3A_166 = arith.mulf %sub3A_165, %sub3A_165 : vector<1920x128xf32>
    %reduce_sum3A_167 = arith.constant dense<0.000000e+00> : vector<1920xf32>
    %reduce_sum3A_168 = vector.multi_reduction <add>, %integer_pow3A_166, %reduce_sum3A_167 [1] : vector<1920x128xf32> to vector<1920xf32>
    %broadcast_in_dim3A_169 = vector.shape_cast %reduce_sum3A_168 : vector<1920xf32> to vector<1920x1xf32>
    %div3A_170 = arith.constant 1.280000e+02 : f32
    %div3A_171 = vector.broadcast %div3A_170 : f32 to vector<1920x1xf32>
    %div3A_172 = arith.divf %broadcast_in_dim3A_169, %div3A_171 : vector<1920x1xf32>
    %sub3A_173 = vector.broadcast %div3A_163 : vector<1920x1xf32> to vector<1920x128xf32>
    %sub3A_174 = arith.subf %add3A_151, %sub3A_173 : vector<1920x128xf32>
    %add3A_175 = arith.constant 9.99999974E-6 : f32
    %add3A_176 = vector.broadcast %add3A_175 : f32 to vector<1920x1xf32>
    %add3A_177 = arith.addf %div3A_172, %add3A_176 : vector<1920x1xf32>
    %sqrt3A_178 = math.sqrt %add3A_177 : vector<1920x1xf32>
    %div3A_179 = vector.broadcast %sqrt3A_178 : vector<1920x1xf32> to vector<1920x128xf32>
    %div3A_180 = arith.divf %sub3A_174, %div3A_179 : vector<1920x128xf32>
    %mul3A_181 = vector.broadcast %get3A_154 : vector<1x128xf32> to vector<1920x128xf32>
    %mul3A_182 = arith.mulf %div3A_180, %mul3A_181 : vector<1920x128xf32>
    %add3A_183 = vector.broadcast %get3A_157 : vector<1x128xf32> to vector<1920x128xf32>
    %add3A_184 = arith.addf %mul3A_182, %add3A_183 : vector<1920x128xf32>
    %mul3A_185 = vector.broadcast %slice3A_37 : vector<1920x1xf32> to vector<1920x128xf32>
    %mul3A_186 = arith.mulf %add3A_184, %mul3A_185 : vector<1920x128xf32>
    %swap3A = arith.constant 0 : index
    %swap3A_187 = arith.constant 0 : index
    %swap3A_188 = arith.constant 0 : index
    %swap3A_189 = vector.load %arg35[%swap3A, %swap3A_187, %swap3A_188] : memref<1x1920x128xf32, #tpu.memory_space<vmem>>, vector<1x1920x128xf32>
    %swap3A_190 = vector.shape_cast %swap3A_189 : vector<1x1920x128xf32> to vector<1920x128xf32>
    %swap3A_191 = vector.shape_cast %mul3A_186 : vector<1920x128xf32> to vector<1x1920x128xf32>
    tpu.vector_store %arg35[%swap3A, %swap3A_187, %swap3A_188], %swap3A_191 {strides = array<i32>} : memref<1x1920x128xf32, #tpu.memory_space<vmem>>, vector<1x1920x128xf32>,
    %get3A_192 = arith.constant 0 : index
    %get3A_193 = arith.constant 0 : index
    %get3A_194 = vector.load %arg21[%get3A_192, %get3A_193] : memref<384x128xf32, #tpu.memory_space<vmem>>, vector<384x128xf32>
    %get3A_195 = arith.constant 0 : index
    %get3A_196 = arith.constant 0 : index
    %get3A_197 = vector.load %arg22[%get3A_195, %get3A_196] : memref<1x128xf32, #tpu.memory_space<vmem>>, vector<1x128xf32>
    %get3A_198 = arith.constant 0 : index
    %get3A_199 = arith.constant 0 : index
    %get3A_200 = vector.load %arg23[%get3A_198, %get3A_199] : memref<128x128xf32, #tpu.memory_space<vmem>>, vector<128x128xf32>
    %get3A_201 = arith.constant 0 : index
    %get3A_202 = arith.constant 0 : index
    %get3A_203 = vector.load %arg24[%get3A_201, %get3A_202] : memref<1x128xf32, #tpu.memory_space<vmem>>, vector<1x128xf32>
    %get3A_204 = arith.constant 0 : index
    %get3A_205 = arith.constant 0 : index
    %get3A_206 = vector.load %arg25[%get3A_204, %get3A_205] : memref<128x128xf32, #tpu.memory_space<vmem>>, vector<128x128xf32>
    %get3A_207 = arith.constant 0 : index
    %get3A_208 = arith.constant 0 : index
    %get3A_209 = vector.load %arg26[%get3A_207, %get3A_208] : memref<1x128xf32, #tpu.memory_space<vmem>>, vector<1x128xf32>
    %slice3A_210 = vector.extract_strided_slice %get3A_18 {offsets = [0, 0], sizes = [1920, 1], strides = [1, 1]} : vector<1920x8xf32> to vector<1920x1xf32>
    %slice3A_211 = vector.extract_strided_slice %get3A_18 {offsets = [0, 1], sizes = [1920, 1], strides = [1, 1]} : vector<1920x8xf32> to vector<1920x1xf32>
    %iota3A_212 = tpu.iota {dimensions = array<i32: 1>} : vector<1920x256xi32>
    %convert_element_type3A_213 = arith.sitofp %iota3A_212 : vector<1920x256xi32> to vector<1920x256xf32>
    %eq3A_214 = vector.broadcast %slice3A_210 : vector<1920x1xf32> to vector<1920x256xf32>
    %eq3A_215 = arith.cmpf oeq, %convert_element_type3A_213, %eq3A_214 : vector<1920x256xf32>
    %jit3A_216 = arith.constant 1.000000e+00 : f32
    %jit3A_217 = arith.constant 0.000000e+00 : f32
    %broadcast_in_dim3A_218 = vector.broadcast %jit3A_216 : f32 to vector<1920x256xf32>
    %broadcast_in_dim3A_219 = vector.broadcast %jit3A_217 : f32 to vector<1920x256xf32>
    %select_n3A_220 = arith.select %eq3A_215, %broadcast_in_dim3A_218, %broadcast_in_dim3A_219 : vector<1920x256xi1>, vector<1920x256xf32>
    %iota3A_221 = tpu.iota {dimensions = array<i32: 0>} : vector<1920x64xi32>
    %iota3A_222 = tpu.iota {dimensions = array<i32: 1>} : vector<1920x64xi32>
    %mul3A_223 = arith.constant 30 : i32
    %mul3A_224 = vector.broadcast %mul3A_223 : i32 to vector<1920x64xi32>
    %mul3A_225 = arith.muli %mul3A_224, %iota3A_222 : vector<1920x64xi32>
    %sub3A_226 = arith.subi %iota3A_221, %mul3A_225 : vector<1920x64xi32>
    %ge3A_227 = arith.constant 0 : i32
    %ge3A_228 = vector.broadcast %ge3A_227 : i32 to vector<1920x64xi32>
    %ge3A_229 = arith.cmpi sge, %sub3A_226, %ge3A_228 : vector<1920x64xi32>
    %lt3A_230 = arith.constant 30 : i32
    %lt3A_231 = vector.broadcast %lt3A_230 : i32 to vector<1920x64xi32>
    %lt3A_232 = arith.cmpi slt, %sub3A_226, %lt3A_231 : vector<1920x64xi32>
    %and3A_233 = arith.andi %ge3A_229, %lt3A_232 : vector<1920x64xi1>
    %jit3A_234 = arith.constant 1.000000e+00 : f32
    %jit3A_235 = arith.constant 0.000000e+00 : f32
    %broadcast_in_dim3A_236 = vector.broadcast %jit3A_234 : f32 to vector<1920x64xf32>
    %broadcast_in_dim3A_237 = vector.broadcast %jit3A_235 : f32 to vector<1920x64xf32>
    %select_n3A_238 = arith.select %and3A_233, %broadcast_in_dim3A_236, %broadcast_in_dim3A_237 : vector<1920x64xi1>, vector<1920x64xf32>
    %slice3A_239 = vector.extract_strided_slice %get3A_194 {offsets = [0, 0], sizes = [128, 128], strides = [1, 1]} : vector<384x128xf32> to vector<128x128xf32>
    %dot_general3A_240 = arith.constant dense<0.000000e+00> : vector<64x128xf32>
    %dot_general3A_241 = tpu.matmul %get3A_13, %slice3A_239, %dot_general3A_240 {dimension_numbers = #tpu.dot_dimension_numbers<[1], [0], [0], [1], [0, 0, 1, 1], [], []>, transpose_lhs_hint = false} : vector<64x128xf32>, vector<128x128xf32>, vector<64x128xf32> -> vector<64x128xf32>
    %slice3A_242 = vector.extract_strided_slice %get3A_194 {offsets = [256, 0], sizes = [128, 128], strides = [1, 1]} : vector<384x128xf32> to vector<128x128xf32>
    %dot_general3A_243 = arith.constant dense<0.000000e+00> : vector<256x128xf32>
    %dot_general3A_244 = tpu.matmul %get3A_8, %slice3A_242, %dot_general3A_243 {dimension_numbers = #tpu.dot_dimension_numbers<[1], [0], [0], [1], [0, 0, 1, 1], [], []>, transpose_lhs_hint = false} : vector<256x128xf32>, vector<128x128xf32>, vector<256x128xf32> -> vector<256x128xf32>
    %slice3A_245 = vector.extract_strided_slice %get3A_194 {offsets = [128, 0], sizes = [128, 128], strides = [1, 1]} : vector<384x128xf32> to vector<128x128xf32>
    %dot_general3A_246 = arith.constant dense<0.000000e+00> : vector<1920x128xf32>
    %dot_general3A_247 = tpu.matmul %mul3A_186, %slice3A_245, %dot_general3A_246 {dimension_numbers = #tpu.dot_dimension_numbers<[1], [0], [0], [1], [0, 0, 1, 1], [], []>, transpose_lhs_hint = false} : vector<1920x128xf32>, vector<128x128xf32>, vector<1920x128xf32> -> vector<1920x128xf32>
    %convert_element_type3A_248 = arith.truncf %select_n3A_238 : vector<1920x64xf32> to vector<1920x64xbf16>
    %convert_element_type3A_249 = arith.truncf %dot_general3A_241 : vector<64x128xf32> to vector<64x128xbf16>
    %convert_element_type3A_250 = arith.extf %convert_element_type3A_249 : vector<64x128xbf16> to vector<64x128xf32>
    %sub3A_251 = arith.subf %dot_general3A_241, %convert_element_type3A_250 : vector<64x128xf32>
    %convert_element_type3A_252 = arith.truncf %sub3A_251 : vector<64x128xf32> to vector<64x128xbf16>
    %dot_general3A_253 = arith.constant dense<0.000000e+00> : vector<1920x128xf32>
    %dot_general3A_254 = tpu.matmul %convert_element_type3A_248, %convert_element_type3A_249, %dot_general3A_253 {dimension_numbers = #tpu.dot_dimension_numbers<[1], [0], [0], [1], [0, 0, 1, 1], [], []>, transpose_lhs_hint = false} : vector<1920x64xbf16>, vector<64x128xbf16>, vector<1920x128xf32> -> vector<1920x128xf32>
    %dot_general3A_255 = arith.constant dense<0.000000e+00> : vector<1920x128xf32>
    %dot_general3A_256 = tpu.matmul %convert_element_type3A_248, %convert_element_type3A_252, %dot_general3A_255 {dimension_numbers = #tpu.dot_dimension_numbers<[1], [0], [0], [1], [0, 0, 1, 1], [], []>, transpose_lhs_hint = false} : vector<1920x64xbf16>, vector<64x128xbf16>, vector<1920x128xf32> -> vector<1920x128xf32>
    %add3A_257 = arith.addf %dot_general3A_254, %dot_general3A_256 : vector<1920x128xf32>
    %add3A_258 = arith.addf %dot_general3A_247, %add3A_257 : vector<1920x128xf32>
    %convert_element_type3A_259 = arith.truncf %select_n3A_220 : vector<1920x256xf32> to vector<1920x256xbf16>
    %convert_element_type3A_260 = arith.truncf %dot_general3A_244 : vector<256x128xf32> to vector<256x128xbf16>
    %convert_element_type3A_261 = arith.extf %convert_element_type3A_260 : vector<256x128xbf16> to vector<256x128xf32>
    %sub3A_262 = arith.subf %dot_general3A_244, %convert_element_type3A_261 : vector<256x128xf32>
    %convert_element_type3A_263 = arith.truncf %sub3A_262 : vector<256x128xf32> to vector<256x128xbf16>
    %dot_general3A_264 = arith.constant dense<0.000000e+00> : vector<1920x128xf32>
    %dot_general3A_265 = tpu.matmul %convert_element_type3A_259, %convert_element_type3A_260, %dot_general3A_264 {dimension_numbers = #tpu.dot_dimension_numbers<[1], [0], [0], [1], [0, 0, 1, 1], [], []>, transpose_lhs_hint = false} : vector<1920x256xbf16>, vector<256x128xbf16>, vector<1920x128xf32> -> vector<1920x128xf32>
    %dot_general3A_266 = arith.constant dense<0.000000e+00> : vector<1920x128xf32>
    %dot_general3A_267 = tpu.matmul %convert_element_type3A_259, %convert_element_type3A_263, %dot_general3A_266 {dimension_numbers = #tpu.dot_dimension_numbers<[1], [0], [0], [1], [0, 0, 1, 1], [], []>, transpose_lhs_hint = false} : vector<1920x256xbf16>, vector<256x128xbf16>, vector<1920x128xf32> -> vector<1920x128xf32>
    %add3A_268 = arith.addf %dot_general3A_265, %dot_general3A_267 : vector<1920x128xf32>
    %add3A_269 = arith.addf %add3A_258, %add3A_268 : vector<1920x128xf32>
    %add3A_270 = vector.broadcast %get3A_197 : vector<1x128xf32> to vector<1920x128xf32>
    %add3A_271 = arith.addf %add3A_269, %add3A_270 : vector<1920x128xf32>
    %max3A_272 = arith.constant 0.000000e+00 : f32
    %max3A_273 = vector.broadcast %max3A_272 : f32 to vector<1920x128xf32>
    %max3A_274 = arith.maximumf %add3A_271, %max3A_273 : vector<1920x128xf32>
    %dot_general3A_275 = arith.constant dense<0.000000e+00> : vector<1920x128xf32>
    %dot_general3A_276 = tpu.matmul %max3A_274, %get3A_200, %dot_general3A_275 {dimension_numbers = #tpu.dot_dimension_numbers<[1], [0], [0], [1], [0, 0, 1, 1], [], []>, transpose_lhs_hint = false} : vector<1920x128xf32>, vector<128x128xf32>, vector<1920x128xf32> -> vector<1920x128xf32>
    %add3A_277 = vector.broadcast %get3A_203 : vector<1x128xf32> to vector<1920x128xf32>
    %add3A_278 = arith.addf %dot_general3A_276, %add3A_277 : vector<1920x128xf32>
    %max3A_279 = arith.constant 0.000000e+00 : f32
    %max3A_280 = vector.broadcast %max3A_279 : f32 to vector<1920x128xf32>
    %max3A_281 = arith.maximumf %add3A_278, %max3A_280 : vector<1920x128xf32>
    %dot_general3A_282 = arith.constant dense<0.000000e+00> : vector<1920x128xf32>
    %dot_general3A_283 = tpu.matmul %max3A_281, %get3A_206, %dot_general3A_282 {dimension_numbers = #tpu.dot_dimension_numbers<[1], [0], [0], [1], [0, 0, 1, 1], [], []>, transpose_lhs_hint = false} : vector<1920x128xf32>, vector<128x128xf32>, vector<1920x128xf32> -> vector<1920x128xf32>
    %add3A_284 = vector.broadcast %get3A_209 : vector<1x128xf32> to vector<1920x128xf32>
    %add3A_285 = arith.addf %dot_general3A_283, %add3A_284 : vector<1920x128xf32>
    %mul3A_286 = vector.broadcast %slice3A_211 : vector<1920x1xf32> to vector<1920x128xf32>
    %mul3A_287 = arith.mulf %add3A_285, %mul3A_286 : vector<1920x128xf32>
    %dot_general3A_288 = arith.constant dense<0.000000e+00> : vector<64x128xf32>
    %dot_general3A_289 = tpu.matmul %select_n3A_238, %mul3A_287, %dot_general3A_288 {dimension_numbers = #tpu.dot_dimension_numbers<[0], [0], [1], [1], [0, 1, 1, 1], [], []>, transpose_lhs_hint = false} : vector<1920x64xf32>, vector<1920x128xf32>, vector<64x128xf32> -> vector<64x128xf32>
    %div3A_290 = arith.constant 3.000000e+01 : f32
    %div3A_291 = vector.broadcast %div3A_290 : f32 to vector<64x128xf32>
    %div3A_292 = arith.divf %dot_general3A_289, %div3A_291 : vector<64x128xf32>
    %add3A_293 = arith.addf %get3A_13, %div3A_292 : vector<64x128xf32>
    %get3A_294 = arith.constant 0 : index
    %get3A_295 = arith.constant 0 : index
    %get3A_296 = vector.load %arg27[%get3A_294, %get3A_295] : memref<1x128xf32, #tpu.memory_space<vmem>>, vector<1x128xf32>
    %get3A_297 = arith.constant 0 : index
    %get3A_298 = arith.constant 0 : index
    %get3A_299 = vector.load %arg28[%get3A_297, %get3A_298] : memref<1x128xf32, #tpu.memory_space<vmem>>, vector<1x128xf32>
    %reduce_sum3A_300 = arith.constant dense<0.000000e+00> : vector<64xf32>
    %reduce_sum3A_301 = vector.multi_reduction <add>, %add3A_293, %reduce_sum3A_300 [1] : vector<64x128xf32> to vector<64xf32>
    %broadcast_in_dim3A_302 = vector.shape_cast %reduce_sum3A_301 : vector<64xf32> to vector<64x1xf32>
    %div3A_303 = arith.constant 1.280000e+02 : f32
    %div3A_304 = vector.broadcast %div3A_303 : f32 to vector<64x1xf32>
    %div3A_305 = arith.divf %broadcast_in_dim3A_302, %div3A_304 : vector<64x1xf32>
    %sub3A_306 = vector.broadcast %div3A_305 : vector<64x1xf32> to vector<64x128xf32>
    %sub3A_307 = arith.subf %add3A_293, %sub3A_306 : vector<64x128xf32>
    %integer_pow3A_308 = arith.mulf %sub3A_307, %sub3A_307 : vector<64x128xf32>
    %reduce_sum3A_309 = arith.constant dense<0.000000e+00> : vector<64xf32>
    %reduce_sum3A_310 = vector.multi_reduction <add>, %integer_pow3A_308, %reduce_sum3A_309 [1] : vector<64x128xf32> to vector<64xf32>
    %broadcast_in_dim3A_311 = vector.shape_cast %reduce_sum3A_310 : vector<64xf32> to vector<64x1xf32>
    %div3A_312 = arith.constant 1.280000e+02 : f32
    %div3A_313 = vector.broadcast %div3A_312 : f32 to vector<64x1xf32>
    %div3A_314 = arith.divf %broadcast_in_dim3A_311, %div3A_313 : vector<64x1xf32>
    %sub3A_315 = vector.broadcast %div3A_305 : vector<64x1xf32> to vector<64x128xf32>
    %sub3A_316 = arith.subf %add3A_293, %sub3A_315 : vector<64x128xf32>
    %add3A_317 = arith.constant 9.99999974E-6 : f32
    %add3A_318 = vector.broadcast %add3A_317 : f32 to vector<64x1xf32>
    %add3A_319 = arith.addf %div3A_314, %add3A_318 : vector<64x1xf32>
    %sqrt3A_320 = math.sqrt %add3A_319 : vector<64x1xf32>
    %div3A_321 = vector.broadcast %sqrt3A_320 : vector<64x1xf32> to vector<64x128xf32>
    %div3A_322 = arith.divf %sub3A_316, %div3A_321 : vector<64x128xf32>
    %mul3A_323 = vector.broadcast %get3A_296 : vector<1x128xf32> to vector<64x128xf32>
    %mul3A_324 = arith.mulf %div3A_322, %mul3A_323 : vector<64x128xf32>
    %add3A_325 = vector.broadcast %get3A_299 : vector<1x128xf32> to vector<64x128xf32>
    %add3A_326 = arith.addf %mul3A_324, %add3A_325 : vector<64x128xf32>
    %get3A_327 = arith.constant 0 : index
    %get3A_328 = arith.constant 0 : index
    %get3A_329 = vector.load %arg29[%get3A_327, %get3A_328] : memref<128x512xf32, #tpu.memory_space<vmem>>, vector<128x512xf32>
    %dot_general3A_330 = arith.constant dense<0.000000e+00> : vector<64x512xf32>
    %dot_general3A_331 = tpu.matmul %add3A_326, %get3A_329, %dot_general3A_330 {dimension_numbers = #tpu.dot_dimension_numbers<[1], [0], [0], [1], [0, 0, 1, 1], [], []>, transpose_lhs_hint = false} : vector<64x128xf32>, vector<128x512xf32>, vector<64x512xf32> -> vector<64x512xf32>
    %get3A_332 = arith.constant 0 : index
    %get3A_333 = arith.constant 0 : index
    %get3A_334 = vector.load %arg30[%get3A_332, %get3A_333] : memref<1x512xf32, #tpu.memory_space<vmem>>, vector<1x512xf32>
    %add3A_335 = vector.broadcast %get3A_334 : vector<1x512xf32> to vector<64x512xf32>
    %add3A_336 = arith.addf %dot_general3A_331, %add3A_335 : vector<64x512xf32>
    %max3A_337 = arith.constant 0.000000e+00 : f32
    %max3A_338 = vector.broadcast %max3A_337 : f32 to vector<64x512xf32>
    %max3A_339 = arith.maximumf %add3A_336, %max3A_338 : vector<64x512xf32>
    %get3A_340 = arith.constant 0 : index
    %get3A_341 = arith.constant 0 : index
    %get3A_342 = vector.load %arg31[%get3A_340, %get3A_341] : memref<512x128xf32, #tpu.memory_space<vmem>>, vector<512x128xf32>
    %dot_general3A_343 = arith.constant dense<0.000000e+00> : vector<64x128xf32>
    %dot_general3A_344 = tpu.matmul %max3A_339, %get3A_342, %dot_general3A_343 {dimension_numbers = #tpu.dot_dimension_numbers<[1], [0], [0], [1], [0, 0, 1, 1], [], []>, transpose_lhs_hint = false} : vector<64x512xf32>, vector<512x128xf32>, vector<64x128xf32> -> vector<64x128xf32>
    %get3A_345 = arith.constant 0 : index
    %get3A_346 = arith.constant 0 : index
    %get3A_347 = vector.load %arg32[%get3A_345, %get3A_346] : memref<1x128xf32, #tpu.memory_space<vmem>>, vector<1x128xf32>
    %add3A_348 = vector.broadcast %get3A_347 : vector<1x128xf32> to vector<64x128xf32>
    %add3A_349 = arith.addf %dot_general3A_344, %add3A_348 : vector<64x128xf32>
    %add3A_350 = arith.addf %add3A_326, %add3A_349 : vector<64x128xf32>
    %get3A_351 = arith.constant 0 : index
    %get3A_352 = arith.constant 0 : index
    %get3A_353 = vector.load %arg33[%get3A_351, %get3A_352] : memref<1x128xf32, #tpu.memory_space<vmem>>, vector<1x128xf32>
    %get3A_354 = arith.constant 0 : index
    %get3A_355 = arith.constant 0 : index
    %get3A_356 = vector.load %arg34[%get3A_354, %get3A_355] : memref<1x128xf32, #tpu.memory_space<vmem>>, vector<1x128xf32>
    %reduce_sum3A_357 = arith.constant dense<0.000000e+00> : vector<64xf32>
    %reduce_sum3A_358 = vector.multi_reduction <add>, %add3A_350, %reduce_sum3A_357 [1] : vector<64x128xf32> to vector<64xf32>
    %broadcast_in_dim3A_359 = vector.shape_cast %reduce_sum3A_358 : vector<64xf32> to vector<64x1xf32>
    %div3A_360 = arith.constant 1.280000e+02 : f32
    %div3A_361 = vector.broadcast %div3A_360 : f32 to vector<64x1xf32>
    %div3A_362 = arith.divf %broadcast_in_dim3A_359, %div3A_361 : vector<64x1xf32>
    %sub3A_363 = vector.broadcast %div3A_362 : vector<64x1xf32> to vector<64x128xf32>
    %sub3A_364 = arith.subf %add3A_350, %sub3A_363 : vector<64x128xf32>
    %integer_pow3A_365 = arith.mulf %sub3A_364, %sub3A_364 : vector<64x128xf32>
    %reduce_sum3A_366 = arith.constant dense<0.000000e+00> : vector<64xf32>
    %reduce_sum3A_367 = vector.multi_reduction <add>, %integer_pow3A_365, %reduce_sum3A_366 [1] : vector<64x128xf32> to vector<64xf32>
    %broadcast_in_dim3A_368 = vector.shape_cast %reduce_sum3A_367 : vector<64xf32> to vector<64x1xf32>
    %div3A_369 = arith.constant 1.280000e+02 : f32
    %div3A_370 = vector.broadcast %div3A_369 : f32 to vector<64x1xf32>
    %div3A_371 = arith.divf %broadcast_in_dim3A_368, %div3A_370 : vector<64x1xf32>
    %sub3A_372 = vector.broadcast %div3A_362 : vector<64x1xf32> to vector<64x128xf32>
    %sub3A_373 = arith.subf %add3A_350, %sub3A_372 : vector<64x128xf32>
    %add3A_374 = arith.constant 9.99999974E-6 : f32
    %add3A_375 = vector.broadcast %add3A_374 : f32 to vector<64x1xf32>
    %add3A_376 = arith.addf %div3A_371, %add3A_375 : vector<64x1xf32>
    %sqrt3A_377 = math.sqrt %add3A_376 : vector<64x1xf32>
    %div3A_378 = vector.broadcast %sqrt3A_377 : vector<64x1xf32> to vector<64x128xf32>
    %div3A_379 = arith.divf %sub3A_373, %div3A_378 : vector<64x128xf32>
    %mul3A_380 = vector.broadcast %get3A_353 : vector<1x128xf32> to vector<64x128xf32>
    %mul3A_381 = arith.mulf %div3A_379, %mul3A_380 : vector<64x128xf32>
    %add3A_382 = vector.broadcast %get3A_356 : vector<1x128xf32> to vector<64x128xf32>
    %add3A_383 = arith.addf %mul3A_381, %add3A_382 : vector<64x128xf32>
    %get3A_384 = arith.constant 0 : index
    %get3A_385 = arith.constant 0 : index
    %get3A_386 = arith.constant 0 : index
    %get3A_387 = vector.load %arg6[%get3A_384, %get3A_385, %get3A_386] : memref<1x64x1xf32, #tpu.memory_space<vmem>>, vector<1x64x1xf32>
    %get3A_388 = vector.shape_cast %get3A_387 : vector<1x64x1xf32> to vector<64x1xf32>
    %mul3A_389 = vector.broadcast %get3A_388 : vector<64x1xf32> to vector<64x128xf32>
    %mul3A_390 = arith.mulf %add3A_383, %mul3A_389 : vector<64x128xf32>
    %swap3A_391 = arith.constant 0 : index
    %swap3A_392 = arith.constant 0 : index
    %swap3A_393 = arith.constant 0 : index
    %swap3A_394 = vector.load %arg36[%swap3A_391, %swap3A_392, %swap3A_393] : memref<1x64x128xf32, #tpu.memory_space<vmem>>, vector<1x64x128xf32>
    %swap3A_395 = vector.shape_cast %swap3A_394 : vector<1x64x128xf32> to vector<64x128xf32>
    %swap3A_396 = vector.shape_cast %mul3A_390 : vector<64x128xf32> to vector<1x64x128xf32>
    tpu.vector_store %arg36[%swap3A_391, %swap3A_392, %swap3A_393], %swap3A_396 {strides = array<i32>} : memref<1x64x128xf32, #tpu.memory_space<vmem>>, vector<1x64x128xf32>,
    return
  }
  func.func @transform_0(%arg0: i32, %arg1: i32) -> (i32, i32, i32) {
    %c0_i32 = arith.constant 0 : i32
    %c0_i32_0 = arith.constant 0 : i32
    return %arg0, %arg1, %c0_i32 : i32, i32, i32
  }
  func.func @transform_1(%arg0: i32, %arg1: i32) -> (i32, i32, i32) {
    %c0_i32 = arith.constant 0 : i32
    %c0_i32_0 = arith.constant 0 : i32
    %c0_i32_1 = arith.constant 0 : i32
    return %arg0, %c0_i32, %c0_i32_0 : i32, i32, i32
  }
  func.func @transform_2(%arg0: i32, %arg1: i32) -> (i32, i32, i32) {
    %c0_i32 = arith.constant 0 : i32
    %c0_i32_0 = arith.constant 0 : i32
    return %arg0, %arg1, %c0_i32 : i32, i32, i32
  }
  func.func @transform_3(%arg0: i32, %arg1: i32) -> (i32, i32, i32) {
    %c0_i32 = arith.constant 0 : i32
    %c0_i32_0 = arith.constant 0 : i32
    return %arg0, %arg1, %c0_i32 : i32, i32, i32
  }
  func.func @transform_4(%arg0: i32, %arg1: i32) -> (i32, i32, i32) {
    %c0_i32 = arith.constant 0 : i32
    %c0_i32_0 = arith.constant 0 : i32
    return %arg0, %arg1, %c0_i32 : i32, i32, i32
  }
  func.func @transform_5(%arg0: i32, %arg1: i32) -> (i32, i32) {
    %c0_i32 = arith.constant 0 : i32
    %c0_i32_0 = arith.constant 0 : i32
    %c0_i32_1 = arith.constant 0 : i32
    return %c0_i32, %c0_i32_0 : i32, i32
  }
  func.func @transform_6(%arg0: i32, %arg1: i32) -> (i32, i32) {
    %c0_i32 = arith.constant 0 : i32
    %c0_i32_0 = arith.constant 0 : i32
    %c0_i32_1 = arith.constant 0 : i32
    return %c0_i32, %c0_i32_0 : i32, i32
  }
  func.func @transform_7(%arg0: i32, %arg1: i32) -> (i32, i32) {
    %c0_i32 = arith.constant 0 : i32
    %c0_i32_0 = arith.constant 0 : i32
    %c0_i32_1 = arith.constant 0 : i32
    return %c0_i32, %c0_i32_0 : i32, i32
  }
  func.func @transform_8(%arg0: i32, %arg1: i32) -> (i32, i32) {
    %c0_i32 = arith.constant 0 : i32
    %c0_i32_0 = arith.constant 0 : i32
    %c0_i32_1 = arith.constant 0 : i32
    return %c0_i32, %c0_i32_0 : i32, i32
  }
  func.func @transform_9(%arg0: i32, %arg1: i32) -> (i32, i32) {
    %c0_i32 = arith.constant 0 : i32
    %c0_i32_0 = arith.constant 0 : i32
    %c0_i32_1 = arith.constant 0 : i32
    return %c0_i32, %c0_i32_0 : i32, i32
  }
  func.func @transform_10(%arg0: i32, %arg1: i32) -> (i32, i32) {
    %c0_i32 = arith.constant 0 : i32
    %c0_i32_0 = arith.constant 0 : i32
    %c0_i32_1 = arith.constant 0 : i32
    return %c0_i32, %c0_i32_0 : i32, i32
  }
  func.func @transform_11(%arg0: i32, %arg1: i32) -> (i32, i32) {
    %c0_i32 = arith.constant 0 : i32
    %c0_i32_0 = arith.constant 0 : i32
    %c0_i32_1 = arith.constant 0 : i32
    return %c0_i32, %c0_i32_0 : i32, i32
  }
  func.func @transform_12(%arg0: i32, %arg1: i32) -> (i32, i32) {
    %c0_i32 = arith.constant 0 : i32
    %c0_i32_0 = arith.constant 0 : i32
    %c0_i32_1 = arith.constant 0 : i32
    return %c0_i32, %c0_i32_0 : i32, i32
  }
  func.func @transform_13(%arg0: i32, %arg1: i32) -> (i32, i32) {
    %c0_i32 = arith.constant 0 : i32
    %c0_i32_0 = arith.constant 0 : i32
    %c0_i32_1 = arith.constant 0 : i32
    return %c0_i32, %c0_i32_0 : i32, i32
  }
  func.func @transform_14(%arg0: i32, %arg1: i32) -> (i32, i32) {
    %c0_i32 = arith.constant 0 : i32
    %c0_i32_0 = arith.constant 0 : i32
    %c0_i32_1 = arith.constant 0 : i32
    return %c0_i32, %c0_i32_0 : i32, i32
  }
  func.func @transform_15(%arg0: i32, %arg1: i32) -> (i32, i32) {
    %c0_i32 = arith.constant 0 : i32
    %c0_i32_0 = arith.constant 0 : i32
    %c0_i32_1 = arith.constant 0 : i32
    return %c0_i32, %c0_i32_0 : i32, i32
  }
  func.func @transform_16(%arg0: i32, %arg1: i32) -> (i32, i32) {
    %c0_i32 = arith.constant 0 : i32
    %c0_i32_0 = arith.constant 0 : i32
    %c0_i32_1 = arith.constant 0 : i32
    return %c0_i32, %c0_i32_0 : i32, i32
  }
  func.func @transform_17(%arg0: i32, %arg1: i32) -> (i32, i32) {
    %c0_i32 = arith.constant 0 : i32
    %c0_i32_0 = arith.constant 0 : i32
    %c0_i32_1 = arith.constant 0 : i32
    return %c0_i32, %c0_i32_0 : i32, i32
  }
  func.func @transform_18(%arg0: i32, %arg1: i32) -> (i32, i32) {
    %c0_i32 = arith.constant 0 : i32
    %c0_i32_0 = arith.constant 0 : i32
    %c0_i32_1 = arith.constant 0 : i32
    return %c0_i32, %c0_i32_0 : i32, i32
  }
  func.func @transform_19(%arg0: i32, %arg1: i32) -> (i32, i32) {
    %c0_i32 = arith.constant 0 : i32
    %c0_i32_0 = arith.constant 0 : i32
    %c0_i32_1 = arith.constant 0 : i32
    return %c0_i32, %c0_i32_0 : i32, i32
  }
  func.func @transform_20(%arg0: i32, %arg1: i32) -> (i32, i32) {
    %c0_i32 = arith.constant 0 : i32
    %c0_i32_0 = arith.constant 0 : i32
    %c0_i32_1 = arith.constant 0 : i32
    return %c0_i32, %c0_i32_0 : i32, i32
  }
  func.func @transform_21(%arg0: i32, %arg1: i32) -> (i32, i32) {
    %c0_i32 = arith.constant 0 : i32
    %c0_i32_0 = arith.constant 0 : i32
    %c0_i32_1 = arith.constant 0 : i32
    return %c0_i32, %c0_i32_0 : i32, i32
  }
  func.func @transform_22(%arg0: i32, %arg1: i32) -> (i32, i32) {
    %c0_i32 = arith.constant 0 : i32
    %c0_i32_0 = arith.constant 0 : i32
    %c0_i32_1 = arith.constant 0 : i32
    return %c0_i32, %c0_i32_0 : i32, i32
  }
  func.func @transform_23(%arg0: i32, %arg1: i32) -> (i32, i32) {
    %c0_i32 = arith.constant 0 : i32
    %c0_i32_0 = arith.constant 0 : i32
    %c0_i32_1 = arith.constant 0 : i32
    return %c0_i32, %c0_i32_0 : i32, i32
  }
  func.func @transform_24(%arg0: i32, %arg1: i32) -> (i32, i32) {
    %c0_i32 = arith.constant 0 : i32
    %c0_i32_0 = arith.constant 0 : i32
    %c0_i32_1 = arith.constant 0 : i32
    return %c0_i32, %c0_i32_0 : i32, i32
  }
  func.func @transform_25(%arg0: i32, %arg1: i32) -> (i32, i32) {
    %c0_i32 = arith.constant 0 : i32
    %c0_i32_0 = arith.constant 0 : i32
    %c0_i32_1 = arith.constant 0 : i32
    return %c0_i32, %c0_i32_0 : i32, i32
  }
  func.func @transform_26(%arg0: i32, %arg1: i32) -> (i32, i32) {
    %c0_i32 = arith.constant 0 : i32
    %c0_i32_0 = arith.constant 0 : i32
    %c0_i32_1 = arith.constant 0 : i32
    return %c0_i32, %c0_i32_0 : i32, i32
  }
  func.func @transform_27(%arg0: i32, %arg1: i32) -> (i32, i32) {
    %c0_i32 = arith.constant 0 : i32
    %c0_i32_0 = arith.constant 0 : i32
    %c0_i32_1 = arith.constant 0 : i32
    return %c0_i32, %c0_i32_0 : i32, i32
  }
  func.func @transform_28(%arg0: i32, %arg1: i32) -> (i32, i32) {
    %c0_i32 = arith.constant 0 : i32
    %c0_i32_0 = arith.constant 0 : i32
    %c0_i32_1 = arith.constant 0 : i32
    return %c0_i32, %c0_i32_0 : i32, i32
  }
  func.func @transform_29(%arg0: i32, %arg1: i32) -> (i32, i32) {
    %c0_i32 = arith.constant 0 : i32
    %c0_i32_0 = arith.constant 0 : i32
    %c0_i32_1 = arith.constant 0 : i32
    return %c0_i32, %c0_i32_0 : i32, i32
  }
  func.func @transform_30(%arg0: i32, %arg1: i32) -> (i32, i32) {
    %c0_i32 = arith.constant 0 : i32
    %c0_i32_0 = arith.constant 0 : i32
    %c0_i32_1 = arith.constant 0 : i32
    return %c0_i32, %c0_i32_0 : i32, i32
  }
  func.func @transform_31(%arg0: i32, %arg1: i32) -> (i32, i32) {
    %c0_i32 = arith.constant 0 : i32
    %c0_i32_0 = arith.constant 0 : i32
    %c0_i32_1 = arith.constant 0 : i32
    return %c0_i32, %c0_i32_0 : i32, i32
  }
  func.func @transform_32(%arg0: i32, %arg1: i32) -> (i32, i32) {
    %c0_i32 = arith.constant 0 : i32
    %c0_i32_0 = arith.constant 0 : i32
    %c0_i32_1 = arith.constant 0 : i32
    return %c0_i32, %c0_i32_0 : i32, i32
  }
  func.func @transform_33(%arg0: i32, %arg1: i32) -> (i32, i32, i32) {
    %c0_i32 = arith.constant 0 : i32
    %c0_i32_0 = arith.constant 0 : i32
    return %arg0, %arg1, %c0_i32 : i32, i32, i32
  }
  func.func @transform_34(%arg0: i32, %arg1: i32) -> (i32, i32, i32) {
    %c0_i32 = arith.constant 0 : i32
    %c0_i32_0 = arith.constant 0 : i32
    return %arg0, %arg1, %c0_i32 : i32, i32, i32
  }
}

module attributes {stable_mosaic.version = 14 : i64} {
  func.func @_etab_kernel(%arg0: i32, %arg1: i32, %arg2: memref<1x1920x128xf32, #tpu.memory_space<vmem>>, %arg3: memref<128x400xf32, #tpu.memory_space<vmem>>, %arg4: memref<1x400xf32, #tpu.memory_space<vmem>>, %arg5: memref<1x1920x400xf32, #tpu.memory_space<vmem>>) attributes {dimension_semantics = [#tpu.dimension_semantics<arbitrary>, #tpu.dimension_semantics<arbitrary>], iteration_bounds = array<i64: 8, 4>, scalar_prefetch = 0 : i64, scratch_operands = 0 : i64, tpu.core_type = #tpu.core_type<tc>, window_params = [{transform_indices = @transform_0, window_bounds = array<i64: 1, 1920, 128>}, {pipeline_mode = #tpu.pipeline_mode<synchronous>, transform_indices = @transform_1, window_bounds = array<i64: 128, 400>}, {pipeline_mode = #tpu.pipeline_mode<synchronous>, transform_indices = @transform_2, window_bounds = array<i64: 1, 400>}, {transform_indices = @transform_3, window_bounds = array<i64: 1, 1920, 400>}]} {
    %get3A = arith.constant 0 : index
    %get3A_0 = arith.constant 0 : index
    %get3A_1 = arith.constant 0 : index
    %get3A_2 = vector.load %arg2[%get3A, %get3A_0, %get3A_1] : memref<1x1920x128xf32, #tpu.memory_space<vmem>>, vector<1x1920x128xf32>
    %get3A_3 = vector.shape_cast %get3A_2 : vector<1x1920x128xf32> to vector<1920x128xf32>
    %get3A_4 = arith.constant 0 : index
    %get3A_5 = arith.constant 0 : index
    %get3A_6 = vector.load %arg3[%get3A_4, %get3A_5] : memref<128x400xf32, #tpu.memory_space<vmem>>, vector<128x400xf32>
    %dot_general3A = arith.constant dense<0.000000e+00> : vector<1920x400xf32>
    %dot_general3A_7 = tpu.matmul %get3A_3, %get3A_6, %dot_general3A {dimension_numbers = #tpu.dot_dimension_numbers<[1], [0], [0], [1], [0, 0, 1, 1], [], []>, transpose_lhs_hint = false} : vector<1920x128xf32>, vector<128x400xf32>, vector<1920x400xf32> -> vector<1920x400xf32>
    %get3A_8 = arith.constant 0 : index
    %get3A_9 = arith.constant 0 : index
    %get3A_10 = vector.load %arg4[%get3A_8, %get3A_9] : memref<1x400xf32, #tpu.memory_space<vmem>>, vector<1x400xf32>
    %add3A = vector.broadcast %get3A_10 : vector<1x400xf32> to vector<1920x400xf32>
    %add3A_11 = arith.addf %dot_general3A_7, %add3A : vector<1920x400xf32>
    %swap3A = arith.constant 0 : index
    %swap3A_12 = arith.constant 0 : index
    %swap3A_13 = arith.constant 0 : index
    %swap3A_14 = vector.load %arg5[%swap3A, %swap3A_12, %swap3A_13] : memref<1x1920x400xf32, #tpu.memory_space<vmem>>, vector<1x1920x400xf32>
    %swap3A_15 = vector.shape_cast %swap3A_14 : vector<1x1920x400xf32> to vector<1920x400xf32>
    %swap3A_16 = vector.shape_cast %add3A_11 : vector<1920x400xf32> to vector<1x1920x400xf32>
    tpu.vector_store %arg5[%swap3A, %swap3A_12, %swap3A_13], %swap3A_16 {strides = array<i32>} : memref<1x1920x400xf32, #tpu.memory_space<vmem>>, vector<1x1920x400xf32>,
    return
  }
  func.func @transform_0(%arg0: i32, %arg1: i32) -> (i32, i32, i32) {
    %c0_i32 = arith.constant 0 : i32
    %c0_i32_0 = arith.constant 0 : i32
    return %arg0, %arg1, %c0_i32 : i32, i32, i32
  }
  func.func @transform_1(%arg0: i32, %arg1: i32) -> (i32, i32) {
    %c0_i32 = arith.constant 0 : i32
    %c0_i32_0 = arith.constant 0 : i32
    %c0_i32_1 = arith.constant 0 : i32
    return %c0_i32, %c0_i32_0 : i32, i32
  }
  func.func @transform_2(%arg0: i32, %arg1: i32) -> (i32, i32) {
    %c0_i32 = arith.constant 0 : i32
    %c0_i32_0 = arith.constant 0 : i32
    %c0_i32_1 = arith.constant 0 : i32
    return %c0_i32, %c0_i32_0 : i32, i32
  }
  func.func @transform_3(%arg0: i32, %arg1: i32) -> (i32, i32, i32) {
    %c0_i32 = arith.constant 0 : i32
    %c0_i32_0 = arith.constant 0 : i32
    return %arg0, %arg1, %c0_i32 : i32, i32, i32
  }
}

module attributes {stable_mosaic.version = 14 : i64} {
  func.func @_sscore_kernel(%arg0: i32, %arg1: memref<1x256x128xf32, #tpu.memory_space<vmem>>, %arg2: memref<128x1xf32, #tpu.memory_space<vmem>>, %arg3: memref<1x1xf32, #tpu.memory_space<vmem>>, %arg4: memref<1x256x1xf32, #tpu.memory_space<vmem>>) attributes {dimension_semantics = [#tpu.dimension_semantics<arbitrary>], iteration_bounds = array<i64: 8>, scalar_prefetch = 0 : i64, scratch_operands = 0 : i64, tpu.core_type = #tpu.core_type<tc>, window_params = [{transform_indices = @transform_0, window_bounds = array<i64: 1, 256, 128>}, {pipeline_mode = #tpu.pipeline_mode<synchronous>, transform_indices = @transform_1, window_bounds = array<i64: 128, 1>}, {pipeline_mode = #tpu.pipeline_mode<synchronous>, transform_indices = @transform_2, window_bounds = array<i64: 1, 1>}, {transform_indices = @transform_3, window_bounds = array<i64: 1, 256, 1>}]} {
    %get3A = arith.constant 0 : index
    %get3A_0 = arith.constant 0 : index
    %get3A_1 = arith.constant 0 : index
    %get3A_2 = vector.load %arg1[%get3A, %get3A_0, %get3A_1] : memref<1x256x128xf32, #tpu.memory_space<vmem>>, vector<1x256x128xf32>
    %get3A_3 = vector.shape_cast %get3A_2 : vector<1x256x128xf32> to vector<256x128xf32>
    %get3A_4 = arith.constant 0 : index
    %get3A_5 = arith.constant 0 : index
    %get3A_6 = vector.load %arg2[%get3A_4, %get3A_5] : memref<128x1xf32, #tpu.memory_space<vmem>>, vector<128x1xf32>
    %dot_general3A = arith.constant dense<0.000000e+00> : vector<256x1xf32>
    %dot_general3A_7 = tpu.matmul %get3A_3, %get3A_6, %dot_general3A {dimension_numbers = #tpu.dot_dimension_numbers<[1], [0], [0], [1], [0, 0, 1, 1], [], []>, transpose_lhs_hint = false} : vector<256x128xf32>, vector<128x1xf32>, vector<256x1xf32> -> vector<256x1xf32>
    %get3A_8 = arith.constant 0 : index
    %get3A_9 = arith.constant 0 : index
    %get3A_10 = vector.load %arg3[%get3A_8, %get3A_9] : memref<1x1xf32, #tpu.memory_space<vmem>>, vector<1x1xf32>
    %add3A = vector.broadcast %get3A_10 : vector<1x1xf32> to vector<256x1xf32>
    %add3A_11 = arith.addf %dot_general3A_7, %add3A : vector<256x1xf32>
    %swap3A = arith.constant 0 : index
    %swap3A_12 = arith.constant 0 : index
    %swap3A_13 = arith.constant 0 : index
    %swap3A_14 = vector.load %arg4[%swap3A, %swap3A_12, %swap3A_13] : memref<1x256x1xf32, #tpu.memory_space<vmem>>, vector<1x256x1xf32>
    %swap3A_15 = vector.shape_cast %swap3A_14 : vector<1x256x1xf32> to vector<256x1xf32>
    %swap3A_16 = vector.shape_cast %add3A_11 : vector<256x1xf32> to vector<1x256x1xf32>
    tpu.vector_store %arg4[%swap3A, %swap3A_12, %swap3A_13], %swap3A_16 {strides = array<i32>} : memref<1x256x1xf32, #tpu.memory_space<vmem>>, vector<1x256x1xf32>,
    return
  }
  func.func @transform_0(%arg0: i32) -> (i32, i32, i32) {
    %c0_i32 = arith.constant 0 : i32
    %c0_i32_0 = arith.constant 0 : i32
    %c0_i32_1 = arith.constant 0 : i32
    return %arg0, %c0_i32, %c0_i32_0 : i32, i32, i32
  }
  func.func @transform_1(%arg0: i32) -> (i32, i32) {
    %c0_i32 = arith.constant 0 : i32
    %c0_i32_0 = arith.constant 0 : i32
    %c0_i32_1 = arith.constant 0 : i32
    return %c0_i32, %c0_i32_0 : i32, i32
  }
  func.func @transform_2(%arg0: i32) -> (i32, i32) {
    %c0_i32 = arith.constant 0 : i32
    %c0_i32_0 = arith.constant 0 : i32
    %c0_i32_1 = arith.constant 0 : i32
    return %c0_i32, %c0_i32_0 : i32, i32
  }
  func.func @transform_3(%arg0: i32) -> (i32, i32, i32) {
    %c0_i32 = arith.constant 0 : i32
    %c0_i32_0 = arith.constant 0 : i32
    %c0_i32_1 = arith.constant 0 : i32
    return %arg0, %c0_i32, %c0_i32_0 : i32, i32, i32
  }
}

</mosaic_0001>

<sc_bundles>
// kernel: kernel.10.cloned.1.call-start
scs
__scs_entry_jumppad:
0x0: {  	(pc) =	sbr.rel $0x88, $3  }
0x1: {  	(tag) =	ssettag $0x0;
	lr =	simm.s32 $0x1  }
0x2: {  	[smem:$0x3F38] =	sst lr;
	_ =	strace $0xD0000000  }
0x3: {  	_ = 	snop  }
0x4: {  	_ = 	snop  }
0x5: {  	_ = 	snop  }
0x6: {  	_ = 	snop  }
0x7: {  	_ = 	snop  }
__scs_overlays_trampoline_lowered:
0x8: {  	[smem:$0x3F47] =	sst s0  }
0x9: {  	[smem:$0x3F48] =	sst s1  }
0xa: {  	[smem:$0x3F49] =	sst s2  }
0xb: {  	[smem:$0x3F4A] =	sst s3  }
0xc: {  	[smem:$0x3F4B] =	sst s4  }
0xd: {  	[smem:$0x3F4C] =	sst s5  }
0xe: {  	[smem:$0x3F4D] =	sst s6  }
0xf: {  	[smem:$0x3F4E] =	sst s7  }
0x10: {  	[smem:$0x3F4F] =	sst s8  }
0x11: {  	[smem:$0x3F50] =	sst s9;
	s0 =	simm.s32 @!p0 $0x0  }
0x12: {  	s1 =	sld [smem:$0x3F36];
	s0 =	simm.s32 @p0 $0x1  }
0x13: {  	[smem:$0x3F51] =	sst s0;
	s0 =	simm.s32 @!p1 $0x0  }
0x14: {  	s2 =	sld [smem:$0x3F35];
	s0 =	simm.s32 @p1 $0x1  }
0x15: {  	[smem:$0x3F52] =	sst s0;
	s0 =	simm.s32 @!p2 $0x0  }
0x16: {  	s3 =	sld [smem:$0x3FDB];
	s0 =	simm.s32 @p2 $0x1  }
0x17: {  	s4 =	simm.s32 $0x1BF5;
	[smem:$0x3F54] =	sst s0  }
0x18: {  	s0 =	sld [smem:$0x3F37];
	_ =	swait.ge [sflag:s4], $0x0  }
0x19: {  	s7 =	sld [smem:$0x3F38]  }
0x1a: {  	s8 =	sadd.s32 $0xFFFFE003, lr  }
0x1b: {  	s9 =	sadd.s32 $0xFFFFFEF7, lr;
	s5 =	simm.s32 $0xFFFFFFFF;
	p2 =	slt.u32 s8, $0xFFFFF086  }
0x1c: {  	p1 =	slt.u32 s9, $0xF7A;
	s5 =	simm.s32 @!p2 $0x0  }
0x1d: {  	s5 =	simm.s32 @p1 $0x1;
	p0 =	seq.s32 s7, s2  }
0x1e: {  	s7 =	smul.u32 @!p0 $0xF7A, s2;
	p2 =	seq.s32 @!p0 s5, $0x0  }
0x1f: {  	s9 =	smul.u32 $0xF7A, s1;
	s8 =	simm.s32 @!p0 $0x1BF5;
	p2 =	por !p2, p0  }
0x20: {  	[sflag:s8] =	ssyncset.s32 @!p0 $0xFFFFF086;
	s6 =	sadd.s32 @!p0 s3, s7;
	s7 =	simm.s32 @!p0 $0x108  }
0x21: {  	s3 =	sadd.s32 s3, s9;
	s6 =	sadd.s32 @!p0 $0x88, s6;
	s7 =	simm.s32 @p2 $0x1082  }
0x22: {  	[simem:s7], [sflag:s8] =	dma.local @!p0 [hbm:s6], $0xF7A  }
0x23: {  	s9 =	sor.u32 $0xD0000000, s2;
	s6 =	simm.s32 $0x108;
	_ =	swait.ge @!p0 [sflag:s8], $0x0  }
0x24: {  	s3 =	sadd.s32 $0x88, s3;
	s6 =	simm.s32 @!p1 $0x1082;
	[sflag:s4] =	ssyncset.s32 $0xFFFFF086  }
0x25: {  	[simem:s6], [sflag:s4] =	dma.local [hbm:s3], $0xF7A  }
0x26: {  	[smem:$0x3F38] =	sst s1;
	(tag) =	ssettag s2;
	_ =	strace s9  }
0x27: {  	s1 =	sld [smem:$0x3F48]  }
0x28: {  	s2 =	sld [smem:$0x3F49]  }
0x29: {  	s4 =	sld [smem:$0x3F4B]  }
0x2a: {  	p0 =	seq.s32 s5, $0x0;
	s5 =	sld [smem:$0x3F4C]  }
0x2b: {  	s6 =	sld [smem:$0x3F4D]  }
0x2c: {  	s7 =	sld [smem:$0x3F4E]  }
0x2d: {  	s3 =	simm.s32 $0x108;
	s8 =	sld [smem:$0x3F4F]  }
0x2e: {  	s3 =	simm.s32 @!p0 $0x1082;
	s9 =	sld [smem:$0x3F50]  }
0x2f: {  	lr =	sadd.s32 s0, s3;
	s0 =	sld [smem:$0x3F47]  }
0x30: {  	s3 =	sld [smem:$0x3F4A]  }
0x31: {  	[smem:$0x3F53] =	sst s10  }
0x32: {  	s10 =	sld [smem:$0x3F51];
	_ =	sdelay $0x3  }
0x33: {  	p0 =	seq.s32 s10, $0x1;
	s10 =	sld [smem:$0x3F53];
	_ =	sdelay $0x3  }
0x34: {  	[smem:$0x3F53] =	sst s10  }
0x35: {  	s10 =	sld [smem:$0x3F52];
	_ =	sdelay $0x3  }
0x36: {  	p1 =	seq.s32 s10, $0x1;
	s10 =	sld [smem:$0x3F53];
	_ =	sdelay $0x3  }
0x37: {  	[smem:$0x3F53] =	sst s10  }
0x38: {  	s10 =	sld [smem:$0x3F54]  }
0x39: {  	_ = 	snop;
	(pc) =	sbr.ind lr, $3  }
0x3a: {  	_ = 	snop  }
0x3b: {  	_ = 	snop  }
0x3c: {  	p2 =	seq.s32 s10, $0x1;
	s10 =	sld [smem:$0x3F53]  }
0x3d: {  	_ =	shalt  }
0x3e: {  	_ =	shalt  }
0x3f: {  	_ =	shalt  }
0x40: {  	_ =	shalt  }
0x41: {  	_ =	shalt  }
0x42: {  	_ =	shalt  }
0x43: {  	_ =	shalt  }
0x44: {  	_ =	shalt  }
0x45: {  	_ =	shalt  }
0x46: {  	_ =	shalt  }
0x47: {  	_ =	shalt  }
0x48: {  	_ =	shalt  }
0x49: {  	_ =	shalt  }
0x4a: {  	_ =	shalt  }
0x4b: {  	_ =	shalt  }
0x4c: {  	_ =	shalt  }
0x4d: {  	_ =	shalt  }
0x4e: {  	_ =	shalt  }
0x4f: {  	_ =	shalt  }
0x50: {  	_ =	shalt  }
0x51: {  	_ =	shalt  }
0x52: {  	_ =	shalt  }
0x53: {  	_ =	shalt  }
0x54: {  	_ =	shalt  }
0x55: {  	_ =	shalt  }
0x56: {  	_ =	shalt  }
0x57: {  	_ =	shalt  }
0x58: {  	_ =	shalt  }
0x59: {  	_ =	shalt  }
0x5a: {  	_ =	shalt  }
0x5b: {  	_ =	shalt  }
0x5c: {  	_ =	shalt  }
0x5d: {  	_ =	shalt  }
0x5e: {  	_ =	shalt  }
0x5f: {  	_ =	shalt  }
0x60: {  	_ =	shalt  }
0x61: {  	_ =	shalt  }
0x62: {  	_ =	shalt  }
0x63: {  	_ =	shalt  }
0x64: {  	_ =	shalt  }
0x65: {  	_ =	shalt  }
0x66: {  	_ =	shalt  }
0x67: {  	_ =	shalt  }
0x68: {  	_ =	shalt  }
0x69: {  	_ =	shalt  }
0x6a: {  	_ =	shalt  }
0x6b: {  	_ =	shalt  }
0x6c: {  	_ =	shalt  }
0x6d: {  	_ =	shalt  }
0x6e: {  	_ =	shalt  }
0x6f: {  	_ =	shalt  }
0x70: {  	_ =	shalt  }
0x71: {  	_ =	shalt  }
0x72: {  	_ =	shalt  }
0x73: {  	_ =	shalt  }
0x74: {  	_ =	shalt  }
0x75: {  	_ =	shalt  }
0x76: {  	_ =	shalt  }
0x77: {  	_ =	shalt  }
0x78: {  	_ =	shalt  }
0x79: {  	_ =	shalt  }
0x7a: {  	_ =	shalt  }
0x7b: {  	_ =	shalt  }
0x7c: {  	_ =	shalt  }
0x7d: {  	_ =	shalt  }
0x7e: {  	_ =	shalt  }
0x7f: {  	_ =	shalt  }
0x80: {  	_ =	shalt  }
0x81: {  	_ =	shalt  }
0x82: {  	_ =	shalt  }
0x83: {  	_ =	shalt  }
0x84: {  	_ =	shalt  }
0x85: {  	_ =	shalt  }
0x86: {  	_ =	shalt  }
0x87: {  	_ =	shalt  }
.Lfunc_end0:
.L_simem_size_0:
called_computation.1_lowered:
.L_overlay_start_0:
0x88: {  	s2 =	sld [smem:$0x3FD9]  }
0x89: {  	s3 =	sld [smem:$0x3FFE];
	_ =	sdelay $0x1  }
0x8a: {  	s1 =	srdreg.scid  }
0x8b: {  	s0 =	sand.u32 $0x1, s1  }
0x8c: {  	s14 =	sshll.u32 s0, $0xA;
	s2 =	sadd.s32 s3, s2  }
0x8d: {  	s2 =	sadd.s32 s2, s14  }
0x8e: {  	[smem:$0x3F5F] =	sst s2  }
0x8f: {  	_ = 	snop  }
0x90: {  	s2 =	sld [smem:$0x3FD0];
	_ =	sdelay $0x2  }
0x91: {  	s4 =	simm.s32 $0xA;
	s5 =	simm.s32 $0x10;
	s15 =	sld [smem:$0x3FC8]  }
0x92: {  	[smem:s5], [sflag:s4] =	dma.local [hbm:s2], $0x1  }
0x93: {  	_ =	swait.eq [sflag:s4], $0x1  }
0x94: {  	[sflag:s4] =	ssyncset.done $0x0  }
0x95: {  	[sflag:s4] =	ssyncadd.s32 $0xFFFFFFFF  }
0x96: {  	s16 =	sld [smem:$0x11];
	(tm) =	ssettm $0x1  }
0x97: {  	s17 =	sld [smem:$0x3FFB];
	_ =	sdelay $0x3  }
0x98: {  	_ =	strace s17  }
0x99: {  	s4 =	sld [smem:$0x3FFC];
	_ =	sdelay $0x3  }
0x9a: {  	_ =	strace s4  }
0x9b: {  	s4 =	sld [smem:$0x3FFD];
	_ =	sdelay $0x3  }
0x9c: {  	_ =	strace s4  }
0x9d: {  	_ =	strace $0x8FFFFFFF  }
0x9e: {  	s18 =	sld [smem:$0x3FDB];
	_ =	sdelay $0x1  }
0x9f: {  	s19 =	simm.s32 $_scs_section_size  }
0xa0: {  	s6 =	simm.s32 $_size__tile_overlayer_lowered;
	s7 =	simm.s32 $_tile_overlayer_lowered  }
0xa1: {  	s22 =	simm.s32 $0x1BFF;
	s21 =	sshll.u32 s7, $0x1;
	s4 =	sadd.s32 s19, s18  }
0xa2: {  	s8 =	simm.s32 $0x0;
	s20 =	sshll.u32 s6, $0x1;
	s6 =	sadd.s32 s21, s4  }
0xa3: {  	[timem:s8], [sflag:s22] =	dma.local [hbm:s6], s20  }
0xa4: {  	_ =	swait.ge [sflag:s22], s20  }
0xa5: {  	s5 =	ssub.s32 $0x0, s20;
	[sflag:s22] =	ssyncset.done $0x0  }
0xa6: {  	[sflag:s22] =	ssyncadd.s32 s5;
	_ =	sdelay $0x1  }
0xa7: {  	s23 =	simm.s32 $0x1B8B  }
0xa8: {  	_ =	swait.ge [sflag:s23], $0x1  }
0xa9: {  	[sflag:s23] =	ssyncset.done $0x0  }
0xaa: {  	s25 =	simm.s32 $0x1B8E;
	s24 =	sld [smem:$0x3FFE];
	[sflag:s23] =	ssyncadd.s32 $0xFFFFFFFF  }
0xab: {  	s26 =	simm.s32 $execute0_lowered;
	[smem:$0x3FD2] =	sst s25  }
0xac: {  	s6 =	sshll.u32 s26, $0x1;
	_ =	strace $0x80000046;
	[dreg:$0x1] =	wrdreg $0xFFFFFFFF  }
0xad: {  	s28 =	simm.s32 $_size_execute0_lowered;
	s4 =	sadd.s32 s4, s6;
	[dreg:$0x0] =	wrdreg $0x0  }
0xae: {  	s6 =	sshll.u32 s28, $0x1;
	[dreg:$0x2] =	wrdreg s4  }
0xaf: {  	[dreg:$0x3] =	wrdreg s6  }
0xb0: {  	[dreg:$0x4] =	wrdreg $0xC0  }
0xb1: {  	_ =	task [dreg:s8], $0x5FFFF  }
0xb2: {  	[dreg:$0x1] =	wrdreg $0xFFFFFFFF  }
0xb3: {  	[dreg:$0x0] =	wrdreg $0x60  }
0xb4: {  	[dreg:$0x2] =	wrdreg s15  }
0xb5: {  	[dreg:$0x3] =	wrdreg s16  }
0xb6: {  	[dreg:$0x4] =	wrdreg s24  }
0xb7: {  	[dreg:$0x5] =	wrdreg $0x9  }
0xb8: {  	_ =	task.clear_ibuf [dreg:s8], $0x6FFFF;
	_ =	strace $0x90000046  }
0xb9: {  	s29 =	simm.s32 $0x9;
	_ =	strace $0x80000048  }
0xba: {  	_ =	swait.ge [sflag:s29], $0x1  }
0xbb: {  	[sflag:s29] =	ssyncadd.s32 $0xFFFFFFFF  }
0xbc: {  	_ =	strace $0x90000048  }
0xbd: {  	_ =	sfence  }
0xbe: {  	s30 =	sld [smem:$0x0];
	_ =	sdelay $0x2  }
0xbf: {  	s31 =	sshll.u32 s1, $0xD;
	s1 =	sshrl.u32 s1, $0x2  }
0xc0: {  	s3 =	sand.u32 $0x4000, s31;
	s1 =	sadd.s32 s1, s30  }
0xc1: {  	s0 =	sor.u32 s3, s0;
	s1 =	sshll.u32 s1, $0x11  }
0xc2: {  	s0 =	sor.u32 s1, s0  }
0xc3: {  	s0 =	sadd.s32 $0x8F2B, s0  }
0xc4: {  	[sflag:s0] =	ssyncadd.remote.s32 $0x1  }
0xc5: {  	_ =	sfence.sel $0xFFFF  }
0xc6: {  	[dreg:$0x0] =	wrdreg $0xFFFFFFFF;
	(pc) =	sbr.abs _section_cstart, $3  }
0xc7: {  	[dreg:$0x1] =	wrdreg $0xFFFFFFFF  }
0xc8: {  	_ =	task.clear_ibuf [dreg:s8], $0x2FFFF;
	_ =	strace $0x9FFFFFFF  }
0xc9: {  	(tm) =	ssettm $0x7FFFFFFF  }
tec
execute0_lowered:
.L_overlay_start_1:
0x0: {  	(tag) =	ssettag $0x1  }
0x1: {  	s1 =	srdreg.scid;
	s0 =	stileid.u32  }
0x2: {  	s1 =	sand.u32 $0x1, s1;
	s3 =	sshll.u32 s0, $0x1  }
0x3: {  	s2 =	rddreg [dreg:$0x0];
	s6 =	sor.u32 s1, s3  }
0x4: {  	s4 =	rddreg [dreg:$0x1];
	s7 =	smul.u32 $0xF0, s6  }
0x5: {  	s5 =	rddreg [dreg:$0x2];
	s3 =	simm.s32 $0x0;
	s8 =	smul.u32 $0x3C000, s6  }
0x6: {  	[smem:$0x7FF] =	sst s3;
	s6 =	smul.u32 $0x7800, s6  }
0x7: {  	s5 =	sadd.s32 $0x26C00, s5;
	_ =	strace $0x80000047;
	s4 =	sadd.s32 s4, s7  }
0x8: {  	s18 =	sshrl.u32 s8, $0x3;
	s19 =	sadd.s32 s5, s6;
	[dreg:$0x4] =	wrdreg s4  }
0x9: {  	s31 =	sadd.s32 s5, s18;
	[dreg:$0x5] =	wrdreg s19  }
0xa: {  	s20 =	sadd.s32 $0x800, s31;
	s23 =	rddreg [dreg:$0x4]  }
0xb: {  	s21 =	sadd.s32 $0x1000, s31;
	[dreg:$0x6] =	wrdreg s20  }
0xc: {  	s22 =	sadd.s32 $0x1800, s31;
	[dreg:$0x7] =	wrdreg s21  }
0xd: {  	s24 =	sadd.s32 $0x2000, s31;
	[dreg:$0x8] =	wrdreg s22  }
0xe: {  	s4 =	simm.s32 $0x2;
	[dreg:$0x9] =	wrdreg s24  }
0xf: {  	[tilespmem:s3], [sflag:$0x2] =	stream.linear.gather [hbm4b:s23+s3], $0x780, $0x38;
	[tilespmem:$0x4780] =	vst v63  }
0x10: {  	_ =	swait.ge [sflag:s4], $0x780  }
0x11: {  	s6 =	simm.s32 $0x780;
	[sflag:s4] =	ssyncset.done $0x0  }
0x12: {  	s7 =	simm.s32 $0x1;
	s5 =	simm.s32 $0x80;
	[sflag:s4] =	ssyncadd.s32 $0xFFFFF880  }
0x13: {  	[tilespmem:s6], [sflag:$0x1] =	stream.indirect.gather [hbm4b:s2+s5], $0x80, s3, s5, $0xb8;
	[tilespmem:$0x4780] =	vst v63  }
0x14: {  	_ =	swait.ge [sflag:s7], $0x4000  }
0x15: {  	[sflag:s7] =	ssyncset.done $0x0  }
0x16: {  	s25 =	rddreg [dreg:$0x5];
	[sflag:s7] =	ssyncadd.s32 $0xFFFFC000  }
0x17: {  	[hbm4b:s25+s3] =	stream.linear.scatter [tilespmem:s6], [sflag:$0x2], $0x4000, $0x38;
	[tilespmem:$0x4780] =	vst v63  }
0x18: {  	_ =	swait.ge [sflag:s4], $0x4000  }
0x19: {  	[sflag:s4] =	ssyncset.done $0x0  }
0x1a: {  	[sflag:s4] =	ssyncadd.s32 $0xFFFFC000  }
0x1b: {  	[tilespmem:s6], [sflag:$0x1] =	stream.indirect.gather [hbm4b:s2+s5], $0x80, s5, s5, $0xb8;
	[tilespmem:$0x4780] =	vst v63  }
0x1c: {  	_ =	swait.ge [sflag:s7], $0x4000  }
0x1d: {  	[sflag:s7] =	ssyncset.done $0x0  }
0x1e: {  	s26 =	rddreg [dreg:$0x6];
	[sflag:s7] =	ssyncadd.s32 $0xFFFFC000  }
0x1f: {  	[hbm4b:s26+s3] =	stream.linear.scatter [tilespmem:s6], [sflag:$0x2], $0x4000, $0x38;
	[tilespmem:$0x4780] =	vst v63  }
0x20: {  	_ =	swait.ge [sflag:s4], $0x4000  }
0x21: {  	[sflag:s4] =	ssyncset.done $0x0  }
0x22: {  	s8 =	simm.s32 $0x100;
	[sflag:s4] =	ssyncadd.s32 $0xFFFFC000  }
0x23: {  	[tilespmem:s6], [sflag:$0x1] =	stream.indirect.gather [hbm4b:s2+s5], $0x80, s8, s5, $0xb8;
	[tilespmem:$0x4780] =	vst v63  }
0x24: {  	_ =	swait.ge [sflag:s7], $0x4000  }
0x25: {  	[sflag:s7] =	ssyncset.done $0x0  }
0x26: {  	s9 =	rddreg [dreg:$0x7];
	[sflag:s7] =	ssyncadd.s32 $0xFFFFC000  }
0x27: {  	[hbm4b:s9+s3] =	stream.linear.scatter [tilespmem:s6], [sflag:$0x2], $0x4000, $0x38;
	[tilespmem:$0x4780] =	vst v63  }
0x28: {  	_ =	swait.ge [sflag:s4], $0x4000  }
0x29: {  	[sflag:s4] =	ssyncset.done $0x0  }
0x2a: {  	s9 =	simm.s32 $0x180;
	[sflag:s4] =	ssyncadd.s32 $0xFFFFC000  }
0x2b: {  	[tilespmem:s6], [sflag:$0x1] =	stream.indirect.gather [hbm4b:s2+s5], $0x80, s9, s5, $0xb8;
	[tilespmem:$0x4780] =	vst v63  }
0x2c: {  	_ =	swait.ge [sflag:s7], $0x4000  }
0x2d: {  	[sflag:s7] =	ssyncset.done $0x0  }
0x2e: {  	s10 =	rddreg [dreg:$0x8];
	[sflag:s7] =	ssyncadd.s32 $0xFFFFC000  }
0x2f: {  	[hbm4b:s10+s3] =	stream.linear.scatter [tilespmem:s6], [sflag:$0x2], $0x4000, $0x38;
	[tilespmem:$0x4780] =	vst v63  }
0x30: {  	_ =	swait.ge [sflag:s4], $0x4000  }
0x31: {  	[sflag:s4] =	ssyncset.done $0x0  }
0x32: {  	s10 =	simm.s32 $0x200;
	[sflag:s4] =	ssyncadd.s32 $0xFFFFC000  }
0x33: {  	[tilespmem:s6], [sflag:$0x1] =	stream.indirect.gather [hbm4b:s2+s5], $0x80, s10, s5, $0xb8;
	[tilespmem:$0x4780] =	vst v63  }
0x34: {  	_ =	swait.ge [sflag:s7], $0x4000  }
0x35: {  	[sflag:s7] =	ssyncset.done $0x0  }
0x36: {  	s11 =	rddreg [dreg:$0x9];
	[sflag:s7] =	ssyncadd.s32 $0xFFFFC000  }
0x37: {  	[hbm4b:s11+s3] =	stream.linear.scatter [tilespmem:s6], [sflag:$0x2], $0x4000, $0x38;
	[tilespmem:$0x4780] =	vst v63  }
0x38: {  	_ =	swait.ge [sflag:s4], $0x4000  }
0x39: {  	[sflag:s4] =	ssyncset.done $0x0  }
0x3a: {  	s11 =	simm.s32 $0x280;
	[sflag:s4] =	ssyncadd.s32 $0xFFFFC000  }
0x3b: {  	[tilespmem:s6], [sflag:$0x1] =	stream.indirect.gather [hbm4b:s2+s5], $0x80, s11, s5, $0xb8;
	[tilespmem:$0x4780] =	vst v63  }
0x3c: {  	_ =	swait.ge [sflag:s7], $0x4000  }
0x3d: {  	[sflag:s7] =	ssyncset.done $0x0  }
0x3e: {  	s12 =	sadd.s32 $0x2800, s31;
	[sflag:s7] =	ssyncadd.s32 $0xFFFFC000  }
0x3f: {  	[hbm4b:s12+s3] =	stream.linear.scatter [tilespmem:s6], [sflag:$0x2], $0x4000, $0x38;
	[tilespmem:$0x4780] =	vst v63  }
0x40: {  	_ =	swait.ge [sflag:s4], $0x4000  }
0x41: {  	[sflag:s4] =	ssyncset.done $0x0  }
0x42: {  	s13 =	simm.s32 $0x300;
	[sflag:s4] =	ssyncadd.s32 $0xFFFFC000  }
0x43: {  	[tilespmem:s6], [sflag:$0x1] =	stream.indirect.gather [hbm4b:s2+s5], $0x80, s13, s5, $0xb8;
	[tilespmem:$0x4780] =	vst v63  }
0x44: {  	_ =	swait.ge [sflag:s7], $0x4000  }
0x45: {  	[sflag:s7] =	ssyncset.done $0x0  }
0x46: {  	s14 =	sadd.s32 $0x3000, s31;
	[sflag:s7] =	ssyncadd.s32 $0xFFFFC000  }
0x47: {  	[hbm4b:s14+s3] =	stream.linear.scatter [tilespmem:s6], [sflag:$0x2], $0x4000, $0x38;
	[tilespmem:$0x4780] =	vst v63  }
0x48: {  	_ =	swait.ge [sflag:s4], $0x4000  }
0x49: {  	[sflag:s4] =	ssyncset.done $0x0  }
0x4a: {  	s15 =	simm.s32 $0x380;
	[sflag:s4] =	ssyncadd.s32 $0xFFFFC000  }
0x4b: {  	[tilespmem:s6], [sflag:$0x1] =	stream.indirect.gather [hbm4b:s2+s5], $0x80, s15, s5, $0xb8;
	[tilespmem:$0x4780] =	vst v63  }
0x4c: {  	_ =	swait.ge [sflag:s7], $0x4000  }
0x4d: {  	[sflag:s7] =	ssyncset.done $0x0  }
0x4e: {  	s16 =	sadd.s32 $0x3800, s31;
	[sflag:s7] =	ssyncadd.s32 $0xFFFFC000  }
0x4f: {  	[hbm4b:s16+s3] =	stream.linear.scatter [tilespmem:s6], [sflag:$0x2], $0x4000, $0x38;
	[tilespmem:$0x4780] =	vst v63  }
0x50: {  	_ =	swait.ge [sflag:s4], $0x4000  }
0x51: {  	[sflag:s4] =	ssyncset.done $0x0  }
0x52: {  	s17 =	simm.s32 $0x400;
	[sflag:s4] =	ssyncadd.s32 $0xFFFFC000  }
0x53: {  	[tilespmem:s6], [sflag:$0x1] =	stream.indirect.gather [hbm4b:s2+s5], $0x80, s17, s5, $0xb8;
	[tilespmem:$0x4780] =	vst v63  }
0x54: {  	_ =	swait.ge [sflag:s7], $0x4000  }
0x55: {  	[sflag:s7] =	ssyncset.done $0x0  }
0x56: {  	s18 =	sadd.s32 $0x4000, s31;
	[sflag:s7] =	ssyncadd.s32 $0xFFFFC000  }
0x57: {  	[hbm4b:s18+s3] =	stream.linear.scatter [tilespmem:s6], [sflag:$0x2], $0x4000, $0x38;
	[tilespmem:$0x4780] =	vst v63  }
0x58: {  	_ =	swait.ge [sflag:s4], $0x4000  }
0x59: {  	[sflag:s4] =	ssyncset.done $0x0  }
0x5a: {  	s19 =	simm.s32 $0x480;
	[sflag:s4] =	ssyncadd.s32 $0xFFFFC000  }
0x5b: {  	[tilespmem:s6], [sflag:$0x1] =	stream.indirect.gather [hbm4b:s2+s5], $0x80, s19, s5, $0xb8;
	[tilespmem:$0x4780] =	vst v63  }
0x5c: {  	_ =	swait.ge [sflag:s7], $0x4000  }
0x5d: {  	[sflag:s7] =	ssyncset.done $0x0  }
0x5e: {  	s20 =	sadd.s32 $0x4800, s31;
	[sflag:s7] =	ssyncadd.s32 $0xFFFFC000  }
0x5f: {  	[hbm4b:s20+s3] =	stream.linear.scatter [tilespmem:s6], [sflag:$0x2], $0x4000, $0x38;
	[tilespmem:$0x4780] =	vst v63  }
0x60: {  	_ =	swait.ge [sflag:s4], $0x4000  }
0x61: {  	[sflag:s4] =	ssyncset.done $0x0  }
0x62: {  	s21 =	simm.s32 $0x500;
	[sflag:s4] =	ssyncadd.s32 $0xFFFFC000  }
0x63: {  	[tilespmem:s6], [sflag:$0x1] =	stream.indirect.gather [hbm4b:s2+s5], $0x80, s21, s5, $0xb8;
	[tilespmem:$0x4780] =	vst v63  }
0x64: {  	_ =	swait.ge [sflag:s7], $0x4000  }
0x65: {  	[sflag:s7] =	ssyncset.done $0x0  }
0x66: {  	s22 =	sadd.s32 $0x5000, s31;
	[sflag:s7] =	ssyncadd.s32 $0xFFFFC000  }
0x67: {  	[hbm4b:s22+s3] =	stream.linear.scatter [tilespmem:s6], [sflag:$0x2], $0x4000, $0x38;
	[tilespmem:$0x4780] =	vst v63  }
0x68: {  	_ =	swait.ge [sflag:s4], $0x4000  }
0x69: {  	[sflag:s4] =	ssyncset.done $0x0  }
0x6a: {  	s23 =	simm.s32 $0x580;
	[sflag:s4] =	ssyncadd.s32 $0xFFFFC000  }
0x6b: {  	[tilespmem:s6], [sflag:$0x1] =	stream.indirect.gather [hbm4b:s2+s5], $0x80, s23, s5, $0xb8;
	[tilespmem:$0x4780] =	vst v63  }
0x6c: {  	_ =	swait.ge [sflag:s7], $0x4000  }
0x6d: {  	[sflag:s7] =	ssyncset.done $0x0  }
0x6e: {  	s24 =	sadd.s32 $0x5800, s31;
	[sflag:s7] =	ssyncadd.s32 $0xFFFFC000  }
0x6f: {  	[hbm4b:s24+s3] =	stream.linear.scatter [tilespmem:s6], [sflag:$0x2], $0x4000, $0x38;
	[tilespmem:$0x4780] =	vst v63  }
0x70: {  	_ =	swait.ge [sflag:s4], $0x4000  }
0x71: {  	[sflag:s4] =	ssyncset.done $0x0  }
0x72: {  	s25 =	simm.s32 $0x600;
	[sflag:s4] =	ssyncadd.s32 $0xFFFFC000  }
0x73: {  	[tilespmem:s6], [sflag:$0x1] =	stream.indirect.gather [hbm4b:s2+s5], $0x80, s25, s5, $0xb8;
	[tilespmem:$0x4780] =	vst v63  }
0x74: {  	_ =	swait.ge [sflag:s7], $0x4000  }
0x75: {  	[sflag:s7] =	ssyncset.done $0x0  }
0x76: {  	s26 =	sadd.s32 $0x6000, s31;
	[sflag:s7] =	ssyncadd.s32 $0xFFFFC000  }
0x77: {  	[hbm4b:s26+s3] =	stream.linear.scatter [tilespmem:s6], [sflag:$0x2], $0x4000, $0x38;
	[tilespmem:$0x4780] =	vst v63  }
0x78: {  	_ =	swait.ge [sflag:s4], $0x4000  }
0x79: {  	[sflag:s4] =	ssyncset.done $0x0  }
0x7a: {  	s28 =	simm.s32 $0x680;
	[sflag:s4] =	ssyncadd.s32 $0xFFFFC000  }
0x7b: {  	[tilespmem:s6], [sflag:$0x1] =	stream.indirect.gather [hbm4b:s2+s5], $0x80, s28, s5, $0xb8;
	[tilespmem:$0x4780] =	vst v63  }
0x7c: {  	_ =	swait.ge [sflag:s7], $0x4000  }
0x7d: {  	s1 =	ssub.s32 $0x2, s1;
	[sflag:s7] =	ssyncset.done $0x0  }
0x7e: {  	s0 =	sshrl.u32 s1, $0x1;
	s29 =	sadd.s32 $0x6800, s31;
	[sflag:s7] =	ssyncadd.s32 $0xFFFFC000  }
0x7f: {  	[hbm4b:s29+s3] =	stream.linear.scatter [tilespmem:s6], [sflag:$0x2], $0x4000, $0x38;
	[tilespmem:$0x4780] =	vst v63  }
0x80: {  	s0 =	ssub.s32 s1, s0;
	_ =	swait.ge [sflag:s4], $0x4000  }
0x81: {  	s0 =	smax.u32 s0, $0x1;
	[sflag:s4] =	ssyncset.done $0x0  }
0x82: {  	s30 =	simm.s32 $0x700;
	p0 =	sne.s32 s0, $0x1;
	[sflag:s4] =	ssyncadd.s32 $0xFFFFC000  }
0x83: {  	[tilespmem:s6], [sflag:$0x1] =	stream.indirect.gather [hbm4b:s2+s5], $0x80, s30, s5, $0xb8;
	[tilespmem:$0x4780] =	vst v63  }
.Ltmp0:
0x84: {  	_ =	swait.ge [sflag:s7], $0x4000;
	(pc) =	sbr.rel @!p0 .LBB2_2-.Ltmp0, $4  }
0x85: {  	[sflag:s7] =	ssyncset.done $0x0  }
0x86: {  	s31 =	sadd.s32 $0x7000, s31;
	[sflag:s7] =	ssyncadd.s32 $0xFFFFC000  }
0x87: {  	[hbm4b:s31+s3] =	stream.linear.scatter [tilespmem:s6], [sflag:$0x2], $0x4000, $0x38;
	[tilespmem:$0x4780] =	vst v63  }
0x88: {  	s1 =	sadd.s32 $0xFFFFFFFF, s0;
	_ =	swait.ge [sflag:s4], $0x4000  }
.LBB2_1:
0x89: {  	[sflag:s4] =	ssyncset.done $0x0  }
0x8a: {  	s0 =	rddreg [dreg:$0x4];
	[sflag:s4] =	ssyncadd.s32 $0xFFFFC000  }
0x8b: {  	[tilespmem:s3], [sflag:$0x2] =	stream.linear.gather [hbm4b:s0+s3], $0x780, $0x38;
	[tilespmem:$0x4780] =	vst v63  }
0x8c: {  	_ =	swait.ge [sflag:s4], $0x780  }
0x8d: {  	[sflag:s4] =	ssyncset.done $0x0  }
0x8e: {  	[sflag:s4] =	ssyncadd.s32 $0xFFFFF880  }
0x8f: {  	[tilespmem:s6], [sflag:$0x1] =	stream.indirect.gather [hbm4b:s2+s5], $0x80, s3, s5, $0xb8;
	[tilespmem:$0x4780] =	vst v63  }
0x90: {  	_ =	swait.ge [sflag:s7], $0x4000  }
0x91: {  	[sflag:s7] =	ssyncset.done $0x0  }
0x92: {  	s0 =	rddreg [dreg:$0x5];
	[sflag:s7] =	ssyncadd.s32 $0xFFFFC000  }
0x93: {  	[hbm4b:s0+s3] =	stream.linear.scatter [tilespmem:s6], [sflag:$0x2], $0x4000, $0x38;
	[tilespmem:$0x4780] =	vst v63  }
0x94: {  	_ =	swait.ge [sflag:s4], $0x4000  }
0x95: {  	[sflag:s4] =	ssyncset.done $0x0  }
0x96: {  	[sflag:s4] =	ssyncadd.s32 $0xFFFFC000  }
0x97: {  	[tilespmem:s6], [sflag:$0x1] =	stream.indirect.gather [hbm4b:s2+s5], $0x80, s5, s5, $0xb8;
	[tilespmem:$0x4780] =	vst v63  }
0x98: {  	_ =	swait.ge [sflag:s7], $0x4000  }
0x99: {  	[sflag:s7] =	ssyncset.done $0x0  }
0x9a: {  	s0 =	rddreg [dreg:$0x6];
	[sflag:s7] =	ssyncadd.s32 $0xFFFFC000  }
0x9b: {  	[hbm4b:s0+s3] =	stream.linear.scatter [tilespmem:s6], [sflag:$0x2], $0x4000, $0x38;
	[tilespmem:$0x4780] =	vst v63  }
0x9c: {  	_ =	swait.ge [sflag:s4], $0x4000  }
0x9d: {  	[sflag:s4] =	ssyncset.done $0x0  }
0x9e: {  	[sflag:s4] =	ssyncadd.s32 $0xFFFFC000  }
0x9f: {  	[tilespmem:s6], [sflag:$0x1] =	stream.indirect.gather [hbm4b:s2+s5], $0x80, s8, s5, $0xb8;
	[tilespmem:$0x4780] =	vst v63  }
0xa0: {  	_ =	swait.ge [sflag:s7], $0x4000  }
0xa1: {  	[sflag:s7] =	ssyncset.done $0x0  }
0xa2: {  	s0 =	rddreg [dreg:$0x7];
	[sflag:s7] =	ssyncadd.s32 $0xFFFFC000  }
0xa3: {  	[hbm4b:s0+s3] =	stream.linear.scatter [tilespmem:s6], [sflag:$0x2], $0x4000, $0x38;
	[tilespmem:$0x4780] =	vst v63  }
0xa4: {  	_ =	swait.ge [sflag:s4], $0x4000  }
0xa5: {  	[sflag:s4] =	ssyncset.done $0x0  }
0xa6: {  	[sflag:s4] =	ssyncadd.s32 $0xFFFFC000  }
0xa7: {  	[tilespmem:s6], [sflag:$0x1] =	stream.indirect.gather [hbm4b:s2+s5], $0x80, s9, s5, $0xb8;
	[tilespmem:$0x4780] =	vst v63  }
0xa8: {  	_ =	swait.ge [sflag:s7], $0x4000  }
0xa9: {  	[sflag:s7] =	ssyncset.done $0x0  }
0xaa: {  	s0 =	rddreg [dreg:$0x8];
	[sflag:s7] =	ssyncadd.s32 $0xFFFFC000  }
0xab: {  	[hbm4b:s0+s3] =	stream.linear.scatter [tilespmem:s6], [sflag:$0x2], $0x4000, $0x38;
	[tilespmem:$0x4780] =	vst v63  }
0xac: {  	_ =	swait.ge [sflag:s4], $0x4000  }
0xad: {  	[sflag:s4] =	ssyncset.done $0x0  }
0xae: {  	[sflag:s4] =	ssyncadd.s32 $0xFFFFC000  }
0xaf: {  	[tilespmem:s6], [sflag:$0x1] =	stream.indirect.gather [hbm4b:s2+s5], $0x80, s10, s5, $0xb8;
	[tilespmem:$0x4780] =	vst v63  }
0xb0: {  	_ =	swait.ge [sflag:s7], $0x4000  }
0xb1: {  	[sflag:s7] =	ssyncset.done $0x0  }
0xb2: {  	s0 =	rddreg [dreg:$0x9];
	[sflag:s7] =	ssyncadd.s32 $0xFFFFC000  }
0xb3: {  	[hbm4b:s0+s3] =	stream.linear.scatter [tilespmem:s6], [sflag:$0x2], $0x4000, $0x38;
	[tilespmem:$0x4780] =	vst v63  }
0xb4: {  	_ =	swait.ge [sflag:s4], $0x4000  }
0xb5: {  	[sflag:s4] =	ssyncset.done $0x0  }
0xb6: {  	[sflag:s4] =	ssyncadd.s32 $0xFFFFC000  }
0xb7: {  	[tilespmem:s6], [sflag:$0x1] =	stream.indirect.gather [hbm4b:s2+s5], $0x80, s11, s5, $0xb8;
	[tilespmem:$0x4780] =	vst v63  }
0xb8: {  	_ =	swait.ge [sflag:s7], $0x4000  }
0xb9: {  	[sflag:s7] =	ssyncset.done $0x0  }
0xba: {  	[sflag:s7] =	ssyncadd.s32 $0xFFFFC000  }
0xbb: {  	[hbm4b:s12+s3] =	stream.linear.scatter [tilespmem:s6], [sflag:$0x2], $0x4000, $0x38;
	[tilespmem:$0x4780] =	vst v63  }
0xbc: {  	_ =	swait.ge [sflag:s4], $0x4000  }
0xbd: {  	[sflag:s4] =	ssyncset.done $0x0  }
0xbe: {  	[sflag:s4] =	ssyncadd.s32 $0xFFFFC000  }
0xbf: {  	[tilespmem:s6], [sflag:$0x1] =	stream.indirect.gather [hbm4b:s2+s5], $0x80, s13, s5, $0xb8;
	[tilespmem:$0x4780] =	vst v63  }
0xc0: {  	_ =	swait.ge [sflag:s7], $0x4000  }
0xc1: {  	[sflag:s7] =	ssyncset.done $0x0  }
0xc2: {  	[sflag:s7] =	ssyncadd.s32 $0xFFFFC000  }
0xc3: {  	[hbm4b:s14+s3] =	stream.linear.scatter [tilespmem:s6], [sflag:$0x2], $0x4000, $0x38;
	[tilespmem:$0x4780] =	vst v63  }
0xc4: {  	_ =	swait.ge [sflag:s4], $0x4000  }
0xc5: {  	[sflag:s4] =	ssyncset.done $0x0  }
0xc6: {  	[sflag:s4] =	ssyncadd.s32 $0xFFFFC000  }
0xc7: {  	[tilespmem:s6], [sflag:$0x1] =	stream.indirect.gather [hbm4b:s2+s5], $0x80, s15, s5, $0xb8;
	[tilespmem:$0x4780] =	vst v63  }
0xc8: {  	_ =	swait.ge [sflag:s7], $0x4000  }
0xc9: {  	[sflag:s7] =	ssyncset.done $0x0  }
0xca: {  	[sflag:s7] =	ssyncadd.s32 $0xFFFFC000  }
0xcb: {  	[hbm4b:s16+s3] =	stream.linear.scatter [tilespmem:s6], [sflag:$0x2], $0x4000, $0x38;
	[tilespmem:$0x4780] =	vst v63  }
0xcc: {  	_ =	swait.ge [sflag:s4], $0x4000  }
0xcd: {  	[sflag:s4] =	ssyncset.done $0x0  }
0xce: {  	[sflag:s4] =	ssyncadd.s32 $0xFFFFC000  }
0xcf: {  	[tilespmem:s6], [sflag:$0x1] =	stream.indirect.gather [hbm4b:s2+s5], $0x80, s17, s5, $0xb8;
	[tilespmem:$0x4780] =	vst v63  }
0xd0: {  	_ =	swait.ge [sflag:s7], $0x4000  }
0xd1: {  	[sflag:s7] =	ssyncset.done $0x0  }
0xd2: {  	[sflag:s7] =	ssyncadd.s32 $0xFFFFC000  }
0xd3: {  	[hbm4b:s18+s3] =	stream.linear.scatter [tilespmem:s6], [sflag:$0x2], $0x4000, $0x38;
	[tilespmem:$0x4780] =	vst v63  }
0xd4: {  	_ =	swait.ge [sflag:s4], $0x4000  }
0xd5: {  	[sflag:s4] =	ssyncset.done $0x0  }
0xd6: {  	[sflag:s4] =	ssyncadd.s32 $0xFFFFC000  }
0xd7: {  	[tilespmem:s6], [sflag:$0x1] =	stream.indirect.gather [hbm4b:s2+s5], $0x80, s19, s5, $0xb8;
	[tilespmem:$0x4780] =	vst v63  }
0xd8: {  	_ =	swait.ge [sflag:s7], $0x4000  }
0xd9: {  	[sflag:s7] =	ssyncset.done $0x0  }
0xda: {  	[sflag:s7] =	ssyncadd.s32 $0xFFFFC000  }
0xdb: {  	[hbm4b:s20+s3] =	stream.linear.scatter [tilespmem:s6], [sflag:$0x2], $0x4000, $0x38;
	[tilespmem:$0x4780] =	vst v63  }
0xdc: {  	_ =	swait.ge [sflag:s4], $0x4000  }
0xdd: {  	[sflag:s4] =	ssyncset.done $0x0  }
0xde: {  	[sflag:s4] =	ssyncadd.s32 $0xFFFFC000  }
0xdf: {  	[tilespmem:s6], [sflag:$0x1] =	stream.indirect.gather [hbm4b:s2+s5], $0x80, s21, s5, $0xb8;
	[tilespmem:$0x4780] =	vst v63  }
0xe0: {  	_ =	swait.ge [sflag:s7], $0x4000  }
0xe1: {  	[sflag:s7] =	ssyncset.done $0x0  }
0xe2: {  	[sflag:s7] =	ssyncadd.s32 $0xFFFFC000  }
0xe3: {  	[hbm4b:s22+s3] =	stream.linear.scatter [tilespmem:s6], [sflag:$0x2], $0x4000, $0x38;
	[tilespmem:$0x4780] =	vst v63  }
0xe4: {  	_ =	swait.ge [sflag:s4], $0x4000  }
0xe5: {  	[sflag:s4] =	ssyncset.done $0x0  }
0xe6: {  	[sflag:s4] =	ssyncadd.s32 $0xFFFFC000  }
0xe7: {  	[tilespmem:s6], [sflag:$0x1] =	stream.indirect.gather [hbm4b:s2+s5], $0x80, s23, s5, $0xb8;
	[tilespmem:$0x4780] =	vst v63  }
0xe8: {  	_ =	swait.ge [sflag:s7], $0x4000  }
0xe9: {  	[sflag:s7] =	ssyncset.done $0x0  }
0xea: {  	[sflag:s7] =	ssyncadd.s32 $0xFFFFC000  }
0xeb: {  	[hbm4b:s24+s3] =	stream.linear.scatter [tilespmem:s6], [sflag:$0x2], $0x4000, $0x38;
	[tilespmem:$0x4780] =	vst v63  }
0xec: {  	_ =	swait.ge [sflag:s4], $0x4000  }
0xed: {  	[sflag:s4] =	ssyncset.done $0x0  }
0xee: {  	[sflag:s4] =	ssyncadd.s32 $0xFFFFC000  }
0xef: {  	[tilespmem:s6], [sflag:$0x1] =	stream.indirect.gather [hbm4b:s2+s5], $0x80, s25, s5, $0xb8;
	[tilespmem:$0x4780] =	vst v63  }
0xf0: {  	_ =	swait.ge [sflag:s7], $0x4000  }
0xf1: {  	[sflag:s7] =	ssyncset.done $0x0  }
0xf2: {  	[sflag:s7] =	ssyncadd.s32 $0xFFFFC000  }
0xf3: {  	[hbm4b:s26+s3] =	stream.linear.scatter [tilespmem:s6], [sflag:$0x2], $0x4000, $0x38;
	[tilespmem:$0x4780] =	vst v63  }
0xf4: {  	_ =	swait.ge [sflag:s4], $0x4000  }
0xf5: {  	[sflag:s4] =	ssyncset.done $0x0  }
0xf6: {  	[sflag:s4] =	ssyncadd.s32 $0xFFFFC000  }
0xf7: {  	[tilespmem:s6], [sflag:$0x1] =	stream.indirect.gather [hbm4b:s2+s5], $0x80, s28, s5, $0xb8;
	[tilespmem:$0x4780] =	vst v63  }
0xf8: {  	_ =	swait.ge [sflag:s7], $0x4000  }
0xf9: {  	[sflag:s7] =	ssyncset.done $0x0  }
0xfa: {  	[sflag:s7] =	ssyncadd.s32 $0xFFFFC000  }
0xfb: {  	[hbm4b:s29+s3] =	stream.linear.scatter [tilespmem:s6], [sflag:$0x2], $0x4000, $0x38;
	[tilespmem:$0x4780] =	vst v63  }
0xfc: {  	_ =	swait.ge [sflag:s4], $0x4000  }
0xfd: {  	[sflag:s4] =	ssyncset.done $0x0  }
0xfe: {  	p0 =	sne.s32 s1, $0x1;
	[sflag:s4] =	ssyncadd.s32 $0xFFFFC000  }
0xff: {  	[tilespmem:s6], [sflag:$0x1] =	stream.indirect.gather [hbm4b:s2+s5], $0x80, s30, s5, $0xb8;
	[tilespmem:$0x4780] =	vst v63  }
.Ltmp1:
0x100: {  	_ =	swait.ge [sflag:s7], $0x4000;
	(pc) =	sbr.rel @p0 .LBB2_1-.Ltmp1, $4  }
0x101: {  	[sflag:s7] =	ssyncset.done $0x0  }
0x102: {  	[sflag:s7] =	ssyncadd.s32 $0xFFFFC000  }
0x103: {  	[hbm4b:s31+s3] =	stream.linear.scatter [tilespmem:s6], [sflag:$0x2], $0x4000, $0x38;
	[tilespmem:$0x4780] =	vst v63  }
0x104: {  	s1 =	sadd.s32 $0xFFFFFFFF, s1;
	_ =	swait.ge [sflag:s4], $0x4000  }
.LBB2_2:
0x105: {  	[sflag:s4] =	ssyncset.done $0x0  }
0x106: {  	[sflag:s4] =	ssyncadd.s32 $0xFFFFC000  }
0x107: {  	_ =	sfence.sel $0x180000  }
0x108: {  	[bflag:$0x0] =	sbarrier.arrive $0xFFFF  }
0x109: {  	_ =	strace $0x90000047  }
0x10a: {  	s0 =	stileid.u32;
	[bflag:$0x2] =	sbarrier.arrive $0xFFFF  }
0x10b: {  	p0 =	sne.s32 s0, $0x0;
	s0 =	rddreg [dreg:$0x3]  }
0x10c: {  	s0 =	sadd.s32 @!p0 $0x100000, s0  }
0x10d: {  	[sflag:s0] =	ssyncadd.tile.s32 @!p0 $0x1;
	_ =	shalt  }
.Lfunc_end2:
_tile_overlayer_lowered:
.L_overlay_start_2:
0x10e: {  	(tag) =	ssettag $0x2  }
0x10f: {  	s0 =	rddreg [dreg:$0x0];
	s2 =	stileid.u32  }
0x110: {  	s1 =	rddreg [dreg:$0x1];
	p0 =	sne.s32 s2, $0x0  }
0x111: {  	s3 =	rddreg [dreg:$0x2];
	[bflag:$0x3] =	sbarrier.arrive $0xFFFF;
	s2 =	simm.s32 @!p0 $0x1C02  }
0x112: {  	[timem:s3], [sflag:s2] =	dma.local @!p0 [hbm:s0], s1  }
0x113: {  	s0 =	simm.s32 @!p0 $0x2  }
0x114: {  	_ =	swait.ge @!p0 [sflag:s0], s1  }
0x115: {  	s1 =	ssub.s32 @!p0 $0x0, s1;
	[sflag:s0] =	ssyncset.done @!p0 $0x0  }
0x116: {  	[sflag:s0] =	ssyncadd.s32 @!p0 s1  }
0x117: {  	[bflag:$0x3] =	sbarrier.arrive $0xFFFF  }
0x118: {  	_ =	shalt  }

// kernel: sparse-core-data-format-call.cloned.1.call-start
scs
called_computation_lowered:
.L_overlay_start_0:
0x0: {  	s2 =	sld [smem:$0x3FD9]  }
0x1: {  	s3 =	sld [smem:$0x3FFE];
	_ =	sdelay $0x1  }
0x2: {  	s1 =	srdreg.scid  }
0x3: {  	s0 =	sand.u32 $0x1, s1  }
0x4: {  	s15 =	sshll.u32 s0, $0xA;
	s2 =	sadd.s32 s3, s2  }
0x5: {  	s2 =	sadd.s32 s2, s15  }
0x6: {  	[smem:$0x3F5F] =	sst s2  }
0x7: {  	_ = 	snop  }
0x8: {  	s2 =	sld [smem:$0x3FD0];
	_ =	sdelay $0x2  }
0x9: {  	s16 =	simm.s32 $0xA;
	s4 =	simm.s32 $0x10  }
0xa: {  	[smem:s4], [sflag:s16] =	dma.local [hbm:s2], $0x1  }
0xb: {  	_ =	swait.eq [sflag:s16], $0x1  }
0xc: {  	[sflag:s16] =	ssyncset.done $0x0  }
0xd: {  	[sflag:s16] =	ssyncadd.s32 $0xFFFFFFFF  }
0xe: {  	s17 =	sld [smem:$0x10];
	(tm) =	ssettm $0x1  }
0xf: {  	s18 =	sld [smem:$0x3FFB];
	_ =	sdelay $0x3  }
0x10: {  	_ =	strace s18  }
0x11: {  	s3 =	sld [smem:$0x3FFC];
	_ =	sdelay $0x3  }
0x12: {  	_ =	strace s3  }
0x13: {  	s3 =	sld [smem:$0x3FFD];
	_ =	sdelay $0x3  }
0x14: {  	_ =	strace s3  }
0x15: {  	_ =	strace $0x8FFFFFFF  }
0x16: {  	s19 =	sld [smem:$0x3FDB];
	_ =	sdelay $0x1  }
0x17: {  	s20 =	simm.s32 $_scs_section_size  }
0x18: {  	s5 =	simm.s32 $_size__tile_overlayer_lowered;
	s6 =	simm.s32 $_tile_overlayer_lowered  }
0x19: {  	s23 =	simm.s32 $0x1BFF;
	s22 =	sshll.u32 s6, $0x1;
	s3 =	sadd.s32 s20, s19  }
0x1a: {  	s7 =	simm.s32 $0x0;
	s21 =	sshll.u32 s5, $0x1;
	s5 =	sadd.s32 s22, s3  }
0x1b: {  	[timem:s7], [sflag:s23] =	dma.local [hbm:s5], s21  }
0x1c: {  	_ =	swait.ge [sflag:s23], s21  }
0x1d: {  	s4 =	ssub.s32 $0x0, s21;
	[sflag:s23] =	ssyncset.done $0x0  }
0x1e: {  	[sflag:s23] =	ssyncadd.s32 s4;
	_ =	sdelay $0x1  }
0x1f: {  	s24 =	simm.s32 $0x1B8B  }
0x20: {  	_ =	swait.ge [sflag:s24], $0x1  }
0x21: {  	[sflag:s24] =	ssyncset.done $0x0  }
0x22: {  	s26 =	simm.s32 $0x1B8E;
	s25 =	sld [smem:$0x3FFE];
	[sflag:s24] =	ssyncadd.s32 $0xFFFFFFFF  }
0x23: {  	s27 =	simm.s32 $execute0_lowered;
	[smem:$0x3FD2] =	sst s26  }
0x24: {  	s5 =	sshll.u32 s27, $0x1;
	_ =	strace $0x80000049;
	[dreg:$0x1] =	wrdreg $0xFFFFFFFF  }
0x25: {  	s28 =	simm.s32 $_size_execute0_lowered;
	s3 =	sadd.s32 s3, s5;
	[dreg:$0x0] =	wrdreg $0x0  }
0x26: {  	s5 =	sshll.u32 s28, $0x1;
	[dreg:$0x2] =	wrdreg s3  }
0x27: {  	[dreg:$0x3] =	wrdreg s5  }
0x28: {  	[dreg:$0x4] =	wrdreg $0xC0  }
0x29: {  	_ =	task [dreg:s7], $0x5FFFF  }
0x2a: {  	[dreg:$0x1] =	wrdreg $0xFFFFFFFF  }
0x2b: {  	[dreg:$0x0] =	wrdreg $0x60  }
0x2c: {  	[dreg:$0x2] =	wrdreg s25  }
0x2d: {  	[dreg:$0x3] =	wrdreg s17  }
0x2e: {  	[dreg:$0x4] =	wrdreg $0x9  }
0x2f: {  	_ =	task.clear_ibuf [dreg:s7], $0x5FFFF;
	_ =	strace $0x90000049  }
0x30: {  	s29 =	simm.s32 $0x9;
	_ =	strace $0x8000004B  }
0x31: {  	_ =	swait.ge [sflag:s29], $0x1  }
0x32: {  	[sflag:s29] =	ssyncadd.s32 $0xFFFFFFFF  }
0x33: {  	_ =	strace $0x9000004B  }
0x34: {  	_ =	sfence  }
0x35: {  	s30 =	sld [smem:$0x0];
	_ =	sdelay $0x2  }
0x36: {  	s31 =	sshll.u32 s1, $0xD;
	s1 =	sshrl.u32 s1, $0x2  }
0x37: {  	s3 =	sand.u32 $0x4000, s31;
	s1 =	sadd.s32 s1, s30  }
0x38: {  	s0 =	sor.u32 s3, s0;
	s1 =	sshll.u32 s1, $0x11  }
0x39: {  	s0 =	sor.u32 s1, s0  }
0x3a: {  	s0 =	sadd.s32 $0x8F2B, s0  }
0x3b: {  	[sflag:s0] =	ssyncadd.remote.s32 $0x1  }
0x3c: {  	_ =	sfence.sel $0xFFFF  }
0x3d: {  	[dreg:$0x0] =	wrdreg $0xFFFFFFFF;
	(pc) =	sbr.abs _section_cstart, $3  }
0x3e: {  	[dreg:$0x1] =	wrdreg $0xFFFFFFFF  }
0x3f: {  	_ =	task.clear_ibuf [dreg:s7], $0x2FFFF;
	_ =	strace $0x9FFFFFFF  }
0x40: {  	(tm) =	ssettm $0x7FFFFFFF  }
0x41: {  	_ =	shalt  }
tec
execute0_lowered:
.L_overlay_start_1:
0x0: {  	(tag) =	ssettag $0x1  }
0x1: {  	s0 =	stileid.u32;
	s4 =	rddreg [dreg:$0x0];
	_ =	strace $0x8000004A  }
0x2: {  	s8 =	srdreg.scid;
	s9 =	simm.s32 $0x2;
	s20 =	simm.s32 $0x0  }
0x3: {  	p0 =	por $0x0, $0x0;
	s23 =	simm.s32 $0x0;
	s22 =	simm.s32 $0x0  }
0x4: {  	s21 =	simm.s32 $0x0;
	s11 =	simm.s32 $0x0;
	s1 =	sshll.u32 s0, $0x7  }
0x5: {  	s12 =	simm.s32 $0x0;
	s17 =	simm.s32 $0x0;
	s2 =	sand.u32 $0x80, s1  }
0x6: {  	s14 =	simm.s32 $0x0;
	s8 =	sshll.u32 s8, $0x7;
	s5 =	ssub.s32 $0x100, s2  }
0x7: {  	s19 =	simm.s32 $0x0;
	s8 =	sand.u32 $0x80, s8;
	s6 =	sshrl.u32 s5, $0x7  }
.Ltmp0:
0x8: {  	s5 =	sshrl.u32 s5, $0x8;
	s6 =	sand.u32 $0x1, s6;
	(pc) =	sbr.rel .LBB1_1-.Ltmp0, $4  }
0x9: {  	s4 =	sadd.s32 $0x4D6C00, s4;
	s15 =	smov.u32 s8;
	s7 =	sadd.s32 s5, s6  }
0xa: {  	s18 =	smov.u32 s2;
	s6 =	simm.s32 $0x1;
	s7 =	smul.u32 $0x3C, s7  }
0xb: {  	s5 =	sshrl.u32 s0, $0x1;
	s0 =	simm.s32 $0x0;
	[sflag:s6] =	ssyncpa.u1 $0x0  }
0xc: {  	s16 =	smov.u32 s5;
	[sflag:s9] =	ssyncpa.u1 $0x0;
	s9 =	sor.u32 $0x1, s7  }
.LBB1_4:
0xd: {  	v5 =	vld [tilespmem:s25+$0xFFFFFFD0]  }
0xe: {  	v58 =	vld [tilespmem:s25+$0xFFFFFFE0]  }
0xf: {  	s29 =	sshll.u32 s11, $0x8;
	s30 =	sshll.u32 s14, $0x3;
	s31 =	sshll.u32 s11, $0x7;
	v59 =	vld [tilespmem:s25+$0xFFFFFFF0]  }
0x10: {  	s28 =	sshra.s32 s28, $0x2;
	p1 =	sgt.s32 s12, $0x7;
	s1 =	sshra.s32 s12, $0x1F;
	v60 =	vld [tilespmem:s25+$0x0]  }
0x11: {  	s3 =	sshra.s32 s17, $0x1F;
	v61 =	vld [tilespmem:s25+$0x10];
	s29 =	sand.u32 $0xFFFFF800, s29;
	s30 =	sand.u32 $0xFFFFFC00, s30  }
0x12: {  	p3 =	sgt.s32 s11, $0x110;
	v62 =	vld [tilespmem:s25+$0x20];
	s13 =	sand.u32 $0x300, s31;
	s29 =	sadd.s32 s30, s29  }
0x13: {  	v63 =	vld [tilespmem:s25+$0xFFFFFFC0];
	s25 =	smul.u32 $0x3200, s17;
	s27 =	sadd.s32 s28, s27;
	s29 =	sor.u32 s13, s29  }
0x14: {  	s1 =	sand.u32 s1, s12;
	s28 =	sshrl.u32 s29, $0x8;
	s29 =	smov.u32 s12  }
0x15: {  	s3 =	sand.u32 s3, s17;
	s13 =	smov.u32 s17;
	s29 =	simm.s32 @!p1 $0x7  }
0x16: {  	s30 =	smulhi.u32 $0x147AE15, s28;
	p1 =	sgt.s32 s17, $0x1D;
	s1 =	ssub.s32 s29, s1  }
0x17: {  	s13 =	simm.s32 @!p1 $0x1D;
	p1 =	sgt.s32 s14, $0x80;
	s29 =	sshra.s32 s14, $0x1F  }
0x18: {  	s3 =	ssub.s32 s13, s3;
	s13 =	smov.u32 s14;
	s10 =	sadd.s32 $0xFFFFFFF9, s1  }
0x19: {  	s29 =	sand.u32 s29, s14;
	s1 =	ssub.s32 $0x8, s1;
	s13 =	simm.s32 @!p1 $0x80  }
0x1a: {  	p1 =	sgt.s32 s10, $0x0;
	s10 =	sadd.s32 $0xFFFFFFE3, s3;
	s3 =	ssub.s32 $0x1E, s3  }
0x1b: {  	s13 =	ssub.s32 s13, s29;
	p2 =	sgt.s32 s10, $0x0;
	s10 =	smov.u32 s11  }
0x1c: {  	[tilespmem:s26+$0x2040 ss:$0x81] =	vst.msk $0xffff, v4;
	s1 =	simm.s32 @p1 $0x0;
	s29 =	sadd.s32 $0xFFFFFF80, s13;
	s10 =	simm.s32 @!p3 $0x110  }
0x1d: {  	[tilespmem:s26+$0x2850 ss:$0x81] =	vst.msk $0xffff, v3;
	s13 =	ssub.s32 $0x100, s13;
	p3 =	sgt.s32 s29, $0x7F;
	s29 =	sshra.s32 s11, $0x1F  }
0x1e: {  	[tilespmem:s26+$0x3060 ss:$0x81] =	vst.msk $0xffff, v2;
	s3 =	simm.s32 @p2 $0x0;
	s29 =	sand.u32 s29, s11;
	s13 =	simm.s32 @p3 $0x0  }
0x1f: {  	[tilespmem:s26+$0x0 ss:$0x81] =	vst.msk $0xffff, v1;
	s10 =	ssub.s32 s10, s29;
	s29 =	sshrl.u32 s30, $0x1;
	s3 =	smul.u32 s13, s3  }
0x20: {  	[tilespmem:s27+$0x3870 ss:$0x81] =	vst.msk $0xffff, v0;
	s13 =	sand.u32 $0x78, s14;
	s30 =	sand.u32 $0x80, s31;
	s26 =	smul.u32 $0x190, s29  }
0x21: {  	[tilespmem:s27+$0x810 ss:$0x81] =	vst.msk $0xffff, v5;
	s31 =	sadd.s32 $0xFFFFFEF0, s10;
	s13 =	sor.u32 s13, s30;
	s30 =	smul.u32 $0x5DC00, s12  }
0x22: {  	[tilespmem:s27+$0x1020 ss:$0x81] =	vst.msk $0xffff, v58;
	s1 =	smul.u32 s1, s3;
	p1 =	sgt.s32 s31, $0x7F;
	s3 =	ssub.s32 $0x190, s10  }
0x23: {  	[tilespmem:s27+$0x1830 ss:$0x81] =	vst.msk $0xffff, v59;
	s31 =	rddreg [dreg:$0x1];
	s13 =	sshrl.u32 s13, $0x3;
	s3 =	simm.s32 @p1 $0x0  }
0x24: {  	[tilespmem:s27+$0x2040 ss:$0x81] =	vst.msk $0xffff, v60;
	s26 =	ssub.s32 s28, s26;
	s1 =	smul.u32 s3, s1;
	s3 =	sadd.s32 s31, s25  }
0x25: {  	[tilespmem:s27+$0x2850 ss:$0x81] =	vst.msk $0xffff, v61;
	s28 =	sand.u32 $0x7, s14;
	s29 =	sshll.u32 s26, $0x5;
	s3 =	sadd.s32 s30, s3  }
0x26: {  	[tilespmem:s27+$0x3060 ss:$0x81] =	vst.msk $0xffff, v62;
	s31 =	simm.s32 $0x800;
	s30 =	sshll.u32 s28, $0x12;
	s3 =	sadd.s32 s13, s3  }
0x27: {  	[tilespmem:s27+$0x0 ss:$0x81] =	vst.msk $0xffff, v63;
	s1 =	sand.u32 $0x3FFFFFFF, s1;
	s10 =	sor.u32 $0x400, s30;
	s3 =	sadd.s32 s29, s3  }
0x28: {  	[hbm4b:s3+s10] =	stream.strided.scatter [tilespmem:s24], [sflag:$0x2], s1, s31, s10, $0x20;
	[tilespmem:$0x10100] =	vst v63  }
.LBB1_5:
0x29: {  	p1 =	slt.u32 s19, $0x2;
	s1 =	smov.u32 s23  }
0x2a: {  	s10 =	smov.u32 s22;
	s24 =	sadd.s32 $0x100, s15;
	s25 =	smov.u32 s16  }
0x2b: {  	p0 =	por !p0, !p0;
	p2 =	sgt.s32 @!p1 s23, $0x7;
	s3 =	sshra.s32 @!p1 s23, $0x1F  }
0x2c: {  	s13 =	sshra.s32 @!p1 s22, $0x1F;
	p4 =	sgt.s32 @!p1 s20, $0x110;
	p2 =	por !p2, p1  }
0x2d: {  	s3 =	sand.u32 @!p1 s3, s23;
	s1 =	simm.s32 @p2 $0x7;
	p2 =	sgt.s32 @!p1 s22, $0x1D  }
0x2e: {  	s23 =	smov.u32 s12;
	s1 =	ssub.s32 @!p1 s1, s3;
	p2 =	por !p2, p1  }
0x2f: {  	s3 =	sadd.s32 @!p1 $0xFFFFFFF9, s1;
	s10 =	simm.s32 @p2 $0x1D;
	s1 =	ssub.s32 @!p1 $0x8, s1  }
0x30: {  	p3 =	sgt.s32 @!p1 s3, $0x0;
	s3 =	sand.u32 @!p1 s13, s22;
	s13 =	sshra.s32 @!p1 s21, $0x1F  }
0x31: {  	p2 =	por !p3, p1;
	s3 =	ssub.s32 @!p1 s10, s3;
	p3 =	sgt.s32 @!p1 s21, $0x80  }
0x32: {  	s13 =	sand.u32 @!p1 s13, s21;
	s1 =	simm.s32 @!p2 $0x0;
	s10 =	sadd.s32 @!p1 $0xFFFFFFE3, s3  }
0x33: {  	p3 =	por !p3, p1;
	p2 =	sgt.s32 @!p1 s10, $0x0;
	s10 =	smov.u32 s21  }
0x34: {  	s3 =	ssub.s32 @!p1 $0x1E, s3;
	s21 =	smov.u32 s20;
	s10 =	simm.s32 @p3 $0x80  }
0x35: {  	p2 =	por !p2, p1;
	s10 =	ssub.s32 @!p1 s10, s13;
	s13 =	sshra.s32 @!p1 s20, $0x1F  }
0x36: {  	p3 =	por !p4, p1;
	s13 =	sand.u32 @!p1 s13, s20;
	s20 =	sadd.s32 @!p1 $0xFFFFFF80, s10  }
0x37: {  	s21 =	simm.s32 @p3 $0x110;
	s3 =	simm.s32 @!p2 $0x0;
	p2 =	sgt.s32 @!p1 s20, $0x7F  }
0x38: {  	s10 =	ssub.s32 @!p1 $0x100, s10;
	s13 =	ssub.s32 @!p1 s21, s13;
	p2 =	por !p2, p1  }
0x39: {  	s12 =	smov.u32 s16;
	s20 =	sadd.s32 @!p1 $0xFFFFFEF0, s13;
	s10 =	simm.s32 @!p2 $0x0  }
0x3a: {  	p2 =	sgt.s32 s24, $0x18F;
	s3 =	smul.u32 @!p1 s10, s3;
	s10 =	sadd.s32 $0x8, s16  }
0x3b: {  	s13 =	ssub.s32 @!p1 $0x190, s13;
	p3 =	sgt.s32 @!p1 s20, $0x7F;
	s25 =	smov.u32 @p2 s10  }
0x3c: {  	s1 =	smul.u32 @!p1 s1, s3;
	p4 =	sgt.s32 s25, $0x7;
	s3 =	simm.s32 $0x1  }
0x3d: {  	p3 =	por !p3, p1;
	s24 =	smov.u32 @p2 s8;
	s3 =	simm.s32 @!p4 $0x0  }
0x3e: {  	s13 =	simm.s32 @!p3 $0x0;
	s10 =	sadd.s32 $0x100, s18;
	s3 =	sadd.s32 s3, s0  }
0x3f: {  	s1 =	smul.u32 @!p1 s13, s1;
	s13 =	smov.u32 s18;
	p2 =	sgt.s32 s3, $0x1D  }
0x40: {  	s22 =	smov.u32 s17;
	s17 =	smov.u32 s0;
	s13 =	smov.u32 @p2 s10  }
0x41: {  	s21 =	smov.u32 s14;
	s3 =	simm.s32 @p2 $0x0;
	p2 =	sgt.s32 s13, $0xFF  }
0x42: {  	s14 =	smov.u32 s18;
	s13 =	smov.u32 @p2 s2;
	p2 =	sne.s32 s19, s9  }
.Ltmp1:
0x43: {  	s20 =	smov.u32 s11;
	s11 =	smov.u32 s15;
	(pc) =	sbr.rel @!p2 .LBB1_6-.Ltmp1, $4  }
0x44: {  	s25 =	smov.u32 @p4 s5;
	s1 =	sand.u32 @!p1 $0x3FFFFFFF, s1;
	s10 =	simm.s32 @!p1 $0x2  }
0x45: {  	s15 =	smov.u32 s24;
	s16 =	smov.u32 s25;
	_ =	swait.ge @!p1 [sflag:s10], s1  }
0x46: {  	s1 =	ssub.s32 @!p1 $0x0, s1;
	s0 =	smov.u32 s3;
	[sflag:s10] =	ssyncset.done @!p1 $0x0  }
0x47: {  	s19 =	sadd.s32 $0x1, s19;
	[sflag:s10] =	ssyncadd.s32 @!p1 s1;
	s18 =	smov.u32 s13  }
.LBB1_1:
0x48: {  	p1 =	sge.u32 s19, s7  }
0x49: {  	s31 =	sadd.s32 $0xFFFFFFFF, s19;
	s24 =	sxor.u32 @!p1 $0xFFFFFFFF, s19;
	s25 =	sand.u32 @!p1 $0x78, s15  }
0x4a: {  	s26 =	sshll.u32 @!p1 s16, $0x7;
	s27 =	sshll.u32 @!p1 s15, $0x3;
	s28 =	smul.u32 @!p1 $0x3C00, s18  }
0x4b: {  	s29 =	sshll.u32 @!p1 s0, $0x9;
	s24 =	sshll.u32 @!p1 s24, $0xE;
	s26 =	sand.u32 @!p1 $0x380, s26  }
0x4c: {  	s27 =	sand.u32 @!p1 $0xC00, s27;
	s24 =	sand.u32 @!p1 $0x4000, s24;
	s25 =	sor.u32 @!p1 s25, s26  }
0x4d: {  	s26 =	sadd.s32 @!p1 s4, s28;
	s25 =	sor.u32 @!p1 s27, s25;
	s27 =	sand.u32 @!p1 $0x7, s15  }
0x4e: {  	s26 =	sadd.s32 @!p1 s29, s26;
	s25 =	sshrl.u32 @!p1 s25, $0x3;
	s27 =	sshll.u32 @!p1 s27, $0x12  }
0x4f: {  	s25 =	sadd.s32 @!p1 s25, s26;
	s26 =	sor.u32 @!p1 $0x80, s27;
	s27 =	simm.s32 @!p1 $0x1E000  }
0x50: {  	[tilespmem:s24], [sflag:$0x1] =	stream.strided.gather @!p1 [hbm4b:s25+s26], $0x4000, s27, s26, $0x38;
	[tilespmem:$0x10100] =	vst v63  }
0x51: {  	p1 =	sge.u32 s31, s7  }
.Ltmp2:
0x52: {  	_ = 	snop;
	(pc) =	sbr.rel @p1 .LBB1_5-.Ltmp2, $1  }
0x53: {  	_ =	sdelay $0x3  }
0x54: {  	s24 =	simm.s32 $0x1  }
0x55: {  	_ =	swait.ge [sflag:s6], $0x4000;
	s24 =	simm.s32 @!p0 $0x0  }
0x56: {  	[sflag:s6] =	ssyncset.done $0x0;
	s25 =	sshll.u32 s24, $0xE  }
0x57: {  	[sflag:s6] =	ssyncadd.s32 $0xFFFFC000;
	s25 =	sor.u32 $0x40, s25  }
0x58: {  	s24 =	smul.u32 $0x10200, s24;
	v0 =	vld [tilespmem:s25+$0x30]  }
0x59: {  	v1 =	vld [tilespmem:s25+$0xFFFFFFD0]  }
0x5a: {  	s24 =	sshrl.u32 s24, $0x2;
	v5 =	vld [tilespmem:s25+$0xFFFFFFE0]  }
0x5b: {  	v6 =	vld [tilespmem:s25+$0xFFFFFFF0];
	s27 =	sor.u32 $0x8000, s24  }
0x5c: {  	s31 =	sand.u32 $0x1, s19;
	v4 =	vld [tilespmem:s25+$0x0];
	s26 =	sadd.s32 $0x0, s27  }
0x5d: {  	v3 =	vld [tilespmem:s25+$0x10];
	s24 =	smul.u32 $0x10200, s31;
	[tilespmem:s26+$0x3870 ss:$0x81] =	vst.msk $0xffff, v0  }
0x5e: {  	v2 =	vld [tilespmem:s25+$0x20];
	[tilespmem:s26+$0x810 ss:$0x81] =	vst.msk $0xffff, v1  }
0x5f: {  	s24 =	sshrl.u32 s24, $0x2;
	v1 =	vld [tilespmem:s25+$0xFFFFFFC0];
	[tilespmem:s26+$0x1020 ss:$0x81] =	vst.msk $0xffff, v5;
	s25 =	sadd.s32 $0x80, s25  }
0x60: {  	s28 =	simm.s32 $0x4;
	s29 =	simm.s32 $0x8;
	s24 =	sor.u32 $0x8000, s24;
	[tilespmem:s26+$0x1830 ss:$0x81] =	vst.msk $0xffff, v6;
	v0 =	vld [tilespmem:s25+$0x30]  }
.LBB1_3:
0x61: {  	p1 =	sne.s32 s29, $0x1FC;
	v5 =	vld [tilespmem:s25+$0xFFFFFFD0];
	[tilespmem:s26+$0x2040 ss:$0x81] =	vst.msk $0xffff, v4  }
0x62: {  	v6 =	vld [tilespmem:s25+$0xFFFFFFE0];
	[tilespmem:s26+$0x2850 ss:$0x81] =	vst.msk $0xffff, v3  }
0x63: {  	s30 =	sshra.s32 s28, $0x2;
	s28 =	smov.u32 s29;
	v7 =	vld [tilespmem:s25+$0xFFFFFFF0];
	[tilespmem:s26+$0x3060 ss:$0x81] =	vst.msk $0xffff, v2  }
.Ltmp3:
0x64: {  	v4 =	vld [tilespmem:s25+$0x0];
	[tilespmem:s26+$0x0 ss:$0x81] =	vst.msk $0xffff, v1;
	s26 =	sadd.s32 s30, s27;
	(pc) =	sbr.rel @p1 .LBB1_3-.Ltmp3, $4  }
0x65: {  	v3 =	vld [tilespmem:s25+$0x10];
	[tilespmem:s26+$0x3870 ss:$0x81] =	vst.msk $0xffff, v0  }
0x66: {  	[tilespmem:s26+$0x810 ss:$0x81] =	vst.msk $0xffff, v5;
	v2 =	vld [tilespmem:s25+$0x20]  }
0x67: {  	v1 =	vld [tilespmem:s25+$0xFFFFFFC0];
	[tilespmem:s26+$0x1020 ss:$0x81] =	vst.msk $0xffff, v6;
	s25 =	sadd.s32 $0x80, s25  }
0x68: {  	s29 =	sadd.s32 $0x4, s29;
	v0 =	vld [tilespmem:s25+$0x30];
	[tilespmem:s26+$0x1830 ss:$0x81] =	vst.msk $0xffff, v7  }
.Ltmp4:
0x69: {  	_ = 	snop;
	(pc) =	sbr.rel .LBB1_4-.Ltmp4, $1  }
0x6a: {  	_ =	sdelay $0x3  }
.LBB1_6:
0x6b: {  	_ =	sfence.sel $0x180000  }
0x6c: {  	s0 =	simm.s32 $0x1;
	[bflag:$0x0] =	sbarrier.arrive $0xFFFF  }
0x6d: {  	s30 =	simm.s32 $0x2;
	[sflag:s0] =	ssyncpa.u1 $0x1  }
0x6e: {  	[sflag:s30] =	ssyncpa.u1 $0x1  }
0x6f: {  	_ =	strace $0x9000004A  }
0x70: {  	s31 =	stileid.u32;
	[bflag:$0x2] =	sbarrier.arrive $0xFFFF  }
0x71: {  	p0 =	sne.s32 s31, $0x0;
	s0 =	rddreg [dreg:$0x2]  }
0x72: {  	s0 =	sadd.s32 @!p0 $0x100000, s0  }
0x73: {  	[sflag:s0] =	ssyncadd.tile.s32 @!p0 $0x1;
	_ =	shalt  }
.Lfunc_end1:
_tile_overlayer_lowered:
.L_overlay_start_2:
0x74: {  	(tag) =	ssettag $0x2  }
0x75: {  	s0 =	rddreg [dreg:$0x0];
	s2 =	stileid.u32  }
0x76: {  	s1 =	rddreg [dreg:$0x1];
	p0 =	sne.s32 s2, $0x0  }
0x77: {  	s3 =	rddreg [dreg:$0x2];
	[bflag:$0x3] =	sbarrier.arrive $0xFFFF;
	s2 =	simm.s32 @!p0 $0x1C01  }
0x78: {  	[timem:s3], [sflag:s2] =	dma.local @!p0 [hbm:s0], s1  }
0x79: {  	s0 =	simm.s32 @!p0 $0x1  }
0x7a: {  	_ =	swait.ge @!p0 [sflag:s0], s1  }
0x7b: {  	s1 =	ssub.s32 @!p0 $0x0, s1;
	[sflag:s0] =	ssyncset.done @!p0 $0x0  }
0x7c: {  	[sflag:s0] =	ssyncadd.s32 @!p0 s1  }
0x7d: {  	[bflag:$0x3] =	sbarrier.arrive $0xFFFF  }
0x7e: {  	_ =	shalt  }

</sc_bundles>
